<compile_context>
chip_gen: v7x
topology: tpu7x:2x2x1
jax: 0.10.2.dev20260603
libtpu: 0.0.44.dev20260713+nightly
codegen_flags: <defaults>
</compile_context>

<pallas_src>
import functools

import jax
import jax.numpy as jnp
from jax import lax
from jax.experimental import pallas as pl
from jax.experimental.pallas import tpu as pltpu
from jax.experimental.pallas import tpu_sc as plsc

_B = 16384
_D = 32

_info = plsc.get_sparse_core_info()
_NC = _info.num_cores
_NS = _info.num_subcores
_NW = _NC * _NS
_BPW = _B // _NW

_mesh = plsc.VectorSubcoreMesh(core_axis_name="c", subcore_axis_name="s")


@functools.partial(
    pl.kernel,
    mesh=_mesh,
    out_type=jax.ShapeDtypeStruct((_B, 2 * _D), jnp.float32),
    compiler_params=pltpu.CompilerParams(
        skip_device_barrier=True,
        disable_bounds_checks=True,
    ),
    scratch_types=[
        pltpu.VMEM((_BPW,), jnp.int32),
        pltpu.VMEM((_BPW,), jnp.int32),
        pltpu.VMEM((_BPW, 2 * _D), jnp.float32),
        pltpu.VMEM((2048,), jnp.int32),
        pltpu.SemaphoreType.DMA,
        pltpu.SemaphoreType.DMA,
        pltpu.SemaphoreType.DMA,
    ],
)
def _lookup_concat(uids_hbm, tids_hbm, utab_hbm, ttab_hbm, out_hbm,
                   uidx_v, tidx_v, rows_v, dummy_v, sem_ids, sem_rows,
                   sem_out):
    wid = lax.axis_index("s") * _NC + lax.axis_index("c")
    base = wid * _BPW
    cpu = pltpu.make_async_copy(uids_hbm.at[pl.ds(base, _BPW)], uidx_v, sem_ids)
    cpt = pltpu.make_async_copy(tids_hbm.at[pl.ds(base, _BPW)], tidx_v, sem_ids)
    cpu.start()
    cpt.start()
    cpu.wait()
    cpt.wait()

    num_groups = _BPW // 32
    lag = 4

    def drain_group(g):
        pltpu.make_async_copy(
            uids_hbm.at[pl.ds(0, 2048)], dummy_v, sem_rows).wait()
        pltpu.make_async_copy(
            rows_v.at[pl.ds(g * 32, 32)],
            out_hbm.at[pl.ds(base + g * 32, 32)], sem_out).start()

    def body(g, carry):
        for h in range(2):
            u16 = uidx_v[pl.ds(g * 32 + h * 16, 16)]
            t16 = tidx_v[pl.ds(g * 32 + h * 16, 16)]
            for j in range(16):
                i = g * 32 + h * 16 + j
                pltpu.make_async_copy(
                    utab_hbm.at[u16[j]], rows_v.at[i, pl.ds(0, _D)],
                    sem_rows).start()
                pltpu.make_async_copy(
                    ttab_hbm.at[t16[j]], rows_v.at[i, pl.ds(_D, _D)],
                    sem_rows).start()

        @pl.when(g >= lag)
        def _():
            drain_group(g - lag)

        return carry

    lax.fori_loop(0, num_groups, body, 0)
    for g0 in range(lag):
        drain_group(num_groups - lag + g0)
    for g in range(num_groups):
        pltpu.make_async_copy(
            rows_v.at[pl.ds(g * 32, 32)],
            out_hbm.at[pl.ds(base + g * 32, 32)], sem_out).wait()


def kernel(user_ids, tag_ids, user_table, tag_table):
    return _lookup_concat(user_ids, tag_ids, user_table, tag_table)

# --- scband reference (transcript-rebuilt; emitter-appended) ---
"""Pipeline reference for scband-user-model-16724602650667 (READ-ONLY COPY).

The authoritative reference and input builder live on the scoring server;
editing this copy changes nothing except your own understanding.
"""

import jax, jax.numpy as jnp
import numpy as np

NUM_USERS = 100000
NUM_TAGS = 1000
EMBED = 32
BATCH = 16384

def setup_inputs(seed: int = 0) -> dict:
    key = jax.random.key(seed)
    k1, k2, k3, k4 = jax.random.split(key, 4)
    user_ids = jax.random.randint(k1, (BATCH,), 0, NUM_USERS + 1, dtype=jnp.int64 if jax.config.jax_enable_x64 else jnp.int32).astype(jnp.int32)
    tag_ids = jax.random.randint(k2, (BATCH,), 0, NUM_TAGS + 1, dtype=jnp.int32)
    # Embedding tables: StringLookup adds 1 OOV slot -> vocab+1 rows
    user_table = jax.random.normal(k3, (NUM_USERS + 1, EMBED), dtype=jnp.float32) * 0.05
    tag_table = jax.random.normal(k4, (NUM_TAGS + 1, EMBED), dtype=jnp.float32) * 0.05
    return {"user_ids": user_ids, "tag_ids": tag_ids, "user_table": user_table, "tag_table": tag_table}

def reference(user_ids, tag_ids, user_table, tag_table):
    # Faithful translation of UserModel.call with dict inputs:
    # StringLookup is precomputed into integer ids; Embedding -> row gather.
    user_embedding = jnp.take(user_table, user_ids, axis=0)
    tag_embedding = jnp.take(tag_table, tag_ids, axis=0)
    return jnp.concatenate([user_embedding, tag_embedding], axis=1)

if __name__ == "__main__":
    import jax
    _d = setup_inputs()
    print(jax.jit(kernel)(*tuple(_d.values())))

</pallas_src>

<mosaic_0001>
#map = affine_map<(d0, d1) -> (0)>
#map1 = affine_map<(d0, d1) -> (0, 0)>
module attributes {stable_mosaic.version = 14 : i64} {
  func.func @_lookup_concat(%arg0: i32, %arg1: i32, %arg2: memref<16384xi32, #tpu.memory_space<hbm>>, %arg3: memref<16384xi32, #tpu.memory_space<hbm>>, %arg4: memref<100001x32xf32, #tpu.memory_space<hbm>>, %arg5: memref<1001x32xf32, #tpu.memory_space<hbm>>, %arg6: memref<16384x64xf32, #tpu.memory_space<hbm>>, %arg7: memref<512xi32, #tpu.memory_space<vmem>>, %arg8: memref<512xi32, #tpu.memory_space<vmem>>, %arg9: memref<512x64xf32, #tpu.memory_space<vmem>>, %arg10: memref<2048xi32, #tpu.memory_space<vmem>>, %arg11: memref<!tpu.dma_semaphore, #tpu.memory_space<semaphore_mem>>, %arg12: memref<!tpu.dma_semaphore, #tpu.memory_space<semaphore_mem>>, %arg13: memref<!tpu.dma_semaphore, #tpu.memory_space<semaphore_mem>>) attributes {dimension_semantics = [#tpu.dimension_semantics<core_parallel>, #tpu.dimension_semantics<subcore_parallel>], iteration_bounds = array<i64: 2, 16>, scalar_prefetch = 0 : i64, scratch_operands = 7 : i64, tpu.core_type = #tpu.core_type<sc_vector_subcore>, window_params = [{transform_indices = #map}, {transform_indices = #map}, {transform_indices = #map1}, {transform_indices = #map1}, {transform_indices = #map1}]} {
    %mul3A = arith.constant 2 : i32
    %mul3A_0 = arith.muli %arg1, %mul3A : i32
    %add3A = arith.addi %mul3A_0, %arg0 : i32
    %mul3A_1 = arith.constant 512 : i32
    %mul3A_2 = arith.muli %add3A, %mul3A_1 : i32
    %dma_start3A = tpu.memref_slice %arg2[%mul3A_2] : memref<16384xi32, #tpu.memory_space<hbm>> -> memref<512xi32, #tpu.memory_space<hbm>>
    %dma_start3A_3 = tpu.memref_slice %arg2[%mul3A_2] : memref<16384xi32, #tpu.memory_space<hbm>> -> memref<512xi32, #tpu.memory_space<hbm>>
    tpu.enqueue_dma source(%dma_start3A_3 : memref<512xi32, #tpu.memory_space<hbm>>) target(%arg7 : memref<512xi32, #tpu.memory_space<vmem>>) target_semaphore(%arg11 : memref<!tpu.dma_semaphore, #tpu.memory_space<semaphore_mem>>)
    %dma_start3A_4 = tpu.memref_slice %arg3[%mul3A_2] : memref<16384xi32, #tpu.memory_space<hbm>> -> memref<512xi32, #tpu.memory_space<hbm>>
    %dma_start3A_5 = tpu.memref_slice %arg3[%mul3A_2] : memref<16384xi32, #tpu.memory_space<hbm>> -> memref<512xi32, #tpu.memory_space<hbm>>
    tpu.enqueue_dma source(%dma_start3A_5 : memref<512xi32, #tpu.memory_space<hbm>>) target(%arg8 : memref<512xi32, #tpu.memory_space<vmem>>) target_semaphore(%arg11 : memref<!tpu.dma_semaphore, #tpu.memory_space<semaphore_mem>>)
    %dma_wait3A = tpu.memref_slice %arg2[%mul3A_2] : memref<16384xi32, #tpu.memory_space<hbm>> -> memref<512xi32, #tpu.memory_space<hbm>>
    %dma_wait3A_6 = tpu.memref_slice %arg2[%mul3A_2] : memref<16384xi32, #tpu.memory_space<hbm>> -> memref<512xi32, #tpu.memory_space<hbm>>
    tpu.wait_dma2 semaphore(%arg11 : memref<!tpu.dma_semaphore, #tpu.memory_space<semaphore_mem>>) src(%dma_wait3A_6 : memref<512xi32, #tpu.memory_space<hbm>>) dst(%arg7 : memref<512xi32, #tpu.memory_space<vmem>>)
    %dma_wait3A_7 = tpu.memref_slice %arg3[%mul3A_2] : memref<16384xi32, #tpu.memory_space<hbm>> -> memref<512xi32, #tpu.memory_space<hbm>>
    %dma_wait3A_8 = tpu.memref_slice %arg3[%mul3A_2] : memref<16384xi32, #tpu.memory_space<hbm>> -> memref<512xi32, #tpu.memory_space<hbm>>
    tpu.wait_dma2 semaphore(%arg11 : memref<!tpu.dma_semaphore, #tpu.memory_space<semaphore_mem>>) src(%dma_wait3A_8 : memref<512xi32, #tpu.memory_space<hbm>>) dst(%arg8 : memref<512xi32, #tpu.memory_space<vmem>>)
    %scan3A = arith.constant 0 : i32
    %scan3A_9 = arith.constant 0 : i32
    %scan3A_10 = arith.constant 16 : i32
    %scan3A_11 = arith.addi %scan3A_9, %scan3A_10 : i32
    %scan3A_12 = arith.constant 1 : i32
    scf.for %scan3A_270 = %scan3A_9 to %scan3A_11 step %scan3A_12  : i32 {
      %mul3A_271 = arith.constant 32 : i32
      %mul3A_272 = arith.muli %scan3A_270, %mul3A_271 : i32
      %add3A_273 = arith.constant 0 : i32
      %add3A_274 = arith.addi %mul3A_272, %add3A_273 : i32
      %get3A = arith.index_cast %add3A_274 : i32 to index
      %get3A_275 = tpu.vector_load %arg7[%get3A] {strides = array<i32>} : memref<512xi32, #tpu.memory_space<vmem>>, vector<16xi32>,
      %get3A_276 = vector.shape_cast %get3A_275 : vector<16xi32> to vector<16xi32>
      %mul3A_277 = arith.constant 32 : i32
      %mul3A_278 = arith.muli %scan3A_270, %mul3A_277 : i32
      %add3A_279 = arith.constant 0 : i32
      %add3A_280 = arith.addi %mul3A_278, %add3A_279 : i32
      %get3A_281 = arith.index_cast %add3A_280 : i32 to index
      %get3A_282 = tpu.vector_load %arg8[%get3A_281] {strides = array<i32>} : memref<512xi32, #tpu.memory_space<vmem>>, vector<16xi32>,
      %get3A_283 = vector.shape_cast %get3A_282 : vector<16xi32> to vector<16xi32>
      %mul3A_284 = arith.constant 32 : i32
      %mul3A_285 = arith.muli %scan3A_270, %mul3A_284 : i32
      %add3A_286 = arith.constant 0 : i32
      %add3A_287 = arith.addi %mul3A_285, %add3A_286 : i32
      %add3A_288 = arith.constant 0 : i32
      %add3A_289 = arith.addi %add3A_287, %add3A_288 : i32
      %slice3A = vector.extract_strided_slice %get3A_276 {offsets = [0], sizes = [1], strides = [1]} : vector<16xi32> to vector<1xi32>
      %squeeze3A = vector.extract %slice3A[0] : i32 from vector<1xi32>
      %dma_start3A_290 = arith.constant 0 : i32
      %dma_start3A_291 = tpu.memref_slice %arg9[%add3A_289, %dma_start3A_290] : memref<512x64xf32, #tpu.memory_space<vmem>> -> memref<1x32xf32, #tpu.memory_space<vmem>>
      %dma_start3A_292 = tpu.memref_squeeze %dma_start3A_291 : memref<1x32xf32, #tpu.memory_space<vmem>> -> memref<32xf32, #tpu.memory_space<vmem>>
      %dma_start3A_293 = arith.constant 0 : i32
      %dma_start3A_294 = tpu.memref_slice %arg4[%squeeze3A, %dma_start3A_293] : memref<100001x32xf32, #tpu.memory_space<hbm>> -> memref<1x32xf32, #tpu.memory_space<hbm>>
      %dma_start3A_295 = tpu.memref_squeeze %dma_start3A_294 : memref<1x32xf32, #tpu.memory_space<hbm>> -> memref<32xf32, #tpu.memory_space<hbm>>
      %dma_start3A_296 = arith.constant 0 : i32
      %dma_start3A_297 = tpu.memref_slice %arg9[%add3A_289, %dma_start3A_296] : memref<512x64xf32, #tpu.memory_space<vmem>> -> memref<1x32xf32, #tpu.memory_space<vmem>>
      %dma_start3A_298 = tpu.memref_squeeze %dma_start3A_297 : memref<1x32xf32, #tpu.memory_space<vmem>> -> memref<32xf32, #tpu.memory_space<vmem>>
      %dma_start3A_299 = arith.constant 0 : i32
      %dma_start3A_300 = tpu.memref_slice %arg4[%squeeze3A, %dma_start3A_299] : memref<100001x32xf32, #tpu.memory_space<hbm>> -> memref<1x32xf32, #tpu.memory_space<hbm>>
      %dma_start3A_301 = tpu.memref_squeeze %dma_start3A_300 : memref<1x32xf32, #tpu.memory_space<hbm>> -> memref<32xf32, #tpu.memory_space<hbm>>
      tpu.enqueue_dma source(%dma_start3A_301 : memref<32xf32, #tpu.memory_space<hbm>>) target(%dma_start3A_298 : memref<32xf32, #tpu.memory_space<vmem>>) target_semaphore(%arg12 : memref<!tpu.dma_semaphore, #tpu.memory_space<semaphore_mem>>)
      %slice3A_302 = vector.extract_strided_slice %get3A_283 {offsets = [0], sizes = [1], strides = [1]} : vector<16xi32> to vector<1xi32>
      %squeeze3A_303 = vector.extract %slice3A_302[0] : i32 from vector<1xi32>
      %dma_start3A_304 = arith.constant 32 : i32
      %dma_start3A_305 = tpu.memref_slice %arg9[%add3A_289, %dma_start3A_304] : memref<512x64xf32, #tpu.memory_space<vmem>> -> memref<1x32xf32, #tpu.memory_space<vmem>>
      %dma_start3A_306 = tpu.memref_squeeze %dma_start3A_305 : memref<1x32xf32, #tpu.memory_space<vmem>> -> memref<32xf32, #tpu.memory_space<vmem>>
      %dma_start3A_307 = arith.constant 0 : i32
      %dma_start3A_308 = tpu.memref_slice %arg5[%squeeze3A_303, %dma_start3A_307] : memref<1001x32xf32, #tpu.memory_space<hbm>> -> memref<1x32xf32, #tpu.memory_space<hbm>>
      %dma_start3A_309 = tpu.memref_squeeze %dma_start3A_308 : memref<1x32xf32, #tpu.memory_space<hbm>> -> memref<32xf32, #tpu.memory_space<hbm>>
      %dma_start3A_310 = arith.constant 32 : i32
      %dma_start3A_311 = tpu.memref_slice %arg9[%add3A_289, %dma_start3A_310] : memref<512x64xf32, #tpu.memory_space<vmem>> -> memref<1x32xf32, #tpu.memory_space<vmem>>
      %dma_start3A_312 = tpu.memref_squeeze %dma_start3A_311 : memref<1x32xf32, #tpu.memory_space<vmem>> -> memref<32xf32, #tpu.memory_space<vmem>>
      %dma_start3A_313 = arith.constant 0 : i32
      %dma_start3A_314 = tpu.memref_slice %arg5[%squeeze3A_303, %dma_start3A_313] : memref<1001x32xf32, #tpu.memory_space<hbm>> -> memref<1x32xf32, #tpu.memory_space<hbm>>
      %dma_start3A_315 = tpu.memref_squeeze %dma_start3A_314 : memref<1x32xf32, #tpu.memory_space<hbm>> -> memref<32xf32, #tpu.memory_space<hbm>>
      tpu.enqueue_dma source(%dma_start3A_315 : memref<32xf32, #tpu.memory_space<hbm>>) target(%dma_start3A_312 : memref<32xf32, #tpu.memory_space<vmem>>) target_semaphore(%arg12 : memref<!tpu.dma_semaphore, #tpu.memory_space<semaphore_mem>>)
      %mul3A_316 = arith.constant 32 : i32
      %mul3A_317 = arith.muli %scan3A_270, %mul3A_316 : i32
      %add3A_318 = arith.constant 0 : i32
      %add3A_319 = arith.addi %mul3A_317, %add3A_318 : i32
      %add3A_320 = arith.constant 1 : i32
      %add3A_321 = arith.addi %add3A_319, %add3A_320 : i32
      %slice3A_322 = vector.extract_strided_slice %get3A_276 {offsets = [1], sizes = [1], strides = [1]} : vector<16xi32> to vector<1xi32>
      %squeeze3A_323 = vector.extract %slice3A_322[0] : i32 from vector<1xi32>
      %dma_start3A_324 = arith.constant 0 : i32
      %dma_start3A_325 = tpu.memref_slice %arg9[%add3A_321, %dma_start3A_324] : memref<512x64xf32, #tpu.memory_space<vmem>> -> memref<1x32xf32, #tpu.memory_space<vmem>>
      %dma_start3A_326 = tpu.memref_squeeze %dma_start3A_325 : memref<1x32xf32, #tpu.memory_space<vmem>> -> memref<32xf32, #tpu.memory_space<vmem>>
      %dma_start3A_327 = arith.constant 0 : i32
      %dma_start3A_328 = tpu.memref_slice %arg4[%squeeze3A_323, %dma_start3A_327] : memref<100001x32xf32, #tpu.memory_space<hbm>> -> memref<1x32xf32, #tpu.memory_space<hbm>>
      %dma_start3A_329 = tpu.memref_squeeze %dma_start3A_328 : memref<1x32xf32, #tpu.memory_space<hbm>> -> memref<32xf32, #tpu.memory_space<hbm>>
      %dma_start3A_330 = arith.constant 0 : i32
      %dma_start3A_331 = tpu.memref_slice %arg9[%add3A_321, %dma_start3A_330] : memref<512x64xf32, #tpu.memory_space<vmem>> -> memref<1x32xf32, #tpu.memory_space<vmem>>
      %dma_start3A_332 = tpu.memref_squeeze %dma_start3A_331 : memref<1x32xf32, #tpu.memory_space<vmem>> -> memref<32xf32, #tpu.memory_space<vmem>>
      %dma_start3A_333 = arith.constant 0 : i32
      %dma_start3A_334 = tpu.memref_slice %arg4[%squeeze3A_323, %dma_start3A_333] : memref<100001x32xf32, #tpu.memory_space<hbm>> -> memref<1x32xf32, #tpu.memory_space<hbm>>
      %dma_start3A_335 = tpu.memref_squeeze %dma_start3A_334 : memref<1x32xf32, #tpu.memory_space<hbm>> -> memref<32xf32, #tpu.memory_space<hbm>>
      tpu.enqueue_dma source(%dma_start3A_335 : memref<32xf32, #tpu.memory_space<hbm>>) target(%dma_start3A_332 : memref<32xf32, #tpu.memory_space<vmem>>) target_semaphore(%arg12 : memref<!tpu.dma_semaphore, #tpu.memory_space<semaphore_mem>>)
      %slice3A_336 = vector.extract_strided_slice %get3A_283 {offsets = [1], sizes = [1], strides = [1]} : vector<16xi32> to vector<1xi32>
      %squeeze3A_337 = vector.extract %slice3A_336[0] : i32 from vector<1xi32>
      %dma_start3A_338 = arith.constant 32 : i32
      %dma_start3A_339 = tpu.memref_slice %arg9[%add3A_321, %dma_start3A_338] : memref<512x64xf32, #tpu.memory_space<vmem>> -> memref<1x32xf32, #tpu.memory_space<vmem>>
      %dma_start3A_340 = tpu.memref_squeeze %dma_start3A_339 : memref<1x32xf32, #tpu.memory_space<vmem>> -> memref<32xf32, #tpu.memory_space<vmem>>
      %dma_start3A_341 = arith.constant 0 : i32
      %dma_start3A_342 = tpu.memref_slice %arg5[%squeeze3A_337, %dma_start3A_341] : memref<1001x32xf32, #tpu.memory_space<hbm>> -> memref<1x32xf32, #tpu.memory_space<hbm>>
      %dma_start3A_343 = tpu.memref_squeeze %dma_start3A_342 : memref<1x32xf32, #tpu.memory_space<hbm>> -> memref<32xf32, #tpu.memory_space<hbm>>
      %dma_start3A_344 = arith.constant 32 : i32
      %dma_start3A_345 = tpu.memref_slice %arg9[%add3A_321, %dma_start3A_344] : memref<512x64xf32, #tpu.memory_space<vmem>> -> memref<1x32xf32, #tpu.memory_space<vmem>>
      %dma_start3A_346 = tpu.memref_squeeze %dma_start3A_345 : memref<1x32xf32, #tpu.memory_space<vmem>> -> memref<32xf32, #tpu.memory_space<vmem>>
      %dma_start3A_347 = arith.constant 0 : i32
      %dma_start3A_348 = tpu.memref_slice %arg5[%squeeze3A_337, %dma_start3A_347] : memref<1001x32xf32, #tpu.memory_space<hbm>> -> memref<1x32xf32, #tpu.memory_space<hbm>>
      %dma_start3A_349 = tpu.memref_squeeze %dma_start3A_348 : memref<1x32xf32, #tpu.memory_space<hbm>> -> memref<32xf32, #tpu.memory_space<hbm>>
      tpu.enqueue_dma source(%dma_start3A_349 : memref<32xf32, #tpu.memory_space<hbm>>) target(%dma_start3A_346 : memref<32xf32, #tpu.memory_space<vmem>>) target_semaphore(%arg12 : memref<!tpu.dma_semaphore, #tpu.memory_space<semaphore_mem>>)
      %mul3A_350 = arith.constant 32 : i32
      %mul3A_351 = arith.muli %scan3A_270, %mul3A_350 : i32
      %add3A_352 = arith.constant 0 : i32
      %add3A_353 = arith.addi %mul3A_351, %add3A_352 : i32
      %add3A_354 = arith.constant 2 : i32
      %add3A_355 = arith.addi %add3A_353, %add3A_354 : i32
      %slice3A_356 = vector.extract_strided_slice %get3A_276 {offsets = [2], sizes = [1], strides = [1]} : vector<16xi32> to vector<1xi32>
      %squeeze3A_357 = vector.extract %slice3A_356[0] : i32 from vector<1xi32>
      %dma_start3A_358 = arith.constant 0 : i32
      %dma_start3A_359 = tpu.memref_slice %arg9[%add3A_355, %dma_start3A_358] : memref<512x64xf32, #tpu.memory_space<vmem>> -> memref<1x32xf32, #tpu.memory_space<vmem>>
      %dma_start3A_360 = tpu.memref_squeeze %dma_start3A_359 : memref<1x32xf32, #tpu.memory_space<vmem>> -> memref<32xf32, #tpu.memory_space<vmem>>
      %dma_start3A_361 = arith.constant 0 : i32
      %dma_start3A_362 = tpu.memref_slice %arg4[%squeeze3A_357, %dma_start3A_361] : memref<100001x32xf32, #tpu.memory_space<hbm>> -> memref<1x32xf32, #tpu.memory_space<hbm>>
      %dma_start3A_363 = tpu.memref_squeeze %dma_start3A_362 : memref<1x32xf32, #tpu.memory_space<hbm>> -> memref<32xf32, #tpu.memory_space<hbm>>
      %dma_start3A_364 = arith.constant 0 : i32
      %dma_start3A_365 = tpu.memref_slice %arg9[%add3A_355, %dma_start3A_364] : memref<512x64xf32, #tpu.memory_space<vmem>> -> memref<1x32xf32, #tpu.memory_space<vmem>>
      %dma_start3A_366 = tpu.memref_squeeze %dma_start3A_365 : memref<1x32xf32, #tpu.memory_space<vmem>> -> memref<32xf32, #tpu.memory_space<vmem>>
      %dma_start3A_367 = arith.constant 0 : i32
      %dma_start3A_368 = tpu.memref_slice %arg4[%squeeze3A_357, %dma_start3A_367] : memref<100001x32xf32, #tpu.memory_space<hbm>> -> memref<1x32xf32, #tpu.memory_space<hbm>>
      %dma_start3A_369 = tpu.memref_squeeze %dma_start3A_368 : memref<1x32xf32, #tpu.memory_space<hbm>> -> memref<32xf32, #tpu.memory_space<hbm>>
      tpu.enqueue_dma source(%dma_start3A_369 : memref<32xf32, #tpu.memory_space<hbm>>) target(%dma_start3A_366 : memref<32xf32, #tpu.memory_space<vmem>>) target_semaphore(%arg12 : memref<!tpu.dma_semaphore, #tpu.memory_space<semaphore_mem>>)
      %slice3A_370 = vector.extract_strided_slice %get3A_283 {offsets = [2], sizes = [1], strides = [1]} : vector<16xi32> to vector<1xi32>
      %squeeze3A_371 = vector.extract %slice3A_370[0] : i32 from vector<1xi32>
      %dma_start3A_372 = arith.constant 32 : i32
      %dma_start3A_373 = tpu.memref_slice %arg9[%add3A_355, %dma_start3A_372] : memref<512x64xf32, #tpu.memory_space<vmem>> -> memref<1x32xf32, #tpu.memory_space<vmem>>
      %dma_start3A_374 = tpu.memref_squeeze %dma_start3A_373 : memref<1x32xf32, #tpu.memory_space<vmem>> -> memref<32xf32, #tpu.memory_space<vmem>>
      %dma_start3A_375 = arith.constant 0 : i32
      %dma_start3A_376 = tpu.memref_slice %arg5[%squeeze3A_371, %dma_start3A_375] : memref<1001x32xf32, #tpu.memory_space<hbm>> -> memref<1x32xf32, #tpu.memory_space<hbm>>
      %dma_start3A_377 = tpu.memref_squeeze %dma_start3A_376 : memref<1x32xf32, #tpu.memory_space<hbm>> -> memref<32xf32, #tpu.memory_space<hbm>>
      %dma_start3A_378 = arith.constant 32 : i32
      %dma_start3A_379 = tpu.memref_slice %arg9[%add3A_355, %dma_start3A_378] : memref<512x64xf32, #tpu.memory_space<vmem>> -> memref<1x32xf32, #tpu.memory_space<vmem>>
      %dma_start3A_380 = tpu.memref_squeeze %dma_start3A_379 : memref<1x32xf32, #tpu.memory_space<vmem>> -> memref<32xf32, #tpu.memory_space<vmem>>
      %dma_start3A_381 = arith.constant 0 : i32
      %dma_start3A_382 = tpu.memref_slice %arg5[%squeeze3A_371, %dma_start3A_381] : memref<1001x32xf32, #tpu.memory_space<hbm>> -> memref<1x32xf32, #tpu.memory_space<hbm>>
      %dma_start3A_383 = tpu.memref_squeeze %dma_start3A_382 : memref<1x32xf32, #tpu.memory_space<hbm>> -> memref<32xf32, #tpu.memory_space<hbm>>
      tpu.enqueue_dma source(%dma_start3A_383 : memref<32xf32, #tpu.memory_space<hbm>>) target(%dma_start3A_380 : memref<32xf32, #tpu.memory_space<vmem>>) target_semaphore(%arg12 : memref<!tpu.dma_semaphore, #tpu.memory_space<semaphore_mem>>)
      %mul3A_384 = arith.constant 32 : i32
      %mul3A_385 = arith.muli %scan3A_270, %mul3A_384 : i32
      %add3A_386 = arith.constant 0 : i32
      %add3A_387 = arith.addi %mul3A_385, %add3A_386 : i32
      %add3A_388 = arith.constant 3 : i32
      %add3A_389 = arith.addi %add3A_387, %add3A_388 : i32
      %slice3A_390 = vector.extract_strided_slice %get3A_276 {offsets = [3], sizes = [1], strides = [1]} : vector<16xi32> to vector<1xi32>
      %squeeze3A_391 = vector.extract %slice3A_390[0] : i32 from vector<1xi32>
      %dma_start3A_392 = arith.constant 0 : i32
      %dma_start3A_393 = tpu.memref_slice %arg9[%add3A_389, %dma_start3A_392] : memref<512x64xf32, #tpu.memory_space<vmem>> -> memref<1x32xf32, #tpu.memory_space<vmem>>
      %dma_start3A_394 = tpu.memref_squeeze %dma_start3A_393 : memref<1x32xf32, #tpu.memory_space<vmem>> -> memref<32xf32, #tpu.memory_space<vmem>>
      %dma_start3A_395 = arith.constant 0 : i32
      %dma_start3A_396 = tpu.memref_slice %arg4[%squeeze3A_391, %dma_start3A_395] : memref<100001x32xf32, #tpu.memory_space<hbm>> -> memref<1x32xf32, #tpu.memory_space<hbm>>
      %dma_start3A_397 = tpu.memref_squeeze %dma_start3A_396 : memref<1x32xf32, #tpu.memory_space<hbm>> -> memref<32xf32, #tpu.memory_space<hbm>>
      %dma_start3A_398 = arith.constant 0 : i32
      %dma_start3A_399 = tpu.memref_slice %arg9[%add3A_389, %dma_start3A_398] : memref<512x64xf32, #tpu.memory_space<vmem>> -> memref<1x32xf32, #tpu.memory_space<vmem>>
      %dma_start3A_400 = tpu.memref_squeeze %dma_start3A_399 : memref<1x32xf32, #tpu.memory_space<vmem>> -> memref<32xf32, #tpu.memory_space<vmem>>
      %dma_start3A_401 = arith.constant 0 : i32
      %dma_start3A_402 = tpu.memref_slice %arg4[%squeeze3A_391, %dma_start3A_401] : memref<100001x32xf32, #tpu.memory_space<hbm>> -> memref<1x32xf32, #tpu.memory_space<hbm>>
      %dma_start3A_403 = tpu.memref_squeeze %dma_start3A_402 : memref<1x32xf32, #tpu.memory_space<hbm>> -> memref<32xf32, #tpu.memory_space<hbm>>
      tpu.enqueue_dma source(%dma_start3A_403 : memref<32xf32, #tpu.memory_space<hbm>>) target(%dma_start3A_400 : memref<32xf32, #tpu.memory_space<vmem>>) target_semaphore(%arg12 : memref<!tpu.dma_semaphore, #tpu.memory_space<semaphore_mem>>)
      %slice3A_404 = vector.extract_strided_slice %get3A_283 {offsets = [3], sizes = [1], strides = [1]} : vector<16xi32> to vector<1xi32>
      %squeeze3A_405 = vector.extract %slice3A_404[0] : i32 from vector<1xi32>
      %dma_start3A_406 = arith.constant 32 : i32
      %dma_start3A_407 = tpu.memref_slice %arg9[%add3A_389, %dma_start3A_406] : memref<512x64xf32, #tpu.memory_space<vmem>> -> memref<1x32xf32, #tpu.memory_space<vmem>>
      %dma_start3A_408 = tpu.memref_squeeze %dma_start3A_407 : memref<1x32xf32, #tpu.memory_space<vmem>> -> memref<32xf32, #tpu.memory_space<vmem>>
      %dma_start3A_409 = arith.constant 0 : i32
      %dma_start3A_410 = tpu.memref_slice %arg5[%squeeze3A_405, %dma_start3A_409] : memref<1001x32xf32, #tpu.memory_space<hbm>> -> memref<1x32xf32, #tpu.memory_space<hbm>>
      %dma_start3A_411 = tpu.memref_squeeze %dma_start3A_410 : memref<1x32xf32, #tpu.memory_space<hbm>> -> memref<32xf32, #tpu.memory_space<hbm>>
      %dma_start3A_412 = arith.constant 32 : i32
      %dma_start3A_413 = tpu.memref_slice %arg9[%add3A_389, %dma_start3A_412] : memref<512x64xf32, #tpu.memory_space<vmem>> -> memref<1x32xf32, #tpu.memory_space<vmem>>
      %dma_start3A_414 = tpu.memref_squeeze %dma_start3A_413 : memref<1x32xf32, #tpu.memory_space<vmem>> -> memref<32xf32, #tpu.memory_space<vmem>>
      %dma_start3A_415 = arith.constant 0 : i32
      %dma_start3A_416 = tpu.memref_slice %arg5[%squeeze3A_405, %dma_start3A_415] : memref<1001x32xf32, #tpu.memory_space<hbm>> -> memref<1x32xf32, #tpu.memory_space<hbm>>
      %dma_start3A_417 = tpu.memref_squeeze %dma_start3A_416 : memref<1x32xf32, #tpu.memory_space<hbm>> -> memref<32xf32, #tpu.memory_space<hbm>>
      tpu.enqueue_dma source(%dma_start3A_417 : memref<32xf32, #tpu.memory_space<hbm>>) target(%dma_start3A_414 : memref<32xf32, #tpu.memory_space<vmem>>) target_semaphore(%arg12 : memref<!tpu.dma_semaphore, #tpu.memory_space<semaphore_mem>>)
      %mul3A_418 = arith.constant 32 : i32
      %mul3A_419 = arith.muli %scan3A_270, %mul3A_418 : i32
      %add3A_420 = arith.constant 0 : i32
      %add3A_421 = arith.addi %mul3A_419, %add3A_420 : i32
      %add3A_422 = arith.constant 4 : i32
      %add3A_423 = arith.addi %add3A_421, %add3A_422 : i32
      %slice3A_424 = vector.extract_strided_slice %get3A_276 {offsets = [4], sizes = [1], strides = [1]} : vector<16xi32> to vector<1xi32>
      %squeeze3A_425 = vector.extract %slice3A_424[0] : i32 from vector<1xi32>
      %dma_start3A_426 = arith.constant 0 : i32
      %dma_start3A_427 = tpu.memref_slice %arg9[%add3A_423, %dma_start3A_426] : memref<512x64xf32, #tpu.memory_space<vmem>> -> memref<1x32xf32, #tpu.memory_space<vmem>>
      %dma_start3A_428 = tpu.memref_squeeze %dma_start3A_427 : memref<1x32xf32, #tpu.memory_space<vmem>> -> memref<32xf32, #tpu.memory_space<vmem>>
      %dma_start3A_429 = arith.constant 0 : i32
      %dma_start3A_430 = tpu.memref_slice %arg4[%squeeze3A_425, %dma_start3A_429] : memref<100001x32xf32, #tpu.memory_space<hbm>> -> memref<1x32xf32, #tpu.memory_space<hbm>>
      %dma_start3A_431 = tpu.memref_squeeze %dma_start3A_430 : memref<1x32xf32, #tpu.memory_space<hbm>> -> memref<32xf32, #tpu.memory_space<hbm>>
      %dma_start3A_432 = arith.constant 0 : i32
      %dma_start3A_433 = tpu.memref_slice %arg9[%add3A_423, %dma_start3A_432] : memref<512x64xf32, #tpu.memory_space<vmem>> -> memref<1x32xf32, #tpu.memory_space<vmem>>
      %dma_start3A_434 = tpu.memref_squeeze %dma_start3A_433 : memref<1x32xf32, #tpu.memory_space<vmem>> -> memref<32xf32, #tpu.memory_space<vmem>>
      %dma_start3A_435 = arith.constant 0 : i32
      %dma_start3A_436 = tpu.memref_slice %arg4[%squeeze3A_425, %dma_start3A_435] : memref<100001x32xf32, #tpu.memory_space<hbm>> -> memref<1x32xf32, #tpu.memory_space<hbm>>
      %dma_start3A_437 = tpu.memref_squeeze %dma_start3A_436 : memref<1x32xf32, #tpu.memory_space<hbm>> -> memref<32xf32, #tpu.memory_space<hbm>>
      tpu.enqueue_dma source(%dma_start3A_437 : memref<32xf32, #tpu.memory_space<hbm>>) target(%dma_start3A_434 : memref<32xf32, #tpu.memory_space<vmem>>) target_semaphore(%arg12 : memref<!tpu.dma_semaphore, #tpu.memory_space<semaphore_mem>>)
      %slice3A_438 = vector.extract_strided_slice %get3A_283 {offsets = [4], sizes = [1], strides = [1]} : vector<16xi32> to vector<1xi32>
      %squeeze3A_439 = vector.extract %slice3A_438[0] : i32 from vector<1xi32>
      %dma_start3A_440 = arith.constant 32 : i32
      %dma_start3A_441 = tpu.memref_slice %arg9[%add3A_423, %dma_start3A_440] : memref<512x64xf32, #tpu.memory_space<vmem>> -> memref<1x32xf32, #tpu.memory_space<vmem>>
      %dma_start3A_442 = tpu.memref_squeeze %dma_start3A_441 : memref<1x32xf32, #tpu.memory_space<vmem>> -> memref<32xf32, #tpu.memory_space<vmem>>
      %dma_start3A_443 = arith.constant 0 : i32
      %dma_start3A_444 = tpu.memref_slice %arg5[%squeeze3A_439, %dma_start3A_443] : memref<1001x32xf32, #tpu.memory_space<hbm>> -> memref<1x32xf32, #tpu.memory_space<hbm>>
      %dma_start3A_445 = tpu.memref_squeeze %dma_start3A_444 : memref<1x32xf32, #tpu.memory_space<hbm>> -> memref<32xf32, #tpu.memory_space<hbm>>
      %dma_start3A_446 = arith.constant 32 : i32
      %dma_start3A_447 = tpu.memref_slice %arg9[%add3A_423, %dma_start3A_446] : memref<512x64xf32, #tpu.memory_space<vmem>> -> memref<1x32xf32, #tpu.memory_space<vmem>>
      %dma_start3A_448 = tpu.memref_squeeze %dma_start3A_447 : memref<1x32xf32, #tpu.memory_space<vmem>> -> memref<32xf32, #tpu.memory_space<vmem>>
      %dma_start3A_449 = arith.constant 0 : i32
      %dma_start3A_450 = tpu.memref_slice %arg5[%squeeze3A_439, %dma_start3A_449] : memref<1001x32xf32, #tpu.memory_space<hbm>> -> memref<1x32xf32, #tpu.memory_space<hbm>>
      %dma_start3A_451 = tpu.memref_squeeze %dma_start3A_450 : memref<1x32xf32, #tpu.memory_space<hbm>> -> memref<32xf32, #tpu.memory_space<hbm>>
      tpu.enqueue_dma source(%dma_start3A_451 : memref<32xf32, #tpu.memory_space<hbm>>) target(%dma_start3A_448 : memref<32xf32, #tpu.memory_space<vmem>>) target_semaphore(%arg12 : memref<!tpu.dma_semaphore, #tpu.memory_space<semaphore_mem>>)
      %mul3A_452 = arith.constant 32 : i32
      %mul3A_453 = arith.muli %scan3A_270, %mul3A_452 : i32
      %add3A_454 = arith.constant 0 : i32
      %add3A_455 = arith.addi %mul3A_453, %add3A_454 : i32
      %add3A_456 = arith.constant 5 : i32
      %add3A_457 = arith.addi %add3A_455, %add3A_456 : i32
      %slice3A_458 = vector.extract_strided_slice %get3A_276 {offsets = [5], sizes = [1], strides = [1]} : vector<16xi32> to vector<1xi32>
      %squeeze3A_459 = vector.extract %slice3A_458[0] : i32 from vector<1xi32>
      %dma_start3A_460 = arith.constant 0 : i32
      %dma_start3A_461 = tpu.memref_slice %arg9[%add3A_457, %dma_start3A_460] : memref<512x64xf32, #tpu.memory_space<vmem>> -> memref<1x32xf32, #tpu.memory_space<vmem>>
      %dma_start3A_462 = tpu.memref_squeeze %dma_start3A_461 : memref<1x32xf32, #tpu.memory_space<vmem>> -> memref<32xf32, #tpu.memory_space<vmem>>
      %dma_start3A_463 = arith.constant 0 : i32
      %dma_start3A_464 = tpu.memref_slice %arg4[%squeeze3A_459, %dma_start3A_463] : memref<100001x32xf32, #tpu.memory_space<hbm>> -> memref<1x32xf32, #tpu.memory_space<hbm>>
      %dma_start3A_465 = tpu.memref_squeeze %dma_start3A_464 : memref<1x32xf32, #tpu.memory_space<hbm>> -> memref<32xf32, #tpu.memory_space<hbm>>
      %dma_start3A_466 = arith.constant 0 : i32
      %dma_start3A_467 = tpu.memref_slice %arg9[%add3A_457, %dma_start3A_466] : memref<512x64xf32, #tpu.memory_space<vmem>> -> memref<1x32xf32, #tpu.memory_space<vmem>>
      %dma_start3A_468 = tpu.memref_squeeze %dma_start3A_467 : memref<1x32xf32, #tpu.memory_space<vmem>> -> memref<32xf32, #tpu.memory_space<vmem>>
      %dma_start3A_469 = arith.constant 0 : i32
      %dma_start3A_470 = tpu.memref_slice %arg4[%squeeze3A_459, %dma_start3A_469] : memref<100001x32xf32, #tpu.memory_space<hbm>> -> memref<1x32xf32, #tpu.memory_space<hbm>>
      %dma_start3A_471 = tpu.memref_squeeze %dma_start3A_470 : memref<1x32xf32, #tpu.memory_space<hbm>> -> memref<32xf32, #tpu.memory_space<hbm>>
      tpu.enqueue_dma source(%dma_start3A_471 : memref<32xf32, #tpu.memory_space<hbm>>) target(%dma_start3A_468 : memref<32xf32, #tpu.memory_space<vmem>>) target_semaphore(%arg12 : memref<!tpu.dma_semaphore, #tpu.memory_space<semaphore_mem>>)
      %slice3A_472 = vector.extract_strided_slice %get3A_283 {offsets = [5], sizes = [1], strides = [1]} : vector<16xi32> to vector<1xi32>
      %squeeze3A_473 = vector.extract %slice3A_472[0] : i32 from vector<1xi32>
      %dma_start3A_474 = arith.constant 32 : i32
      %dma_start3A_475 = tpu.memref_slice %arg9[%add3A_457, %dma_start3A_474] : memref<512x64xf32, #tpu.memory_space<vmem>> -> memref<1x32xf32, #tpu.memory_space<vmem>>
      %dma_start3A_476 = tpu.memref_squeeze %dma_start3A_475 : memref<1x32xf32, #tpu.memory_space<vmem>> -> memref<32xf32, #tpu.memory_space<vmem>>
      %dma_start3A_477 = arith.constant 0 : i32
      %dma_start3A_478 = tpu.memref_slice %arg5[%squeeze3A_473, %dma_start3A_477] : memref<1001x32xf32, #tpu.memory_space<hbm>> -> memref<1x32xf32, #tpu.memory_space<hbm>>
      %dma_start3A_479 = tpu.memref_squeeze %dma_start3A_478 : memref<1x32xf32, #tpu.memory_space<hbm>> -> memref<32xf32, #tpu.memory_space<hbm>>
      %dma_start3A_480 = arith.constant 32 : i32
      %dma_start3A_481 = tpu.memref_slice %arg9[%add3A_457, %dma_start3A_480] : memref<512x64xf32, #tpu.memory_space<vmem>> -> memref<1x32xf32, #tpu.memory_space<vmem>>
      %dma_start3A_482 = tpu.memref_squeeze %dma_start3A_481 : memref<1x32xf32, #tpu.memory_space<vmem>> -> memref<32xf32, #tpu.memory_space<vmem>>
      %dma_start3A_483 = arith.constant 0 : i32
      %dma_start3A_484 = tpu.memref_slice %arg5[%squeeze3A_473, %dma_start3A_483] : memref<1001x32xf32, #tpu.memory_space<hbm>> -> memref<1x32xf32, #tpu.memory_space<hbm>>
      %dma_start3A_485 = tpu.memref_squeeze %dma_start3A_484 : memref<1x32xf32, #tpu.memory_space<hbm>> -> memref<32xf32, #tpu.memory_space<hbm>>
      tpu.enqueue_dma source(%dma_start3A_485 : memref<32xf32, #tpu.memory_space<hbm>>) target(%dma_start3A_482 : memref<32xf32, #tpu.memory_space<vmem>>) target_semaphore(%arg12 : memref<!tpu.dma_semaphore, #tpu.memory_space<semaphore_mem>>)
      %mul3A_486 = arith.constant 32 : i32
      %mul3A_487 = arith.muli %scan3A_270, %mul3A_486 : i32
      %add3A_488 = arith.constant 0 : i32
      %add3A_489 = arith.addi %mul3A_487, %add3A_488 : i32
      %add3A_490 = arith.constant 6 : i32
      %add3A_491 = arith.addi %add3A_489, %add3A_490 : i32
      %slice3A_492 = vector.extract_strided_slice %get3A_276 {offsets = [6], sizes = [1], strides = [1]} : vector<16xi32> to vector<1xi32>
      %squeeze3A_493 = vector.extract %slice3A_492[0] : i32 from vector<1xi32>
      %dma_start3A_494 = arith.constant 0 : i32
      %dma_start3A_495 = tpu.memref_slice %arg9[%add3A_491, %dma_start3A_494] : memref<512x64xf32, #tpu.memory_space<vmem>> -> memref<1x32xf32, #tpu.memory_space<vmem>>
      %dma_start3A_496 = tpu.memref_squeeze %dma_start3A_495 : memref<1x32xf32, #tpu.memory_space<vmem>> -> memref<32xf32, #tpu.memory_space<vmem>>
      %dma_start3A_497 = arith.constant 0 : i32
      %dma_start3A_498 = tpu.memref_slice %arg4[%squeeze3A_493, %dma_start3A_497] : memref<100001x32xf32, #tpu.memory_space<hbm>> -> memref<1x32xf32, #tpu.memory_space<hbm>>
      %dma_start3A_499 = tpu.memref_squeeze %dma_start3A_498 : memref<1x32xf32, #tpu.memory_space<hbm>> -> memref<32xf32, #tpu.memory_space<hbm>>
      %dma_start3A_500 = arith.constant 0 : i32
      %dma_start3A_501 = tpu.memref_slice %arg9[%add3A_491, %dma_start3A_500] : memref<512x64xf32, #tpu.memory_space<vmem>> -> memref<1x32xf32, #tpu.memory_space<vmem>>
      %dma_start3A_502 = tpu.memref_squeeze %dma_start3A_501 : memref<1x32xf32, #tpu.memory_space<vmem>> -> memref<32xf32, #tpu.memory_space<vmem>>
      %dma_start3A_503 = arith.constant 0 : i32
      %dma_start3A_504 = tpu.memref_slice %arg4[%squeeze3A_493, %dma_start3A_503] : memref<100001x32xf32, #tpu.memory_space<hbm>> -> memref<1x32xf32, #tpu.memory_space<hbm>>
      %dma_start3A_505 = tpu.memref_squeeze %dma_start3A_504 : memref<1x32xf32, #tpu.memory_space<hbm>> -> memref<32xf32, #tpu.memory_space<hbm>>
      tpu.enqueue_dma source(%dma_start3A_505 : memref<32xf32, #tpu.memory_space<hbm>>) target(%dma_start3A_502 : memref<32xf32, #tpu.memory_space<vmem>>) target_semaphore(%arg12 : memref<!tpu.dma_semaphore, #tpu.memory_space<semaphore_mem>>)
      %slice3A_506 = vector.extract_strided_slice %get3A_283 {offsets = [6], sizes = [1], strides = [1]} : vector<16xi32> to vector<1xi32>
      %squeeze3A_507 = vector.extract %slice3A_506[0] : i32 from vector<1xi32>
      %dma_start3A_508 = arith.constant 32 : i32
      %dma_start3A_509 = tpu.memref_slice %arg9[%add3A_491, %dma_start3A_508] : memref<512x64xf32, #tpu.memory_space<vmem>> -> memref<1x32xf32, #tpu.memory_space<vmem>>
      %dma_start3A_510 = tpu.memref_squeeze %dma_start3A_509 : memref<1x32xf32, #tpu.memory_space<vmem>> -> memref<32xf32, #tpu.memory_space<vmem>>
      %dma_start3A_511 = arith.constant 0 : i32
      %dma_start3A_512 = tpu.memref_slice %arg5[%squeeze3A_507, %dma_start3A_511] : memref<1001x32xf32, #tpu.memory_space<hbm>> -> memref<1x32xf32, #tpu.memory_space<hbm>>
      %dma_start3A_513 = tpu.memref_squeeze %dma_start3A_512 : memref<1x32xf32, #tpu.memory_space<hbm>> -> memref<32xf32, #tpu.memory_space<hbm>>
      %dma_start3A_514 = arith.constant 32 : i32
      %dma_start3A_515 = tpu.memref_slice %arg9[%add3A_491, %dma_start3A_514] : memref<512x64xf32, #tpu.memory_space<vmem>> -> memref<1x32xf32, #tpu.memory_space<vmem>>
      %dma_start3A_516 = tpu.memref_squeeze %dma_start3A_515 : memref<1x32xf32, #tpu.memory_space<vmem>> -> memref<32xf32, #tpu.memory_space<vmem>>
      %dma_start3A_517 = arith.constant 0 : i32
      %dma_start3A_518 = tpu.memref_slice %arg5[%squeeze3A_507, %dma_start3A_517] : memref<1001x32xf32, #tpu.memory_space<hbm>> -> memref<1x32xf32, #tpu.memory_space<hbm>>
      %dma_start3A_519 = tpu.memref_squeeze %dma_start3A_518 : memref<1x32xf32, #tpu.memory_space<hbm>> -> memref<32xf32, #tpu.memory_space<hbm>>
      tpu.enqueue_dma source(%dma_start3A_519 : memref<32xf32, #tpu.memory_space<hbm>>) target(%dma_start3A_516 : memref<32xf32, #tpu.memory_space<vmem>>) target_semaphore(%arg12 : memref<!tpu.dma_semaphore, #tpu.memory_space<semaphore_mem>>)
      %mul3A_520 = arith.constant 32 : i32
      %mul3A_521 = arith.muli %scan3A_270, %mul3A_520 : i32
      %add3A_522 = arith.constant 0 : i32
      %add3A_523 = arith.addi %mul3A_521, %add3A_522 : i32
      %add3A_524 = arith.constant 7 : i32
      %add3A_525 = arith.addi %add3A_523, %add3A_524 : i32
      %slice3A_526 = vector.extract_strided_slice %get3A_276 {offsets = [7], sizes = [1], strides = [1]} : vector<16xi32> to vector<1xi32>
      %squeeze3A_527 = vector.extract %slice3A_526[0] : i32 from vector<1xi32>
      %dma_start3A_528 = arith.constant 0 : i32
      %dma_start3A_529 = tpu.memref_slice %arg9[%add3A_525, %dma_start3A_528] : memref<512x64xf32, #tpu.memory_space<vmem>> -> memref<1x32xf32, #tpu.memory_space<vmem>>
      %dma_start3A_530 = tpu.memref_squeeze %dma_start3A_529 : memref<1x32xf32, #tpu.memory_space<vmem>> -> memref<32xf32, #tpu.memory_space<vmem>>
      %dma_start3A_531 = arith.constant 0 : i32
      %dma_start3A_532 = tpu.memref_slice %arg4[%squeeze3A_527, %dma_start3A_531] : memref<100001x32xf32, #tpu.memory_space<hbm>> -> memref<1x32xf32, #tpu.memory_space<hbm>>
      %dma_start3A_533 = tpu.memref_squeeze %dma_start3A_532 : memref<1x32xf32, #tpu.memory_space<hbm>> -> memref<32xf32, #tpu.memory_space<hbm>>
      %dma_start3A_534 = arith.constant 0 : i32
      %dma_start3A_535 = tpu.memref_slice %arg9[%add3A_525, %dma_start3A_534] : memref<512x64xf32, #tpu.memory_space<vmem>> -> memref<1x32xf32, #tpu.memory_space<vmem>>
      %dma_start3A_536 = tpu.memref_squeeze %dma_start3A_535 : memref<1x32xf32, #tpu.memory_space<vmem>> -> memref<32xf32, #tpu.memory_space<vmem>>
      %dma_start3A_537 = arith.constant 0 : i32
      %dma_start3A_538 = tpu.memref_slice %arg4[%squeeze3A_527, %dma_start3A_537] : memref<100001x32xf32, #tpu.memory_space<hbm>> -> memref<1x32xf32, #tpu.memory_space<hbm>>
      %dma_start3A_539 = tpu.memref_squeeze %dma_start3A_538 : memref<1x32xf32, #tpu.memory_space<hbm>> -> memref<32xf32, #tpu.memory_space<hbm>>
      tpu.enqueue_dma source(%dma_start3A_539 : memref<32xf32, #tpu.memory_space<hbm>>) target(%dma_start3A_536 : memref<32xf32, #tpu.memory_space<vmem>>) target_semaphore(%arg12 : memref<!tpu.dma_semaphore, #tpu.memory_space<semaphore_mem>>)
      %slice3A_540 = vector.extract_strided_slice %get3A_283 {offsets = [7], sizes = [1], strides = [1]} : vector<16xi32> to vector<1xi32>
      %squeeze3A_541 = vector.extract %slice3A_540[0] : i32 from vector<1xi32>
      %dma_start3A_542 = arith.constant 32 : i32
      %dma_start3A_543 = tpu.memref_slice %arg9[%add3A_525, %dma_start3A_542] : memref<512x64xf32, #tpu.memory_space<vmem>> -> memref<1x32xf32, #tpu.memory_space<vmem>>
      %dma_start3A_544 = tpu.memref_squeeze %dma_start3A_543 : memref<1x32xf32, #tpu.memory_space<vmem>> -> memref<32xf32, #tpu.memory_space<vmem>>
      %dma_start3A_545 = arith.constant 0 : i32
      %dma_start3A_546 = tpu.memref_slice %arg5[%squeeze3A_541, %dma_start3A_545] : memref<1001x32xf32, #tpu.memory_space<hbm>> -> memref<1x32xf32, #tpu.memory_space<hbm>>
      %dma_start3A_547 = tpu.memref_squeeze %dma_start3A_546 : memref<1x32xf32, #tpu.memory_space<hbm>> -> memref<32xf32, #tpu.memory_space<hbm>>
      %dma_start3A_548 = arith.constant 32 : i32
      %dma_start3A_549 = tpu.memref_slice %arg9[%add3A_525, %dma_start3A_548] : memref<512x64xf32, #tpu.memory_space<vmem>> -> memref<1x32xf32, #tpu.memory_space<vmem>>
      %dma_start3A_550 = tpu.memref_squeeze %dma_start3A_549 : memref<1x32xf32, #tpu.memory_space<vmem>> -> memref<32xf32, #tpu.memory_space<vmem>>
      %dma_start3A_551 = arith.constant 0 : i32
      %dma_start3A_552 = tpu.memref_slice %arg5[%squeeze3A_541, %dma_start3A_551] : memref<1001x32xf32, #tpu.memory_space<hbm>> -> memref<1x32xf32, #tpu.memory_space<hbm>>
      %dma_start3A_553 = tpu.memref_squeeze %dma_start3A_552 : memref<1x32xf32, #tpu.memory_space<hbm>> -> memref<32xf32, #tpu.memory_space<hbm>>
      tpu.enqueue_dma source(%dma_start3A_553 : memref<32xf32, #tpu.memory_space<hbm>>) target(%dma_start3A_550 : memref<32xf32, #tpu.memory_space<vmem>>) target_semaphore(%arg12 : memref<!tpu.dma_semaphore, #tpu.memory_space<semaphore_mem>>)
      %mul3A_554 = arith.constant 32 : i32
      %mul3A_555 = arith.muli %scan3A_270, %mul3A_554 : i32
      %add3A_556 = arith.constant 0 : i32
      %add3A_557 = arith.addi %mul3A_555, %add3A_556 : i32
      %add3A_558 = arith.constant 8 : i32
      %add3A_559 = arith.addi %add3A_557, %add3A_558 : i32
      %slice3A_560 = vector.extract_strided_slice %get3A_276 {offsets = [8], sizes = [1], strides = [1]} : vector<16xi32> to vector<1xi32>
      %squeeze3A_561 = vector.extract %slice3A_560[0] : i32 from vector<1xi32>
      %dma_start3A_562 = arith.constant 0 : i32
      %dma_start3A_563 = tpu.memref_slice %arg9[%add3A_559, %dma_start3A_562] : memref<512x64xf32, #tpu.memory_space<vmem>> -> memref<1x32xf32, #tpu.memory_space<vmem>>
      %dma_start3A_564 = tpu.memref_squeeze %dma_start3A_563 : memref<1x32xf32, #tpu.memory_space<vmem>> -> memref<32xf32, #tpu.memory_space<vmem>>
      %dma_start3A_565 = arith.constant 0 : i32
      %dma_start3A_566 = tpu.memref_slice %arg4[%squeeze3A_561, %dma_start3A_565] : memref<100001x32xf32, #tpu.memory_space<hbm>> -> memref<1x32xf32, #tpu.memory_space<hbm>>
      %dma_start3A_567 = tpu.memref_squeeze %dma_start3A_566 : memref<1x32xf32, #tpu.memory_space<hbm>> -> memref<32xf32, #tpu.memory_space<hbm>>
      %dma_start3A_568 = arith.constant 0 : i32
      %dma_start3A_569 = tpu.memref_slice %arg9[%add3A_559, %dma_start3A_568] : memref<512x64xf32, #tpu.memory_space<vmem>> -> memref<1x32xf32, #tpu.memory_space<vmem>>
      %dma_start3A_570 = tpu.memref_squeeze %dma_start3A_569 : memref<1x32xf32, #tpu.memory_space<vmem>> -> memref<32xf32, #tpu.memory_space<vmem>>
      %dma_start3A_571 = arith.constant 0 : i32
      %dma_start3A_572 = tpu.memref_slice %arg4[%squeeze3A_561, %dma_start3A_571] : memref<100001x32xf32, #tpu.memory_space<hbm>> -> memref<1x32xf32, #tpu.memory_space<hbm>>
      %dma_start3A_573 = tpu.memref_squeeze %dma_start3A_572 : memref<1x32xf32, #tpu.memory_space<hbm>> -> memref<32xf32, #tpu.memory_space<hbm>>
      tpu.enqueue_dma source(%dma_start3A_573 : memref<32xf32, #tpu.memory_space<hbm>>) target(%dma_start3A_570 : memref<32xf32, #tpu.memory_space<vmem>>) target_semaphore(%arg12 : memref<!tpu.dma_semaphore, #tpu.memory_space<semaphore_mem>>)
      %slice3A_574 = vector.extract_strided_slice %get3A_283 {offsets = [8], sizes = [1], strides = [1]} : vector<16xi32> to vector<1xi32>
      %squeeze3A_575 = vector.extract %slice3A_574[0] : i32 from vector<1xi32>
      %dma_start3A_576 = arith.constant 32 : i32
      %dma_start3A_577 = tpu.memref_slice %arg9[%add3A_559, %dma_start3A_576] : memref<512x64xf32, #tpu.memory_space<vmem>> -> memref<1x32xf32, #tpu.memory_space<vmem>>
      %dma_start3A_578 = tpu.memref_squeeze %dma_start3A_577 : memref<1x32xf32, #tpu.memory_space<vmem>> -> memref<32xf32, #tpu.memory_space<vmem>>
      %dma_start3A_579 = arith.constant 0 : i32
      %dma_start3A_580 = tpu.memref_slice %arg5[%squeeze3A_575, %dma_start3A_579] : memref<1001x32xf32, #tpu.memory_space<hbm>> -> memref<1x32xf32, #tpu.memory_space<hbm>>
      %dma_start3A_581 = tpu.memref_squeeze %dma_start3A_580 : memref<1x32xf32, #tpu.memory_space<hbm>> -> memref<32xf32, #tpu.memory_space<hbm>>
      %dma_start3A_582 = arith.constant 32 : i32
      %dma_start3A_583 = tpu.memref_slice %arg9[%add3A_559, %dma_start3A_582] : memref<512x64xf32, #tpu.memory_space<vmem>> -> memref<1x32xf32, #tpu.memory_space<vmem>>
      %dma_start3A_584 = tpu.memref_squeeze %dma_start3A_583 : memref<1x32xf32, #tpu.memory_space<vmem>> -> memref<32xf32, #tpu.memory_space<vmem>>
      %dma_start3A_585 = arith.constant 0 : i32
      %dma_start3A_586 = tpu.memref_slice %arg5[%squeeze3A_575, %dma_start3A_585] : memref<1001x32xf32, #tpu.memory_space<hbm>> -> memref<1x32xf32, #tpu.memory_space<hbm>>
      %dma_start3A_587 = tpu.memref_squeeze %dma_start3A_586 : memref<1x32xf32, #tpu.memory_space<hbm>> -> memref<32xf32, #tpu.memory_space<hbm>>
      tpu.enqueue_dma source(%dma_start3A_587 : memref<32xf32, #tpu.memory_space<hbm>>) target(%dma_start3A_584 : memref<32xf32, #tpu.memory_space<vmem>>) target_semaphore(%arg12 : memref<!tpu.dma_semaphore, #tpu.memory_space<semaphore_mem>>)
      %mul3A_588 = arith.constant 32 : i32
      %mul3A_589 = arith.muli %scan3A_270, %mul3A_588 : i32
      %add3A_590 = arith.constant 0 : i32
      %add3A_591 = arith.addi %mul3A_589, %add3A_590 : i32
      %add3A_592 = arith.constant 9 : i32
      %add3A_593 = arith.addi %add3A_591, %add3A_592 : i32
      %slice3A_594 = vector.extract_strided_slice %get3A_276 {offsets = [9], sizes = [1], strides = [1]} : vector<16xi32> to vector<1xi32>
      %squeeze3A_595 = vector.extract %slice3A_594[0] : i32 from vector<1xi32>
      %dma_start3A_596 = arith.constant 0 : i32
      %dma_start3A_597 = tpu.memref_slice %arg9[%add3A_593, %dma_start3A_596] : memref<512x64xf32, #tpu.memory_space<vmem>> -> memref<1x32xf32, #tpu.memory_space<vmem>>
      %dma_start3A_598 = tpu.memref_squeeze %dma_start3A_597 : memref<1x32xf32, #tpu.memory_space<vmem>> -> memref<32xf32, #tpu.memory_space<vmem>>
      %dma_start3A_599 = arith.constant 0 : i32
      %dma_start3A_600 = tpu.memref_slice %arg4[%squeeze3A_595, %dma_start3A_599] : memref<100001x32xf32, #tpu.memory_space<hbm>> -> memref<1x32xf32, #tpu.memory_space<hbm>>
      %dma_start3A_601 = tpu.memref_squeeze %dma_start3A_600 : memref<1x32xf32, #tpu.memory_space<hbm>> -> memref<32xf32, #tpu.memory_space<hbm>>
      %dma_start3A_602 = arith.constant 0 : i32
      %dma_start3A_603 = tpu.memref_slice %arg9[%add3A_593, %dma_start3A_602] : memref<512x64xf32, #tpu.memory_space<vmem>> -> memref<1x32xf32, #tpu.memory_space<vmem>>
      %dma_start3A_604 = tpu.memref_squeeze %dma_start3A_603 : memref<1x32xf32, #tpu.memory_space<vmem>> -> memref<32xf32, #tpu.memory_space<vmem>>
      %dma_start3A_605 = arith.constant 0 : i32
      %dma_start3A_606 = tpu.memref_slice %arg4[%squeeze3A_595, %dma_start3A_605] : memref<100001x32xf32, #tpu.memory_space<hbm>> -> memref<1x32xf32, #tpu.memory_space<hbm>>
      %dma_start3A_607 = tpu.memref_squeeze %dma_start3A_606 : memref<1x32xf32, #tpu.memory_space<hbm>> -> memref<32xf32, #tpu.memory_space<hbm>>
      tpu.enqueue_dma source(%dma_start3A_607 : memref<32xf32, #tpu.memory_space<hbm>>) target(%dma_start3A_604 : memref<32xf32, #tpu.memory_space<vmem>>) target_semaphore(%arg12 : memref<!tpu.dma_semaphore, #tpu.memory_space<semaphore_mem>>)
      %slice3A_608 = vector.extract_strided_slice %get3A_283 {offsets = [9], sizes = [1], strides = [1]} : vector<16xi32> to vector<1xi32>
      %squeeze3A_609 = vector.extract %slice3A_608[0] : i32 from vector<1xi32>
      %dma_start3A_610 = arith.constant 32 : i32
      %dma_start3A_611 = tpu.memref_slice %arg9[%add3A_593, %dma_start3A_610] : memref<512x64xf32, #tpu.memory_space<vmem>> -> memref<1x32xf32, #tpu.memory_space<vmem>>
      %dma_start3A_612 = tpu.memref_squeeze %dma_start3A_611 : memref<1x32xf32, #tpu.memory_space<vmem>> -> memref<32xf32, #tpu.memory_space<vmem>>
      %dma_start3A_613 = arith.constant 0 : i32
      %dma_start3A_614 = tpu.memref_slice %arg5[%squeeze3A_609, %dma_start3A_613] : memref<1001x32xf32, #tpu.memory_space<hbm>> -> memref<1x32xf32, #tpu.memory_space<hbm>>
      %dma_start3A_615 = tpu.memref_squeeze %dma_start3A_614 : memref<1x32xf32, #tpu.memory_space<hbm>> -> memref<32xf32, #tpu.memory_space<hbm>>
      %dma_start3A_616 = arith.constant 32 : i32
      %dma_start3A_617 = tpu.memref_slice %arg9[%add3A_593, %dma_start3A_616] : memref<512x64xf32, #tpu.memory_space<vmem>> -> memref<1x32xf32, #tpu.memory_space<vmem>>
      %dma_start3A_618 = tpu.memref_squeeze %dma_start3A_617 : memref<1x32xf32, #tpu.memory_space<vmem>> -> memref<32xf32, #tpu.memory_space<vmem>>
      %dma_start3A_619 = arith.constant 0 : i32
      %dma_start3A_620 = tpu.memref_slice %arg5[%squeeze3A_609, %dma_start3A_619] : memref<1001x32xf32, #tpu.memory_space<hbm>> -> memref<1x32xf32, #tpu.memory_space<hbm>>
      %dma_start3A_621 = tpu.memref_squeeze %dma_start3A_620 : memref<1x32xf32, #tpu.memory_space<hbm>> -> memref<32xf32, #tpu.memory_space<hbm>>
      tpu.enqueue_dma source(%dma_start3A_621 : memref<32xf32, #tpu.memory_space<hbm>>) target(%dma_start3A_618 : memref<32xf32, #tpu.memory_space<vmem>>) target_semaphore(%arg12 : memref<!tpu.dma_semaphore, #tpu.memory_space<semaphore_mem>>)
      %mul3A_622 = arith.constant 32 : i32
      %mul3A_623 = arith.muli %scan3A_270, %mul3A_622 : i32
      %add3A_624 = arith.constant 0 : i32
      %add3A_625 = arith.addi %mul3A_623, %add3A_624 : i32
      %add3A_626 = arith.constant 10 : i32
      %add3A_627 = arith.addi %add3A_625, %add3A_626 : i32
      %slice3A_628 = vector.extract_strided_slice %get3A_276 {offsets = [10], sizes = [1], strides = [1]} : vector<16xi32> to vector<1xi32>
      %squeeze3A_629 = vector.extract %slice3A_628[0] : i32 from vector<1xi32>
      %dma_start3A_630 = arith.constant 0 : i32
      %dma_start3A_631 = tpu.memref_slice %arg9[%add3A_627, %dma_start3A_630] : memref<512x64xf32, #tpu.memory_space<vmem>> -> memref<1x32xf32, #tpu.memory_space<vmem>>
      %dma_start3A_632 = tpu.memref_squeeze %dma_start3A_631 : memref<1x32xf32, #tpu.memory_space<vmem>> -> memref<32xf32, #tpu.memory_space<vmem>>
      %dma_start3A_633 = arith.constant 0 : i32
      %dma_start3A_634 = tpu.memref_slice %arg4[%squeeze3A_629, %dma_start3A_633] : memref<100001x32xf32, #tpu.memory_space<hbm>> -> memref<1x32xf32, #tpu.memory_space<hbm>>
      %dma_start3A_635 = tpu.memref_squeeze %dma_start3A_634 : memref<1x32xf32, #tpu.memory_space<hbm>> -> memref<32xf32, #tpu.memory_space<hbm>>
      %dma_start3A_636 = arith.constant 0 : i32
      %dma_start3A_637 = tpu.memref_slice %arg9[%add3A_627, %dma_start3A_636] : memref<512x64xf32, #tpu.memory_space<vmem>> -> memref<1x32xf32, #tpu.memory_space<vmem>>
      %dma_start3A_638 = tpu.memref_squeeze %dma_start3A_637 : memref<1x32xf32, #tpu.memory_space<vmem>> -> memref<32xf32, #tpu.memory_space<vmem>>
      %dma_start3A_639 = arith.constant 0 : i32
      %dma_start3A_640 = tpu.memref_slice %arg4[%squeeze3A_629, %dma_start3A_639] : memref<100001x32xf32, #tpu.memory_space<hbm>> -> memref<1x32xf32, #tpu.memory_space<hbm>>
      %dma_start3A_641 = tpu.memref_squeeze %dma_start3A_640 : memref<1x32xf32, #tpu.memory_space<hbm>> -> memref<32xf32, #tpu.memory_space<hbm>>
      tpu.enqueue_dma source(%dma_start3A_641 : memref<32xf32, #tpu.memory_space<hbm>>) target(%dma_start3A_638 : memref<32xf32, #tpu.memory_space<vmem>>) target_semaphore(%arg12 : memref<!tpu.dma_semaphore, #tpu.memory_space<semaphore_mem>>)
      %slice3A_642 = vector.extract_strided_slice %get3A_283 {offsets = [10], sizes = [1], strides = [1]} : vector<16xi32> to vector<1xi32>
      %squeeze3A_643 = vector.extract %slice3A_642[0] : i32 from vector<1xi32>
      %dma_start3A_644 = arith.constant 32 : i32
      %dma_start3A_645 = tpu.memref_slice %arg9[%add3A_627, %dma_start3A_644] : memref<512x64xf32, #tpu.memory_space<vmem>> -> memref<1x32xf32, #tpu.memory_space<vmem>>
      %dma_start3A_646 = tpu.memref_squeeze %dma_start3A_645 : memref<1x32xf32, #tpu.memory_space<vmem>> -> memref<32xf32, #tpu.memory_space<vmem>>
      %dma_start3A_647 = arith.constant 0 : i32
      %dma_start3A_648 = tpu.memref_slice %arg5[%squeeze3A_643, %dma_start3A_647] : memref<1001x32xf32, #tpu.memory_space<hbm>> -> memref<1x32xf32, #tpu.memory_space<hbm>>
      %dma_start3A_649 = tpu.memref_squeeze %dma_start3A_648 : memref<1x32xf32, #tpu.memory_space<hbm>> -> memref<32xf32, #tpu.memory_space<hbm>>
      %dma_start3A_650 = arith.constant 32 : i32
      %dma_start3A_651 = tpu.memref_slice %arg9[%add3A_627, %dma_start3A_650] : memref<512x64xf32, #tpu.memory_space<vmem>> -> memref<1x32xf32, #tpu.memory_space<vmem>>
      %dma_start3A_652 = tpu.memref_squeeze %dma_start3A_651 : memref<1x32xf32, #tpu.memory_space<vmem>> -> memref<32xf32, #tpu.memory_space<vmem>>
      %dma_start3A_653 = arith.constant 0 : i32
      %dma_start3A_654 = tpu.memref_slice %arg5[%squeeze3A_643, %dma_start3A_653] : memref<1001x32xf32, #tpu.memory_space<hbm>> -> memref<1x32xf32, #tpu.memory_space<hbm>>
      %dma_start3A_655 = tpu.memref_squeeze %dma_start3A_654 : memref<1x32xf32, #tpu.memory_space<hbm>> -> memref<32xf32, #tpu.memory_space<hbm>>
      tpu.enqueue_dma source(%dma_start3A_655 : memref<32xf32, #tpu.memory_space<hbm>>) target(%dma_start3A_652 : memref<32xf32, #tpu.memory_space<vmem>>) target_semaphore(%arg12 : memref<!tpu.dma_semaphore, #tpu.memory_space<semaphore_mem>>)
      %mul3A_656 = arith.constant 32 : i32
      %mul3A_657 = arith.muli %scan3A_270, %mul3A_656 : i32
      %add3A_658 = arith.constant 0 : i32
      %add3A_659 = arith.addi %mul3A_657, %add3A_658 : i32
      %add3A_660 = arith.constant 11 : i32
      %add3A_661 = arith.addi %add3A_659, %add3A_660 : i32
      %slice3A_662 = vector.extract_strided_slice %get3A_276 {offsets = [11], sizes = [1], strides = [1]} : vector<16xi32> to vector<1xi32>
      %squeeze3A_663 = vector.extract %slice3A_662[0] : i32 from vector<1xi32>
      %dma_start3A_664 = arith.constant 0 : i32
      %dma_start3A_665 = tpu.memref_slice %arg9[%add3A_661, %dma_start3A_664] : memref<512x64xf32, #tpu.memory_space<vmem>> -> memref<1x32xf32, #tpu.memory_space<vmem>>
      %dma_start3A_666 = tpu.memref_squeeze %dma_start3A_665 : memref<1x32xf32, #tpu.memory_space<vmem>> -> memref<32xf32, #tpu.memory_space<vmem>>
      %dma_start3A_667 = arith.constant 0 : i32
      %dma_start3A_668 = tpu.memref_slice %arg4[%squeeze3A_663, %dma_start3A_667] : memref<100001x32xf32, #tpu.memory_space<hbm>> -> memref<1x32xf32, #tpu.memory_space<hbm>>
      %dma_start3A_669 = tpu.memref_squeeze %dma_start3A_668 : memref<1x32xf32, #tpu.memory_space<hbm>> -> memref<32xf32, #tpu.memory_space<hbm>>
      %dma_start3A_670 = arith.constant 0 : i32
      %dma_start3A_671 = tpu.memref_slice %arg9[%add3A_661, %dma_start3A_670] : memref<512x64xf32, #tpu.memory_space<vmem>> -> memref<1x32xf32, #tpu.memory_space<vmem>>
      %dma_start3A_672 = tpu.memref_squeeze %dma_start3A_671 : memref<1x32xf32, #tpu.memory_space<vmem>> -> memref<32xf32, #tpu.memory_space<vmem>>
      %dma_start3A_673 = arith.constant 0 : i32
      %dma_start3A_674 = tpu.memref_slice %arg4[%squeeze3A_663, %dma_start3A_673] : memref<100001x32xf32, #tpu.memory_space<hbm>> -> memref<1x32xf32, #tpu.memory_space<hbm>>
      %dma_start3A_675 = tpu.memref_squeeze %dma_start3A_674 : memref<1x32xf32, #tpu.memory_space<hbm>> -> memref<32xf32, #tpu.memory_space<hbm>>
      tpu.enqueue_dma source(%dma_start3A_675 : memref<32xf32, #tpu.memory_space<hbm>>) target(%dma_start3A_672 : memref<32xf32, #tpu.memory_space<vmem>>) target_semaphore(%arg12 : memref<!tpu.dma_semaphore, #tpu.memory_space<semaphore_mem>>)
      %slice3A_676 = vector.extract_strided_slice %get3A_283 {offsets = [11], sizes = [1], strides = [1]} : vector<16xi32> to vector<1xi32>
      %squeeze3A_677 = vector.extract %slice3A_676[0] : i32 from vector<1xi32>
      %dma_start3A_678 = arith.constant 32 : i32
      %dma_start3A_679 = tpu.memref_slice %arg9[%add3A_661, %dma_start3A_678] : memref<512x64xf32, #tpu.memory_space<vmem>> -> memref<1x32xf32, #tpu.memory_space<vmem>>
      %dma_start3A_680 = tpu.memref_squeeze %dma_start3A_679 : memref<1x32xf32, #tpu.memory_space<vmem>> -> memref<32xf32, #tpu.memory_space<vmem>>
      %dma_start3A_681 = arith.constant 0 : i32
      %dma_start3A_682 = tpu.memref_slice %arg5[%squeeze3A_677, %dma_start3A_681] : memref<1001x32xf32, #tpu.memory_space<hbm>> -> memref<1x32xf32, #tpu.memory_space<hbm>>
      %dma_start3A_683 = tpu.memref_squeeze %dma_start3A_682 : memref<1x32xf32, #tpu.memory_space<hbm>> -> memref<32xf32, #tpu.memory_space<hbm>>
      %dma_start3A_684 = arith.constant 32 : i32
      %dma_start3A_685 = tpu.memref_slice %arg9[%add3A_661, %dma_start3A_684] : memref<512x64xf32, #tpu.memory_space<vmem>> -> memref<1x32xf32, #tpu.memory_space<vmem>>
      %dma_start3A_686 = tpu.memref_squeeze %dma_start3A_685 : memref<1x32xf32, #tpu.memory_space<vmem>> -> memref<32xf32, #tpu.memory_space<vmem>>
      %dma_start3A_687 = arith.constant 0 : i32
      %dma_start3A_688 = tpu.memref_slice %arg5[%squeeze3A_677, %dma_start3A_687] : memref<1001x32xf32, #tpu.memory_space<hbm>> -> memref<1x32xf32, #tpu.memory_space<hbm>>
      %dma_start3A_689 = tpu.memref_squeeze %dma_start3A_688 : memref<1x32xf32, #tpu.memory_space<hbm>> -> memref<32xf32, #tpu.memory_space<hbm>>
      tpu.enqueue_dma source(%dma_start3A_689 : memref<32xf32, #tpu.memory_space<hbm>>) target(%dma_start3A_686 : memref<32xf32, #tpu.memory_space<vmem>>) target_semaphore(%arg12 : memref<!tpu.dma_semaphore, #tpu.memory_space<semaphore_mem>>)
      %mul3A_690 = arith.constant 32 : i32
      %mul3A_691 = arith.muli %scan3A_270, %mul3A_690 : i32
      %add3A_692 = arith.constant 0 : i32
      %add3A_693 = arith.addi %mul3A_691, %add3A_692 : i32
      %add3A_694 = arith.constant 12 : i32
      %add3A_695 = arith.addi %add3A_693, %add3A_694 : i32
      %slice3A_696 = vector.extract_strided_slice %get3A_276 {offsets = [12], sizes = [1], strides = [1]} : vector<16xi32> to vector<1xi32>
      %squeeze3A_697 = vector.extract %slice3A_696[0] : i32 from vector<1xi32>
      %dma_start3A_698 = arith.constant 0 : i32
      %dma_start3A_699 = tpu.memref_slice %arg9[%add3A_695, %dma_start3A_698] : memref<512x64xf32, #tpu.memory_space<vmem>> -> memref<1x32xf32, #tpu.memory_space<vmem>>
      %dma_start3A_700 = tpu.memref_squeeze %dma_start3A_699 : memref<1x32xf32, #tpu.memory_space<vmem>> -> memref<32xf32, #tpu.memory_space<vmem>>
      %dma_start3A_701 = arith.constant 0 : i32
      %dma_start3A_702 = tpu.memref_slice %arg4[%squeeze3A_697, %dma_start3A_701] : memref<100001x32xf32, #tpu.memory_space<hbm>> -> memref<1x32xf32, #tpu.memory_space<hbm>>
      %dma_start3A_703 = tpu.memref_squeeze %dma_start3A_702 : memref<1x32xf32, #tpu.memory_space<hbm>> -> memref<32xf32, #tpu.memory_space<hbm>>
      %dma_start3A_704 = arith.constant 0 : i32
      %dma_start3A_705 = tpu.memref_slice %arg9[%add3A_695, %dma_start3A_704] : memref<512x64xf32, #tpu.memory_space<vmem>> -> memref<1x32xf32, #tpu.memory_space<vmem>>
      %dma_start3A_706 = tpu.memref_squeeze %dma_start3A_705 : memref<1x32xf32, #tpu.memory_space<vmem>> -> memref<32xf32, #tpu.memory_space<vmem>>
      %dma_start3A_707 = arith.constant 0 : i32
      %dma_start3A_708 = tpu.memref_slice %arg4[%squeeze3A_697, %dma_start3A_707] : memref<100001x32xf32, #tpu.memory_space<hbm>> -> memref<1x32xf32, #tpu.memory_space<hbm>>
      %dma_start3A_709 = tpu.memref_squeeze %dma_start3A_708 : memref<1x32xf32, #tpu.memory_space<hbm>> -> memref<32xf32, #tpu.memory_space<hbm>>
      tpu.enqueue_dma source(%dma_start3A_709 : memref<32xf32, #tpu.memory_space<hbm>>) target(%dma_start3A_706 : memref<32xf32, #tpu.memory_space<vmem>>) target_semaphore(%arg12 : memref<!tpu.dma_semaphore, #tpu.memory_space<semaphore_mem>>)
      %slice3A_710 = vector.extract_strided_slice %get3A_283 {offsets = [12], sizes = [1], strides = [1]} : vector<16xi32> to vector<1xi32>
      %squeeze3A_711 = vector.extract %slice3A_710[0] : i32 from vector<1xi32>
      %dma_start3A_712 = arith.constant 32 : i32
      %dma_start3A_713 = tpu.memref_slice %arg9[%add3A_695, %dma_start3A_712] : memref<512x64xf32, #tpu.memory_space<vmem>> -> memref<1x32xf32, #tpu.memory_space<vmem>>
      %dma_start3A_714 = tpu.memref_squeeze %dma_start3A_713 : memref<1x32xf32, #tpu.memory_space<vmem>> -> memref<32xf32, #tpu.memory_space<vmem>>
      %dma_start3A_715 = arith.constant 0 : i32
      %dma_start3A_716 = tpu.memref_slice %arg5[%squeeze3A_711, %dma_start3A_715] : memref<1001x32xf32, #tpu.memory_space<hbm>> -> memref<1x32xf32, #tpu.memory_space<hbm>>
      %dma_start3A_717 = tpu.memref_squeeze %dma_start3A_716 : memref<1x32xf32, #tpu.memory_space<hbm>> -> memref<32xf32, #tpu.memory_space<hbm>>
      %dma_start3A_718 = arith.constant 32 : i32
      %dma_start3A_719 = tpu.memref_slice %arg9[%add3A_695, %dma_start3A_718] : memref<512x64xf32, #tpu.memory_space<vmem>> -> memref<1x32xf32, #tpu.memory_space<vmem>>
      %dma_start3A_720 = tpu.memref_squeeze %dma_start3A_719 : memref<1x32xf32, #tpu.memory_space<vmem>> -> memref<32xf32, #tpu.memory_space<vmem>>
      %dma_start3A_721 = arith.constant 0 : i32
      %dma_start3A_722 = tpu.memref_slice %arg5[%squeeze3A_711, %dma_start3A_721] : memref<1001x32xf32, #tpu.memory_space<hbm>> -> memref<1x32xf32, #tpu.memory_space<hbm>>
      %dma_start3A_723 = tpu.memref_squeeze %dma_start3A_722 : memref<1x32xf32, #tpu.memory_space<hbm>> -> memref<32xf32, #tpu.memory_space<hbm>>
      tpu.enqueue_dma source(%dma_start3A_723 : memref<32xf32, #tpu.memory_space<hbm>>) target(%dma_start3A_720 : memref<32xf32, #tpu.memory_space<vmem>>) target_semaphore(%arg12 : memref<!tpu.dma_semaphore, #tpu.memory_space<semaphore_mem>>)
      %mul3A_724 = arith.constant 32 : i32
      %mul3A_725 = arith.muli %scan3A_270, %mul3A_724 : i32
      %add3A_726 = arith.constant 0 : i32
      %add3A_727 = arith.addi %mul3A_725, %add3A_726 : i32
      %add3A_728 = arith.constant 13 : i32
      %add3A_729 = arith.addi %add3A_727, %add3A_728 : i32
      %slice3A_730 = vector.extract_strided_slice %get3A_276 {offsets = [13], sizes = [1], strides = [1]} : vector<16xi32> to vector<1xi32>
      %squeeze3A_731 = vector.extract %slice3A_730[0] : i32 from vector<1xi32>
      %dma_start3A_732 = arith.constant 0 : i32
      %dma_start3A_733 = tpu.memref_slice %arg9[%add3A_729, %dma_start3A_732] : memref<512x64xf32, #tpu.memory_space<vmem>> -> memref<1x32xf32, #tpu.memory_space<vmem>>
      %dma_start3A_734 = tpu.memref_squeeze %dma_start3A_733 : memref<1x32xf32, #tpu.memory_space<vmem>> -> memref<32xf32, #tpu.memory_space<vmem>>
      %dma_start3A_735 = arith.constant 0 : i32
      %dma_start3A_736 = tpu.memref_slice %arg4[%squeeze3A_731, %dma_start3A_735] : memref<100001x32xf32, #tpu.memory_space<hbm>> -> memref<1x32xf32, #tpu.memory_space<hbm>>
      %dma_start3A_737 = tpu.memref_squeeze %dma_start3A_736 : memref<1x32xf32, #tpu.memory_space<hbm>> -> memref<32xf32, #tpu.memory_space<hbm>>
      %dma_start3A_738 = arith.constant 0 : i32
      %dma_start3A_739 = tpu.memref_slice %arg9[%add3A_729, %dma_start3A_738] : memref<512x64xf32, #tpu.memory_space<vmem>> -> memref<1x32xf32, #tpu.memory_space<vmem>>
      %dma_start3A_740 = tpu.memref_squeeze %dma_start3A_739 : memref<1x32xf32, #tpu.memory_space<vmem>> -> memref<32xf32, #tpu.memory_space<vmem>>
      %dma_start3A_741 = arith.constant 0 : i32
      %dma_start3A_742 = tpu.memref_slice %arg4[%squeeze3A_731, %dma_start3A_741] : memref<100001x32xf32, #tpu.memory_space<hbm>> -> memref<1x32xf32, #tpu.memory_space<hbm>>
      %dma_start3A_743 = tpu.memref_squeeze %dma_start3A_742 : memref<1x32xf32, #tpu.memory_space<hbm>> -> memref<32xf32, #tpu.memory_space<hbm>>
      tpu.enqueue_dma source(%dma_start3A_743 : memref<32xf32, #tpu.memory_space<hbm>>) target(%dma_start3A_740 : memref<32xf32, #tpu.memory_space<vmem>>) target_semaphore(%arg12 : memref<!tpu.dma_semaphore, #tpu.memory_space<semaphore_mem>>)
      %slice3A_744 = vector.extract_strided_slice %get3A_283 {offsets = [13], sizes = [1], strides = [1]} : vector<16xi32> to vector<1xi32>
      %squeeze3A_745 = vector.extract %slice3A_744[0] : i32 from vector<1xi32>
      %dma_start3A_746 = arith.constant 32 : i32
      %dma_start3A_747 = tpu.memref_slice %arg9[%add3A_729, %dma_start3A_746] : memref<512x64xf32, #tpu.memory_space<vmem>> -> memref<1x32xf32, #tpu.memory_space<vmem>>
      %dma_start3A_748 = tpu.memref_squeeze %dma_start3A_747 : memref<1x32xf32, #tpu.memory_space<vmem>> -> memref<32xf32, #tpu.memory_space<vmem>>
      %dma_start3A_749 = arith.constant 0 : i32
      %dma_start3A_750 = tpu.memref_slice %arg5[%squeeze3A_745, %dma_start3A_749] : memref<1001x32xf32, #tpu.memory_space<hbm>> -> memref<1x32xf32, #tpu.memory_space<hbm>>
      %dma_start3A_751 = tpu.memref_squeeze %dma_start3A_750 : memref<1x32xf32, #tpu.memory_space<hbm>> -> memref<32xf32, #tpu.memory_space<hbm>>
      %dma_start3A_752 = arith.constant 32 : i32
      %dma_start3A_753 = tpu.memref_slice %arg9[%add3A_729, %dma_start3A_752] : memref<512x64xf32, #tpu.memory_space<vmem>> -> memref<1x32xf32, #tpu.memory_space<vmem>>
      %dma_start3A_754 = tpu.memref_squeeze %dma_start3A_753 : memref<1x32xf32, #tpu.memory_space<vmem>> -> memref<32xf32, #tpu.memory_space<vmem>>
      %dma_start3A_755 = arith.constant 0 : i32
      %dma_start3A_756 = tpu.memref_slice %arg5[%squeeze3A_745, %dma_start3A_755] : memref<1001x32xf32, #tpu.memory_space<hbm>> -> memref<1x32xf32, #tpu.memory_space<hbm>>
      %dma_start3A_757 = tpu.memref_squeeze %dma_start3A_756 : memref<1x32xf32, #tpu.memory_space<hbm>> -> memref<32xf32, #tpu.memory_space<hbm>>
      tpu.enqueue_dma source(%dma_start3A_757 : memref<32xf32, #tpu.memory_space<hbm>>) target(%dma_start3A_754 : memref<32xf32, #tpu.memory_space<vmem>>) target_semaphore(%arg12 : memref<!tpu.dma_semaphore, #tpu.memory_space<semaphore_mem>>)
      %mul3A_758 = arith.constant 32 : i32
      %mul3A_759 = arith.muli %scan3A_270, %mul3A_758 : i32
      %add3A_760 = arith.constant 0 : i32
      %add3A_761 = arith.addi %mul3A_759, %add3A_760 : i32
      %add3A_762 = arith.constant 14 : i32
      %add3A_763 = arith.addi %add3A_761, %add3A_762 : i32
      %slice3A_764 = vector.extract_strided_slice %get3A_276 {offsets = [14], sizes = [1], strides = [1]} : vector<16xi32> to vector<1xi32>
      %squeeze3A_765 = vector.extract %slice3A_764[0] : i32 from vector<1xi32>
      %dma_start3A_766 = arith.constant 0 : i32
      %dma_start3A_767 = tpu.memref_slice %arg9[%add3A_763, %dma_start3A_766] : memref<512x64xf32, #tpu.memory_space<vmem>> -> memref<1x32xf32, #tpu.memory_space<vmem>>
      %dma_start3A_768 = tpu.memref_squeeze %dma_start3A_767 : memref<1x32xf32, #tpu.memory_space<vmem>> -> memref<32xf32, #tpu.memory_space<vmem>>
      %dma_start3A_769 = arith.constant 0 : i32
      %dma_start3A_770 = tpu.memref_slice %arg4[%squeeze3A_765, %dma_start3A_769] : memref<100001x32xf32, #tpu.memory_space<hbm>> -> memref<1x32xf32, #tpu.memory_space<hbm>>
      %dma_start3A_771 = tpu.memref_squeeze %dma_start3A_770 : memref<1x32xf32, #tpu.memory_space<hbm>> -> memref<32xf32, #tpu.memory_space<hbm>>
      %dma_start3A_772 = arith.constant 0 : i32
      %dma_start3A_773 = tpu.memref_slice %arg9[%add3A_763, %dma_start3A_772] : memref<512x64xf32, #tpu.memory_space<vmem>> -> memref<1x32xf32, #tpu.memory_space<vmem>>
      %dma_start3A_774 = tpu.memref_squeeze %dma_start3A_773 : memref<1x32xf32, #tpu.memory_space<vmem>> -> memref<32xf32, #tpu.memory_space<vmem>>
      %dma_start3A_775 = arith.constant 0 : i32
      %dma_start3A_776 = tpu.memref_slice %arg4[%squeeze3A_765, %dma_start3A_775] : memref<100001x32xf32, #tpu.memory_space<hbm>> -> memref<1x32xf32, #tpu.memory_space<hbm>>
      %dma_start3A_777 = tpu.memref_squeeze %dma_start3A_776 : memref<1x32xf32, #tpu.memory_space<hbm>> -> memref<32xf32, #tpu.memory_space<hbm>>
      tpu.enqueue_dma source(%dma_start3A_777 : memref<32xf32, #tpu.memory_space<hbm>>) target(%dma_start3A_774 : memref<32xf32, #tpu.memory_space<vmem>>) target_semaphore(%arg12 : memref<!tpu.dma_semaphore, #tpu.memory_space<semaphore_mem>>)
      %slice3A_778 = vector.extract_strided_slice %get3A_283 {offsets = [14], sizes = [1], strides = [1]} : vector<16xi32> to vector<1xi32>
      %squeeze3A_779 = vector.extract %slice3A_778[0] : i32 from vector<1xi32>
      %dma_start3A_780 = arith.constant 32 : i32
      %dma_start3A_781 = tpu.memref_slice %arg9[%add3A_763, %dma_start3A_780] : memref<512x64xf32, #tpu.memory_space<vmem>> -> memref<1x32xf32, #tpu.memory_space<vmem>>
      %dma_start3A_782 = tpu.memref_squeeze %dma_start3A_781 : memref<1x32xf32, #tpu.memory_space<vmem>> -> memref<32xf32, #tpu.memory_space<vmem>>
      %dma_start3A_783 = arith.constant 0 : i32
      %dma_start3A_784 = tpu.memref_slice %arg5[%squeeze3A_779, %dma_start3A_783] : memref<1001x32xf32, #tpu.memory_space<hbm>> -> memref<1x32xf32, #tpu.memory_space<hbm>>
      %dma_start3A_785 = tpu.memref_squeeze %dma_start3A_784 : memref<1x32xf32, #tpu.memory_space<hbm>> -> memref<32xf32, #tpu.memory_space<hbm>>
      %dma_start3A_786 = arith.constant 32 : i32
      %dma_start3A_787 = tpu.memref_slice %arg9[%add3A_763, %dma_start3A_786] : memref<512x64xf32, #tpu.memory_space<vmem>> -> memref<1x32xf32, #tpu.memory_space<vmem>>
      %dma_start3A_788 = tpu.memref_squeeze %dma_start3A_787 : memref<1x32xf32, #tpu.memory_space<vmem>> -> memref<32xf32, #tpu.memory_space<vmem>>
      %dma_start3A_789 = arith.constant 0 : i32
      %dma_start3A_790 = tpu.memref_slice %arg5[%squeeze3A_779, %dma_start3A_789] : memref<1001x32xf32, #tpu.memory_space<hbm>> -> memref<1x32xf32, #tpu.memory_space<hbm>>
      %dma_start3A_791 = tpu.memref_squeeze %dma_start3A_790 : memref<1x32xf32, #tpu.memory_space<hbm>> -> memref<32xf32, #tpu.memory_space<hbm>>
      tpu.enqueue_dma source(%dma_start3A_791 : memref<32xf32, #tpu.memory_space<hbm>>) target(%dma_start3A_788 : memref<32xf32, #tpu.memory_space<vmem>>) target_semaphore(%arg12 : memref<!tpu.dma_semaphore, #tpu.memory_space<semaphore_mem>>)
      %mul3A_792 = arith.constant 32 : i32
      %mul3A_793 = arith.muli %scan3A_270, %mul3A_792 : i32
      %add3A_794 = arith.constant 0 : i32
      %add3A_795 = arith.addi %mul3A_793, %add3A_794 : i32
      %add3A_796 = arith.constant 15 : i32
      %add3A_797 = arith.addi %add3A_795, %add3A_796 : i32
      %slice3A_798 = vector.extract_strided_slice %get3A_276 {offsets = [15], sizes = [1], strides = [1]} : vector<16xi32> to vector<1xi32>
      %squeeze3A_799 = vector.extract %slice3A_798[0] : i32 from vector<1xi32>
      %dma_start3A_800 = arith.constant 0 : i32
      %dma_start3A_801 = tpu.memref_slice %arg9[%add3A_797, %dma_start3A_800] : memref<512x64xf32, #tpu.memory_space<vmem>> -> memref<1x32xf32, #tpu.memory_space<vmem>>
      %dma_start3A_802 = tpu.memref_squeeze %dma_start3A_801 : memref<1x32xf32, #tpu.memory_space<vmem>> -> memref<32xf32, #tpu.memory_space<vmem>>
      %dma_start3A_803 = arith.constant 0 : i32
      %dma_start3A_804 = tpu.memref_slice %arg4[%squeeze3A_799, %dma_start3A_803] : memref<100001x32xf32, #tpu.memory_space<hbm>> -> memref<1x32xf32, #tpu.memory_space<hbm>>
      %dma_start3A_805 = tpu.memref_squeeze %dma_start3A_804 : memref<1x32xf32, #tpu.memory_space<hbm>> -> memref<32xf32, #tpu.memory_space<hbm>>
      %dma_start3A_806 = arith.constant 0 : i32
      %dma_start3A_807 = tpu.memref_slice %arg9[%add3A_797, %dma_start3A_806] : memref<512x64xf32, #tpu.memory_space<vmem>> -> memref<1x32xf32, #tpu.memory_space<vmem>>
      %dma_start3A_808 = tpu.memref_squeeze %dma_start3A_807 : memref<1x32xf32, #tpu.memory_space<vmem>> -> memref<32xf32, #tpu.memory_space<vmem>>
      %dma_start3A_809 = arith.constant 0 : i32
      %dma_start3A_810 = tpu.memref_slice %arg4[%squeeze3A_799, %dma_start3A_809] : memref<100001x32xf32, #tpu.memory_space<hbm>> -> memref<1x32xf32, #tpu.memory_space<hbm>>
      %dma_start3A_811 = tpu.memref_squeeze %dma_start3A_810 : memref<1x32xf32, #tpu.memory_space<hbm>> -> memref<32xf32, #tpu.memory_space<hbm>>
      tpu.enqueue_dma source(%dma_start3A_811 : memref<32xf32, #tpu.memory_space<hbm>>) target(%dma_start3A_808 : memref<32xf32, #tpu.memory_space<vmem>>) target_semaphore(%arg12 : memref<!tpu.dma_semaphore, #tpu.memory_space<semaphore_mem>>)
      %slice3A_812 = vector.extract_strided_slice %get3A_283 {offsets = [15], sizes = [1], strides = [1]} : vector<16xi32> to vector<1xi32>
      %squeeze3A_813 = vector.extract %slice3A_812[0] : i32 from vector<1xi32>
      %dma_start3A_814 = arith.constant 32 : i32
      %dma_start3A_815 = tpu.memref_slice %arg9[%add3A_797, %dma_start3A_814] : memref<512x64xf32, #tpu.memory_space<vmem>> -> memref<1x32xf32, #tpu.memory_space<vmem>>
      %dma_start3A_816 = tpu.memref_squeeze %dma_start3A_815 : memref<1x32xf32, #tpu.memory_space<vmem>> -> memref<32xf32, #tpu.memory_space<vmem>>
      %dma_start3A_817 = arith.constant 0 : i32
      %dma_start3A_818 = tpu.memref_slice %arg5[%squeeze3A_813, %dma_start3A_817] : memref<1001x32xf32, #tpu.memory_space<hbm>> -> memref<1x32xf32, #tpu.memory_space<hbm>>
      %dma_start3A_819 = tpu.memref_squeeze %dma_start3A_818 : memref<1x32xf32, #tpu.memory_space<hbm>> -> memref<32xf32, #tpu.memory_space<hbm>>
      %dma_start3A_820 = arith.constant 32 : i32
      %dma_start3A_821 = tpu.memref_slice %arg9[%add3A_797, %dma_start3A_820] : memref<512x64xf32, #tpu.memory_space<vmem>> -> memref<1x32xf32, #tpu.memory_space<vmem>>
      %dma_start3A_822 = tpu.memref_squeeze %dma_start3A_821 : memref<1x32xf32, #tpu.memory_space<vmem>> -> memref<32xf32, #tpu.memory_space<vmem>>
      %dma_start3A_823 = arith.constant 0 : i32
      %dma_start3A_824 = tpu.memref_slice %arg5[%squeeze3A_813, %dma_start3A_823] : memref<1001x32xf32, #tpu.memory_space<hbm>> -> memref<1x32xf32, #tpu.memory_space<hbm>>
      %dma_start3A_825 = tpu.memref_squeeze %dma_start3A_824 : memref<1x32xf32, #tpu.memory_space<hbm>> -> memref<32xf32, #tpu.memory_space<hbm>>
      tpu.enqueue_dma source(%dma_start3A_825 : memref<32xf32, #tpu.memory_space<hbm>>) target(%dma_start3A_822 : memref<32xf32, #tpu.memory_space<vmem>>) target_semaphore(%arg12 : memref<!tpu.dma_semaphore, #tpu.memory_space<semaphore_mem>>)
      %mul3A_826 = arith.constant 32 : i32
      %mul3A_827 = arith.muli %scan3A_270, %mul3A_826 : i32
      %add3A_828 = arith.constant 16 : i32
      %add3A_829 = arith.addi %mul3A_827, %add3A_828 : i32
      %get3A_830 = arith.index_cast %add3A_829 : i32 to index
      %get3A_831 = tpu.vector_load %arg7[%get3A_830] {strides = array<i32>} : memref<512xi32, #tpu.memory_space<vmem>>, vector<16xi32>,
      %get3A_832 = vector.shape_cast %get3A_831 : vector<16xi32> to vector<16xi32>
      %mul3A_833 = arith.constant 32 : i32
      %mul3A_834 = arith.muli %scan3A_270, %mul3A_833 : i32
      %add3A_835 = arith.constant 16 : i32
      %add3A_836 = arith.addi %mul3A_834, %add3A_835 : i32
      %get3A_837 = arith.index_cast %add3A_836 : i32 to index
      %get3A_838 = tpu.vector_load %arg8[%get3A_837] {strides = array<i32>} : memref<512xi32, #tpu.memory_space<vmem>>, vector<16xi32>,
      %get3A_839 = vector.shape_cast %get3A_838 : vector<16xi32> to vector<16xi32>
      %mul3A_840 = arith.constant 32 : i32
      %mul3A_841 = arith.muli %scan3A_270, %mul3A_840 : i32
      %add3A_842 = arith.constant 16 : i32
      %add3A_843 = arith.addi %mul3A_841, %add3A_842 : i32
      %add3A_844 = arith.constant 0 : i32
      %add3A_845 = arith.addi %add3A_843, %add3A_844 : i32
      %slice3A_846 = vector.extract_strided_slice %get3A_832 {offsets = [0], sizes = [1], strides = [1]} : vector<16xi32> to vector<1xi32>
      %squeeze3A_847 = vector.extract %slice3A_846[0] : i32 from vector<1xi32>
      %dma_start3A_848 = arith.constant 0 : i32
      %dma_start3A_849 = tpu.memref_slice %arg9[%add3A_845, %dma_start3A_848] : memref<512x64xf32, #tpu.memory_space<vmem>> -> memref<1x32xf32, #tpu.memory_space<vmem>>
      %dma_start3A_850 = tpu.memref_squeeze %dma_start3A_849 : memref<1x32xf32, #tpu.memory_space<vmem>> -> memref<32xf32, #tpu.memory_space<vmem>>
      %dma_start3A_851 = arith.constant 0 : i32
      %dma_start3A_852 = tpu.memref_slice %arg4[%squeeze3A_847, %dma_start3A_851] : memref<100001x32xf32, #tpu.memory_space<hbm>> -> memref<1x32xf32, #tpu.memory_space<hbm>>
      %dma_start3A_853 = tpu.memref_squeeze %dma_start3A_852 : memref<1x32xf32, #tpu.memory_space<hbm>> -> memref<32xf32, #tpu.memory_space<hbm>>
      %dma_start3A_854 = arith.constant 0 : i32
      %dma_start3A_855 = tpu.memref_slice %arg9[%add3A_845, %dma_start3A_854] : memref<512x64xf32, #tpu.memory_space<vmem>> -> memref<1x32xf32, #tpu.memory_space<vmem>>
      %dma_start3A_856 = tpu.memref_squeeze %dma_start3A_855 : memref<1x32xf32, #tpu.memory_space<vmem>> -> memref<32xf32, #tpu.memory_space<vmem>>
      %dma_start3A_857 = arith.constant 0 : i32
      %dma_start3A_858 = tpu.memref_slice %arg4[%squeeze3A_847, %dma_start3A_857] : memref<100001x32xf32, #tpu.memory_space<hbm>> -> memref<1x32xf32, #tpu.memory_space<hbm>>
      %dma_start3A_859 = tpu.memref_squeeze %dma_start3A_858 : memref<1x32xf32, #tpu.memory_space<hbm>> -> memref<32xf32, #tpu.memory_space<hbm>>
      tpu.enqueue_dma source(%dma_start3A_859 : memref<32xf32, #tpu.memory_space<hbm>>) target(%dma_start3A_856 : memref<32xf32, #tpu.memory_space<vmem>>) target_semaphore(%arg12 : memref<!tpu.dma_semaphore, #tpu.memory_space<semaphore_mem>>)
      %slice3A_860 = vector.extract_strided_slice %get3A_839 {offsets = [0], sizes = [1], strides = [1]} : vector<16xi32> to vector<1xi32>
      %squeeze3A_861 = vector.extract %slice3A_860[0] : i32 from vector<1xi32>
      %dma_start3A_862 = arith.constant 32 : i32
      %dma_start3A_863 = tpu.memref_slice %arg9[%add3A_845, %dma_start3A_862] : memref<512x64xf32, #tpu.memory_space<vmem>> -> memref<1x32xf32, #tpu.memory_space<vmem>>
      %dma_start3A_864 = tpu.memref_squeeze %dma_start3A_863 : memref<1x32xf32, #tpu.memory_space<vmem>> -> memref<32xf32, #tpu.memory_space<vmem>>
      %dma_start3A_865 = arith.constant 0 : i32
      %dma_start3A_866 = tpu.memref_slice %arg5[%squeeze3A_861, %dma_start3A_865] : memref<1001x32xf32, #tpu.memory_space<hbm>> -> memref<1x32xf32, #tpu.memory_space<hbm>>
      %dma_start3A_867 = tpu.memref_squeeze %dma_start3A_866 : memref<1x32xf32, #tpu.memory_space<hbm>> -> memref<32xf32, #tpu.memory_space<hbm>>
      %dma_start3A_868 = arith.constant 32 : i32
      %dma_start3A_869 = tpu.memref_slice %arg9[%add3A_845, %dma_start3A_868] : memref<512x64xf32, #tpu.memory_space<vmem>> -> memref<1x32xf32, #tpu.memory_space<vmem>>
      %dma_start3A_870 = tpu.memref_squeeze %dma_start3A_869 : memref<1x32xf32, #tpu.memory_space<vmem>> -> memref<32xf32, #tpu.memory_space<vmem>>
      %dma_start3A_871 = arith.constant 0 : i32
      %dma_start3A_872 = tpu.memref_slice %arg5[%squeeze3A_861, %dma_start3A_871] : memref<1001x32xf32, #tpu.memory_space<hbm>> -> memref<1x32xf32, #tpu.memory_space<hbm>>
      %dma_start3A_873 = tpu.memref_squeeze %dma_start3A_872 : memref<1x32xf32, #tpu.memory_space<hbm>> -> memref<32xf32, #tpu.memory_space<hbm>>
      tpu.enqueue_dma source(%dma_start3A_873 : memref<32xf32, #tpu.memory_space<hbm>>) target(%dma_start3A_870 : memref<32xf32, #tpu.memory_space<vmem>>) target_semaphore(%arg12 : memref<!tpu.dma_semaphore, #tpu.memory_space<semaphore_mem>>)
      %mul3A_874 = arith.constant 32 : i32
      %mul3A_875 = arith.muli %scan3A_270, %mul3A_874 : i32
      %add3A_876 = arith.constant 16 : i32
      %add3A_877 = arith.addi %mul3A_875, %add3A_876 : i32
      %add3A_878 = arith.constant 1 : i32
      %add3A_879 = arith.addi %add3A_877, %add3A_878 : i32
      %slice3A_880 = vector.extract_strided_slice %get3A_832 {offsets = [1], sizes = [1], strides = [1]} : vector<16xi32> to vector<1xi32>
      %squeeze3A_881 = vector.extract %slice3A_880[0] : i32 from vector<1xi32>
      %dma_start3A_882 = arith.constant 0 : i32
      %dma_start3A_883 = tpu.memref_slice %arg9[%add3A_879, %dma_start3A_882] : memref<512x64xf32, #tpu.memory_space<vmem>> -> memref<1x32xf32, #tpu.memory_space<vmem>>
      %dma_start3A_884 = tpu.memref_squeeze %dma_start3A_883 : memref<1x32xf32, #tpu.memory_space<vmem>> -> memref<32xf32, #tpu.memory_space<vmem>>
      %dma_start3A_885 = arith.constant 0 : i32
      %dma_start3A_886 = tpu.memref_slice %arg4[%squeeze3A_881, %dma_start3A_885] : memref<100001x32xf32, #tpu.memory_space<hbm>> -> memref<1x32xf32, #tpu.memory_space<hbm>>
      %dma_start3A_887 = tpu.memref_squeeze %dma_start3A_886 : memref<1x32xf32, #tpu.memory_space<hbm>> -> memref<32xf32, #tpu.memory_space<hbm>>
      %dma_start3A_888 = arith.constant 0 : i32
      %dma_start3A_889 = tpu.memref_slice %arg9[%add3A_879, %dma_start3A_888] : memref<512x64xf32, #tpu.memory_space<vmem>> -> memref<1x32xf32, #tpu.memory_space<vmem>>
      %dma_start3A_890 = tpu.memref_squeeze %dma_start3A_889 : memref<1x32xf32, #tpu.memory_space<vmem>> -> memref<32xf32, #tpu.memory_space<vmem>>
      %dma_start3A_891 = arith.constant 0 : i32
      %dma_start3A_892 = tpu.memref_slice %arg4[%squeeze3A_881, %dma_start3A_891] : memref<100001x32xf32, #tpu.memory_space<hbm>> -> memref<1x32xf32, #tpu.memory_space<hbm>>
      %dma_start3A_893 = tpu.memref_squeeze %dma_start3A_892 : memref<1x32xf32, #tpu.memory_space<hbm>> -> memref<32xf32, #tpu.memory_space<hbm>>
      tpu.enqueue_dma source(%dma_start3A_893 : memref<32xf32, #tpu.memory_space<hbm>>) target(%dma_start3A_890 : memref<32xf32, #tpu.memory_space<vmem>>) target_semaphore(%arg12 : memref<!tpu.dma_semaphore, #tpu.memory_space<semaphore_mem>>)
      %slice3A_894 = vector.extract_strided_slice %get3A_839 {offsets = [1], sizes = [1], strides = [1]} : vector<16xi32> to vector<1xi32>
      %squeeze3A_895 = vector.extract %slice3A_894[0] : i32 from vector<1xi32>
      %dma_start3A_896 = arith.constant 32 : i32
      %dma_start3A_897 = tpu.memref_slice %arg9[%add3A_879, %dma_start3A_896] : memref<512x64xf32, #tpu.memory_space<vmem>> -> memref<1x32xf32, #tpu.memory_space<vmem>>
      %dma_start3A_898 = tpu.memref_squeeze %dma_start3A_897 : memref<1x32xf32, #tpu.memory_space<vmem>> -> memref<32xf32, #tpu.memory_space<vmem>>
      %dma_start3A_899 = arith.constant 0 : i32
      %dma_start3A_900 = tpu.memref_slice %arg5[%squeeze3A_895, %dma_start3A_899] : memref<1001x32xf32, #tpu.memory_space<hbm>> -> memref<1x32xf32, #tpu.memory_space<hbm>>
      %dma_start3A_901 = tpu.memref_squeeze %dma_start3A_900 : memref<1x32xf32, #tpu.memory_space<hbm>> -> memref<32xf32, #tpu.memory_space<hbm>>
      %dma_start3A_902 = arith.constant 32 : i32
      %dma_start3A_903 = tpu.memref_slice %arg9[%add3A_879, %dma_start3A_902] : memref<512x64xf32, #tpu.memory_space<vmem>> -> memref<1x32xf32, #tpu.memory_space<vmem>>
      %dma_start3A_904 = tpu.memref_squeeze %dma_start3A_903 : memref<1x32xf32, #tpu.memory_space<vmem>> -> memref<32xf32, #tpu.memory_space<vmem>>
      %dma_start3A_905 = arith.constant 0 : i32
      %dma_start3A_906 = tpu.memref_slice %arg5[%squeeze3A_895, %dma_start3A_905] : memref<1001x32xf32, #tpu.memory_space<hbm>> -> memref<1x32xf32, #tpu.memory_space<hbm>>
      %dma_start3A_907 = tpu.memref_squeeze %dma_start3A_906 : memref<1x32xf32, #tpu.memory_space<hbm>> -> memref<32xf32, #tpu.memory_space<hbm>>
      tpu.enqueue_dma source(%dma_start3A_907 : memref<32xf32, #tpu.memory_space<hbm>>) target(%dma_start3A_904 : memref<32xf32, #tpu.memory_space<vmem>>) target_semaphore(%arg12 : memref<!tpu.dma_semaphore, #tpu.memory_space<semaphore_mem>>)
      %mul3A_908 = arith.constant 32 : i32
      %mul3A_909 = arith.muli %scan3A_270, %mul3A_908 : i32
      %add3A_910 = arith.constant 16 : i32
      %add3A_911 = arith.addi %mul3A_909, %add3A_910 : i32
      %add3A_912 = arith.constant 2 : i32
      %add3A_913 = arith.addi %add3A_911, %add3A_912 : i32
      %slice3A_914 = vector.extract_strided_slice %get3A_832 {offsets = [2], sizes = [1], strides = [1]} : vector<16xi32> to vector<1xi32>
      %squeeze3A_915 = vector.extract %slice3A_914[0] : i32 from vector<1xi32>
      %dma_start3A_916 = arith.constant 0 : i32
      %dma_start3A_917 = tpu.memref_slice %arg9[%add3A_913, %dma_start3A_916] : memref<512x64xf32, #tpu.memory_space<vmem>> -> memref<1x32xf32, #tpu.memory_space<vmem>>
      %dma_start3A_918 = tpu.memref_squeeze %dma_start3A_917 : memref<1x32xf32, #tpu.memory_space<vmem>> -> memref<32xf32, #tpu.memory_space<vmem>>
      %dma_start3A_919 = arith.constant 0 : i32
      %dma_start3A_920 = tpu.memref_slice %arg4[%squeeze3A_915, %dma_start3A_919] : memref<100001x32xf32, #tpu.memory_space<hbm>> -> memref<1x32xf32, #tpu.memory_space<hbm>>
      %dma_start3A_921 = tpu.memref_squeeze %dma_start3A_920 : memref<1x32xf32, #tpu.memory_space<hbm>> -> memref<32xf32, #tpu.memory_space<hbm>>
      %dma_start3A_922 = arith.constant 0 : i32
      %dma_start3A_923 = tpu.memref_slice %arg9[%add3A_913, %dma_start3A_922] : memref<512x64xf32, #tpu.memory_space<vmem>> -> memref<1x32xf32, #tpu.memory_space<vmem>>
      %dma_start3A_924 = tpu.memref_squeeze %dma_start3A_923 : memref<1x32xf32, #tpu.memory_space<vmem>> -> memref<32xf32, #tpu.memory_space<vmem>>
      %dma_start3A_925 = arith.constant 0 : i32
      %dma_start3A_926 = tpu.memref_slice %arg4[%squeeze3A_915, %dma_start3A_925] : memref<100001x32xf32, #tpu.memory_space<hbm>> -> memref<1x32xf32, #tpu.memory_space<hbm>>
      %dma_start3A_927 = tpu.memref_squeeze %dma_start3A_926 : memref<1x32xf32, #tpu.memory_space<hbm>> -> memref<32xf32, #tpu.memory_space<hbm>>
      tpu.enqueue_dma source(%dma_start3A_927 : memref<32xf32, #tpu.memory_space<hbm>>) target(%dma_start3A_924 : memref<32xf32, #tpu.memory_space<vmem>>) target_semaphore(%arg12 : memref<!tpu.dma_semaphore, #tpu.memory_space<semaphore_mem>>)
      %slice3A_928 = vector.extract_strided_slice %get3A_839 {offsets = [2], sizes = [1], strides = [1]} : vector<16xi32> to vector<1xi32>
      %squeeze3A_929 = vector.extract %slice3A_928[0] : i32 from vector<1xi32>
      %dma_start3A_930 = arith.constant 32 : i32
      %dma_start3A_931 = tpu.memref_slice %arg9[%add3A_913, %dma_start3A_930] : memref<512x64xf32, #tpu.memory_space<vmem>> -> memref<1x32xf32, #tpu.memory_space<vmem>>
      %dma_start3A_932 = tpu.memref_squeeze %dma_start3A_931 : memref<1x32xf32, #tpu.memory_space<vmem>> -> memref<32xf32, #tpu.memory_space<vmem>>
      %dma_start3A_933 = arith.constant 0 : i32
      %dma_start3A_934 = tpu.memref_slice %arg5[%squeeze3A_929, %dma_start3A_933] : memref<1001x32xf32, #tpu.memory_space<hbm>> -> memref<1x32xf32, #tpu.memory_space<hbm>>
      %dma_start3A_935 = tpu.memref_squeeze %dma_start3A_934 : memref<1x32xf32, #tpu.memory_space<hbm>> -> memref<32xf32, #tpu.memory_space<hbm>>
      %dma_start3A_936 = arith.constant 32 : i32
      %dma_start3A_937 = tpu.memref_slice %arg9[%add3A_913, %dma_start3A_936] : memref<512x64xf32, #tpu.memory_space<vmem>> -> memref<1x32xf32, #tpu.memory_space<vmem>>
      %dma_start3A_938 = tpu.memref_squeeze %dma_start3A_937 : memref<1x32xf32, #tpu.memory_space<vmem>> -> memref<32xf32, #tpu.memory_space<vmem>>
      %dma_start3A_939 = arith.constant 0 : i32
      %dma_start3A_940 = tpu.memref_slice %arg5[%squeeze3A_929, %dma_start3A_939] : memref<1001x32xf32, #tpu.memory_space<hbm>> -> memref<1x32xf32, #tpu.memory_space<hbm>>
      %dma_start3A_941 = tpu.memref_squeeze %dma_start3A_940 : memref<1x32xf32, #tpu.memory_space<hbm>> -> memref<32xf32, #tpu.memory_space<hbm>>
      tpu.enqueue_dma source(%dma_start3A_941 : memref<32xf32, #tpu.memory_space<hbm>>) target(%dma_start3A_938 : memref<32xf32, #tpu.memory_space<vmem>>) target_semaphore(%arg12 : memref<!tpu.dma_semaphore, #tpu.memory_space<semaphore_mem>>)
      %mul3A_942 = arith.constant 32 : i32
      %mul3A_943 = arith.muli %scan3A_270, %mul3A_942 : i32
      %add3A_944 = arith.constant 16 : i32
      %add3A_945 = arith.addi %mul3A_943, %add3A_944 : i32
      %add3A_946 = arith.constant 3 : i32
      %add3A_947 = arith.addi %add3A_945, %add3A_946 : i32
      %slice3A_948 = vector.extract_strided_slice %get3A_832 {offsets = [3], sizes = [1], strides = [1]} : vector<16xi32> to vector<1xi32>
      %squeeze3A_949 = vector.extract %slice3A_948[0] : i32 from vector<1xi32>
      %dma_start3A_950 = arith.constant 0 : i32
      %dma_start3A_951 = tpu.memref_slice %arg9[%add3A_947, %dma_start3A_950] : memref<512x64xf32, #tpu.memory_space<vmem>> -> memref<1x32xf32, #tpu.memory_space<vmem>>
      %dma_start3A_952 = tpu.memref_squeeze %dma_start3A_951 : memref<1x32xf32, #tpu.memory_space<vmem>> -> memref<32xf32, #tpu.memory_space<vmem>>
      %dma_start3A_953 = arith.constant 0 : i32
      %dma_start3A_954 = tpu.memref_slice %arg4[%squeeze3A_949, %dma_start3A_953] : memref<100001x32xf32, #tpu.memory_space<hbm>> -> memref<1x32xf32, #tpu.memory_space<hbm>>
      %dma_start3A_955 = tpu.memref_squeeze %dma_start3A_954 : memref<1x32xf32, #tpu.memory_space<hbm>> -> memref<32xf32, #tpu.memory_space<hbm>>
      %dma_start3A_956 = arith.constant 0 : i32
      %dma_start3A_957 = tpu.memref_slice %arg9[%add3A_947, %dma_start3A_956] : memref<512x64xf32, #tpu.memory_space<vmem>> -> memref<1x32xf32, #tpu.memory_space<vmem>>
      %dma_start3A_958 = tpu.memref_squeeze %dma_start3A_957 : memref<1x32xf32, #tpu.memory_space<vmem>> -> memref<32xf32, #tpu.memory_space<vmem>>
      %dma_start3A_959 = arith.constant 0 : i32
      %dma_start3A_960 = tpu.memref_slice %arg4[%squeeze3A_949, %dma_start3A_959] : memref<100001x32xf32, #tpu.memory_space<hbm>> -> memref<1x32xf32, #tpu.memory_space<hbm>>
      %dma_start3A_961 = tpu.memref_squeeze %dma_start3A_960 : memref<1x32xf32, #tpu.memory_space<hbm>> -> memref<32xf32, #tpu.memory_space<hbm>>
      tpu.enqueue_dma source(%dma_start3A_961 : memref<32xf32, #tpu.memory_space<hbm>>) target(%dma_start3A_958 : memref<32xf32, #tpu.memory_space<vmem>>) target_semaphore(%arg12 : memref<!tpu.dma_semaphore, #tpu.memory_space<semaphore_mem>>)
      %slice3A_962 = vector.extract_strided_slice %get3A_839 {offsets = [3], sizes = [1], strides = [1]} : vector<16xi32> to vector<1xi32>
      %squeeze3A_963 = vector.extract %slice3A_962[0] : i32 from vector<1xi32>
      %dma_start3A_964 = arith.constant 32 : i32
      %dma_start3A_965 = tpu.memref_slice %arg9[%add3A_947, %dma_start3A_964] : memref<512x64xf32, #tpu.memory_space<vmem>> -> memref<1x32xf32, #tpu.memory_space<vmem>>
      %dma_start3A_966 = tpu.memref_squeeze %dma_start3A_965 : memref<1x32xf32, #tpu.memory_space<vmem>> -> memref<32xf32, #tpu.memory_space<vmem>>
      %dma_start3A_967 = arith.constant 0 : i32
      %dma_start3A_968 = tpu.memref_slice %arg5[%squeeze3A_963, %dma_start3A_967] : memref<1001x32xf32, #tpu.memory_space<hbm>> -> memref<1x32xf32, #tpu.memory_space<hbm>>
      %dma_start3A_969 = tpu.memref_squeeze %dma_start3A_968 : memref<1x32xf32, #tpu.memory_space<hbm>> -> memref<32xf32, #tpu.memory_space<hbm>>
      %dma_start3A_970 = arith.constant 32 : i32
      %dma_start3A_971 = tpu.memref_slice %arg9[%add3A_947, %dma_start3A_970] : memref<512x64xf32, #tpu.memory_space<vmem>> -> memref<1x32xf32, #tpu.memory_space<vmem>>
      %dma_start3A_972 = tpu.memref_squeeze %dma_start3A_971 : memref<1x32xf32, #tpu.memory_space<vmem>> -> memref<32xf32, #tpu.memory_space<vmem>>
      %dma_start3A_973 = arith.constant 0 : i32
      %dma_start3A_974 = tpu.memref_slice %arg5[%squeeze3A_963, %dma_start3A_973] : memref<1001x32xf32, #tpu.memory_space<hbm>> -> memref<1x32xf32, #tpu.memory_space<hbm>>
      %dma_start3A_975 = tpu.memref_squeeze %dma_start3A_974 : memref<1x32xf32, #tpu.memory_space<hbm>> -> memref<32xf32, #tpu.memory_space<hbm>>
      tpu.enqueue_dma source(%dma_start3A_975 : memref<32xf32, #tpu.memory_space<hbm>>) target(%dma_start3A_972 : memref<32xf32, #tpu.memory_space<vmem>>) target_semaphore(%arg12 : memref<!tpu.dma_semaphore, #tpu.memory_space<semaphore_mem>>)
      %mul3A_976 = arith.constant 32 : i32
      %mul3A_977 = arith.muli %scan3A_270, %mul3A_976 : i32
      %add3A_978 = arith.constant 16 : i32
      %add3A_979 = arith.addi %mul3A_977, %add3A_978 : i32
      %add3A_980 = arith.constant 4 : i32
      %add3A_981 = arith.addi %add3A_979, %add3A_980 : i32
      %slice3A_982 = vector.extract_strided_slice %get3A_832 {offsets = [4], sizes = [1], strides = [1]} : vector<16xi32> to vector<1xi32>
      %squeeze3A_983 = vector.extract %slice3A_982[0] : i32 from vector<1xi32>
      %dma_start3A_984 = arith.constant 0 : i32
      %dma_start3A_985 = tpu.memref_slice %arg9[%add3A_981, %dma_start3A_984] : memref<512x64xf32, #tpu.memory_space<vmem>> -> memref<1x32xf32, #tpu.memory_space<vmem>>
      %dma_start3A_986 = tpu.memref_squeeze %dma_start3A_985 : memref<1x32xf32, #tpu.memory_space<vmem>> -> memref<32xf32, #tpu.memory_space<vmem>>
      %dma_start3A_987 = arith.constant 0 : i32
      %dma_start3A_988 = tpu.memref_slice %arg4[%squeeze3A_983, %dma_start3A_987] : memref<100001x32xf32, #tpu.memory_space<hbm>> -> memref<1x32xf32, #tpu.memory_space<hbm>>
      %dma_start3A_989 = tpu.memref_squeeze %dma_start3A_988 : memref<1x32xf32, #tpu.memory_space<hbm>> -> memref<32xf32, #tpu.memory_space<hbm>>
      %dma_start3A_990 = arith.constant 0 : i32
      %dma_start3A_991 = tpu.memref_slice %arg9[%add3A_981, %dma_start3A_990] : memref<512x64xf32, #tpu.memory_space<vmem>> -> memref<1x32xf32, #tpu.memory_space<vmem>>
      %dma_start3A_992 = tpu.memref_squeeze %dma_start3A_991 : memref<1x32xf32, #tpu.memory_space<vmem>> -> memref<32xf32, #tpu.memory_space<vmem>>
      %dma_start3A_993 = arith.constant 0 : i32
      %dma_start3A_994 = tpu.memref_slice %arg4[%squeeze3A_983, %dma_start3A_993] : memref<100001x32xf32, #tpu.memory_space<hbm>> -> memref<1x32xf32, #tpu.memory_space<hbm>>
      %dma_start3A_995 = tpu.memref_squeeze %dma_start3A_994 : memref<1x32xf32, #tpu.memory_space<hbm>> -> memref<32xf32, #tpu.memory_space<hbm>>
      tpu.enqueue_dma source(%dma_start3A_995 : memref<32xf32, #tpu.memory_space<hbm>>) target(%dma_start3A_992 : memref<32xf32, #tpu.memory_space<vmem>>) target_semaphore(%arg12 : memref<!tpu.dma_semaphore, #tpu.memory_space<semaphore_mem>>)
      %slice3A_996 = vector.extract_strided_slice %get3A_839 {offsets = [4], sizes = [1], strides = [1]} : vector<16xi32> to vector<1xi32>
      %squeeze3A_997 = vector.extract %slice3A_996[0] : i32 from vector<1xi32>
      %dma_start3A_998 = arith.constant 32 : i32
      %dma_start3A_999 = tpu.memref_slice %arg9[%add3A_981, %dma_start3A_998] : memref<512x64xf32, #tpu.memory_space<vmem>> -> memref<1x32xf32, #tpu.memory_space<vmem>>
      %dma_start3A_1000 = tpu.memref_squeeze %dma_start3A_999 : memref<1x32xf32, #tpu.memory_space<vmem>> -> memref<32xf32, #tpu.memory_space<vmem>>
      %dma_start3A_1001 = arith.constant 0 : i32
      %dma_start3A_1002 = tpu.memref_slice %arg5[%squeeze3A_997, %dma_start3A_1001] : memref<1001x32xf32, #tpu.memory_space<hbm>> -> memref<1x32xf32, #tpu.memory_space<hbm>>
      %dma_start3A_1003 = tpu.memref_squeeze %dma_start3A_1002 : memref<1x32xf32, #tpu.memory_space<hbm>> -> memref<32xf32, #tpu.memory_space<hbm>>
      %dma_start3A_1004 = arith.constant 32 : i32
      %dma_start3A_1005 = tpu.memref_slice %arg9[%add3A_981, %dma_start3A_1004] : memref<512x64xf32, #tpu.memory_space<vmem>> -> memref<1x32xf32, #tpu.memory_space<vmem>>
      %dma_start3A_1006 = tpu.memref_squeeze %dma_start3A_1005 : memref<1x32xf32, #tpu.memory_space<vmem>> -> memref<32xf32, #tpu.memory_space<vmem>>
      %dma_start3A_1007 = arith.constant 0 : i32
      %dma_start3A_1008 = tpu.memref_slice %arg5[%squeeze3A_997, %dma_start3A_1007] : memref<1001x32xf32, #tpu.memory_space<hbm>> -> memref<1x32xf32, #tpu.memory_space<hbm>>
      %dma_start3A_1009 = tpu.memref_squeeze %dma_start3A_1008 : memref<1x32xf32, #tpu.memory_space<hbm>> -> memref<32xf32, #tpu.memory_space<hbm>>
      tpu.enqueue_dma source(%dma_start3A_1009 : memref<32xf32, #tpu.memory_space<hbm>>) target(%dma_start3A_1006 : memref<32xf32, #tpu.memory_space<vmem>>) target_semaphore(%arg12 : memref<!tpu.dma_semaphore, #tpu.memory_space<semaphore_mem>>)
      %mul3A_1010 = arith.constant 32 : i32
      %mul3A_1011 = arith.muli %scan3A_270, %mul3A_1010 : i32
      %add3A_1012 = arith.constant 16 : i32
      %add3A_1013 = arith.addi %mul3A_1011, %add3A_1012 : i32
      %add3A_1014 = arith.constant 5 : i32
      %add3A_1015 = arith.addi %add3A_1013, %add3A_1014 : i32
      %slice3A_1016 = vector.extract_strided_slice %get3A_832 {offsets = [5], sizes = [1], strides = [1]} : vector<16xi32> to vector<1xi32>
      %squeeze3A_1017 = vector.extract %slice3A_1016[0] : i32 from vector<1xi32>
      %dma_start3A_1018 = arith.constant 0 : i32
      %dma_start3A_1019 = tpu.memref_slice %arg9[%add3A_1015, %dma_start3A_1018] : memref<512x64xf32, #tpu.memory_space<vmem>> -> memref<1x32xf32, #tpu.memory_space<vmem>>
      %dma_start3A_1020 = tpu.memref_squeeze %dma_start3A_1019 : memref<1x32xf32, #tpu.memory_space<vmem>> -> memref<32xf32, #tpu.memory_space<vmem>>
      %dma_start3A_1021 = arith.constant 0 : i32
      %dma_start3A_1022 = tpu.memref_slice %arg4[%squeeze3A_1017, %dma_start3A_1021] : memref<100001x32xf32, #tpu.memory_space<hbm>> -> memref<1x32xf32, #tpu.memory_space<hbm>>
      %dma_start3A_1023 = tpu.memref_squeeze %dma_start3A_1022 : memref<1x32xf32, #tpu.memory_space<hbm>> -> memref<32xf32, #tpu.memory_space<hbm>>
      %dma_start3A_1024 = arith.constant 0 : i32
      %dma_start3A_1025 = tpu.memref_slice %arg9[%add3A_1015, %dma_start3A_1024] : memref<512x64xf32, #tpu.memory_space<vmem>> -> memref<1x32xf32, #tpu.memory_space<vmem>>
      %dma_start3A_1026 = tpu.memref_squeeze %dma_start3A_1025 : memref<1x32xf32, #tpu.memory_space<vmem>> -> memref<32xf32, #tpu.memory_space<vmem>>
      %dma_start3A_1027 = arith.constant 0 : i32
      %dma_start3A_1028 = tpu.memref_slice %arg4[%squeeze3A_1017, %dma_start3A_1027] : memref<100001x32xf32, #tpu.memory_space<hbm>> -> memref<1x32xf32, #tpu.memory_space<hbm>>
      %dma_start3A_1029 = tpu.memref_squeeze %dma_start3A_1028 : memref<1x32xf32, #tpu.memory_space<hbm>> -> memref<32xf32, #tpu.memory_space<hbm>>
      tpu.enqueue_dma source(%dma_start3A_1029 : memref<32xf32, #tpu.memory_space<hbm>>) target(%dma_start3A_1026 : memref<32xf32, #tpu.memory_space<vmem>>) target_semaphore(%arg12 : memref<!tpu.dma_semaphore, #tpu.memory_space<semaphore_mem>>)
      %slice3A_1030 = vector.extract_strided_slice %get3A_839 {offsets = [5], sizes = [1], strides = [1]} : vector<16xi32> to vector<1xi32>
      %squeeze3A_1031 = vector.extract %slice3A_1030[0] : i32 from vector<1xi32>
      %dma_start3A_1032 = arith.constant 32 : i32
      %dma_start3A_1033 = tpu.memref_slice %arg9[%add3A_1015, %dma_start3A_1032] : memref<512x64xf32, #tpu.memory_space<vmem>> -> memref<1x32xf32, #tpu.memory_space<vmem>>
      %dma_start3A_1034 = tpu.memref_squeeze %dma_start3A_1033 : memref<1x32xf32, #tpu.memory_space<vmem>> -> memref<32xf32, #tpu.memory_space<vmem>>
      %dma_start3A_1035 = arith.constant 0 : i32
      %dma_start3A_1036 = tpu.memref_slice %arg5[%squeeze3A_1031, %dma_start3A_1035] : memref<1001x32xf32, #tpu.memory_space<hbm>> -> memref<1x32xf32, #tpu.memory_space<hbm>>
      %dma_start3A_1037 = tpu.memref_squeeze %dma_start3A_1036 : memref<1x32xf32, #tpu.memory_space<hbm>> -> memref<32xf32, #tpu.memory_space<hbm>>
      %dma_start3A_1038 = arith.constant 32 : i32
      %dma_start3A_1039 = tpu.memref_slice %arg9[%add3A_1015, %dma_start3A_1038] : memref<512x64xf32, #tpu.memory_space<vmem>> -> memref<1x32xf32, #tpu.memory_space<vmem>>
      %dma_start3A_1040 = tpu.memref_squeeze %dma_start3A_1039 : memref<1x32xf32, #tpu.memory_space<vmem>> -> memref<32xf32, #tpu.memory_space<vmem>>
      %dma_start3A_1041 = arith.constant 0 : i32
      %dma_start3A_1042 = tpu.memref_slice %arg5[%squeeze3A_1031, %dma_start3A_1041] : memref<1001x32xf32, #tpu.memory_space<hbm>> -> memref<1x32xf32, #tpu.memory_space<hbm>>
      %dma_start3A_1043 = tpu.memref_squeeze %dma_start3A_1042 : memref<1x32xf32, #tpu.memory_space<hbm>> -> memref<32xf32, #tpu.memory_space<hbm>>
      tpu.enqueue_dma source(%dma_start3A_1043 : memref<32xf32, #tpu.memory_space<hbm>>) target(%dma_start3A_1040 : memref<32xf32, #tpu.memory_space<vmem>>) target_semaphore(%arg12 : memref<!tpu.dma_semaphore, #tpu.memory_space<semaphore_mem>>)
      %mul3A_1044 = arith.constant 32 : i32
      %mul3A_1045 = arith.muli %scan3A_270, %mul3A_1044 : i32
      %add3A_1046 = arith.constant 16 : i32
      %add3A_1047 = arith.addi %mul3A_1045, %add3A_1046 : i32
      %add3A_1048 = arith.constant 6 : i32
      %add3A_1049 = arith.addi %add3A_1047, %add3A_1048 : i32
      %slice3A_1050 = vector.extract_strided_slice %get3A_832 {offsets = [6], sizes = [1], strides = [1]} : vector<16xi32> to vector<1xi32>
      %squeeze3A_1051 = vector.extract %slice3A_1050[0] : i32 from vector<1xi32>
      %dma_start3A_1052 = arith.constant 0 : i32
      %dma_start3A_1053 = tpu.memref_slice %arg9[%add3A_1049, %dma_start3A_1052] : memref<512x64xf32, #tpu.memory_space<vmem>> -> memref<1x32xf32, #tpu.memory_space<vmem>>
      %dma_start3A_1054 = tpu.memref_squeeze %dma_start3A_1053 : memref<1x32xf32, #tpu.memory_space<vmem>> -> memref<32xf32, #tpu.memory_space<vmem>>
      %dma_start3A_1055 = arith.constant 0 : i32
      %dma_start3A_1056 = tpu.memref_slice %arg4[%squeeze3A_1051, %dma_start3A_1055] : memref<100001x32xf32, #tpu.memory_space<hbm>> -> memref<1x32xf32, #tpu.memory_space<hbm>>
      %dma_start3A_1057 = tpu.memref_squeeze %dma_start3A_1056 : memref<1x32xf32, #tpu.memory_space<hbm>> -> memref<32xf32, #tpu.memory_space<hbm>>
      %dma_start3A_1058 = arith.constant 0 : i32
      %dma_start3A_1059 = tpu.memref_slice %arg9[%add3A_1049, %dma_start3A_1058] : memref<512x64xf32, #tpu.memory_space<vmem>> -> memref<1x32xf32, #tpu.memory_space<vmem>>
      %dma_start3A_1060 = tpu.memref_squeeze %dma_start3A_1059 : memref<1x32xf32, #tpu.memory_space<vmem>> -> memref<32xf32, #tpu.memory_space<vmem>>
      %dma_start3A_1061 = arith.constant 0 : i32
      %dma_start3A_1062 = tpu.memref_slice %arg4[%squeeze3A_1051, %dma_start3A_1061] : memref<100001x32xf32, #tpu.memory_space<hbm>> -> memref<1x32xf32, #tpu.memory_space<hbm>>
      %dma_start3A_1063 = tpu.memref_squeeze %dma_start3A_1062 : memref<1x32xf32, #tpu.memory_space<hbm>> -> memref<32xf32, #tpu.memory_space<hbm>>
      tpu.enqueue_dma source(%dma_start3A_1063 : memref<32xf32, #tpu.memory_space<hbm>>) target(%dma_start3A_1060 : memref<32xf32, #tpu.memory_space<vmem>>) target_semaphore(%arg12 : memref<!tpu.dma_semaphore, #tpu.memory_space<semaphore_mem>>)
      %slice3A_1064 = vector.extract_strided_slice %get3A_839 {offsets = [6], sizes = [1], strides = [1]} : vector<16xi32> to vector<1xi32>
      %squeeze3A_1065 = vector.extract %slice3A_1064[0] : i32 from vector<1xi32>
      %dma_start3A_1066 = arith.constant 32 : i32
      %dma_start3A_1067 = tpu.memref_slice %arg9[%add3A_1049, %dma_start3A_1066] : memref<512x64xf32, #tpu.memory_space<vmem>> -> memref<1x32xf32, #tpu.memory_space<vmem>>
      %dma_start3A_1068 = tpu.memref_squeeze %dma_start3A_1067 : memref<1x32xf32, #tpu.memory_space<vmem>> -> memref<32xf32, #tpu.memory_space<vmem>>
      %dma_start3A_1069 = arith.constant 0 : i32
      %dma_start3A_1070 = tpu.memref_slice %arg5[%squeeze3A_1065, %dma_start3A_1069] : memref<1001x32xf32, #tpu.memory_space<hbm>> -> memref<1x32xf32, #tpu.memory_space<hbm>>
      %dma_start3A_1071 = tpu.memref_squeeze %dma_start3A_1070 : memref<1x32xf32, #tpu.memory_space<hbm>> -> memref<32xf32, #tpu.memory_space<hbm>>
      %dma_start3A_1072 = arith.constant 32 : i32
      %dma_start3A_1073 = tpu.memref_slice %arg9[%add3A_1049, %dma_start3A_1072] : memref<512x64xf32, #tpu.memory_space<vmem>> -> memref<1x32xf32, #tpu.memory_space<vmem>>
      %dma_start3A_1074 = tpu.memref_squeeze %dma_start3A_1073 : memref<1x32xf32, #tpu.memory_space<vmem>> -> memref<32xf32, #tpu.memory_space<vmem>>
      %dma_start3A_1075 = arith.constant 0 : i32
      %dma_start3A_1076 = tpu.memref_slice %arg5[%squeeze3A_1065, %dma_start3A_1075] : memref<1001x32xf32, #tpu.memory_space<hbm>> -> memref<1x32xf32, #tpu.memory_space<hbm>>
      %dma_start3A_1077 = tpu.memref_squeeze %dma_start3A_1076 : memref<1x32xf32, #tpu.memory_space<hbm>> -> memref<32xf32, #tpu.memory_space<hbm>>
      tpu.enqueue_dma source(%dma_start3A_1077 : memref<32xf32, #tpu.memory_space<hbm>>) target(%dma_start3A_1074 : memref<32xf32, #tpu.memory_space<vmem>>) target_semaphore(%arg12 : memref<!tpu.dma_semaphore, #tpu.memory_space<semaphore_mem>>)
      %mul3A_1078 = arith.constant 32 : i32
      %mul3A_1079 = arith.muli %scan3A_270, %mul3A_1078 : i32
      %add3A_1080 = arith.constant 16 : i32
      %add3A_1081 = arith.addi %mul3A_1079, %add3A_1080 : i32
      %add3A_1082 = arith.constant 7 : i32
      %add3A_1083 = arith.addi %add3A_1081, %add3A_1082 : i32
      %slice3A_1084 = vector.extract_strided_slice %get3A_832 {offsets = [7], sizes = [1], strides = [1]} : vector<16xi32> to vector<1xi32>
      %squeeze3A_1085 = vector.extract %slice3A_1084[0] : i32 from vector<1xi32>
      %dma_start3A_1086 = arith.constant 0 : i32
      %dma_start3A_1087 = tpu.memref_slice %arg9[%add3A_1083, %dma_start3A_1086] : memref<512x64xf32, #tpu.memory_space<vmem>> -> memref<1x32xf32, #tpu.memory_space<vmem>>
      %dma_start3A_1088 = tpu.memref_squeeze %dma_start3A_1087 : memref<1x32xf32, #tpu.memory_space<vmem>> -> memref<32xf32, #tpu.memory_space<vmem>>
      %dma_start3A_1089 = arith.constant 0 : i32
      %dma_start3A_1090 = tpu.memref_slice %arg4[%squeeze3A_1085, %dma_start3A_1089] : memref<100001x32xf32, #tpu.memory_space<hbm>> -> memref<1x32xf32, #tpu.memory_space<hbm>>
      %dma_start3A_1091 = tpu.memref_squeeze %dma_start3A_1090 : memref<1x32xf32, #tpu.memory_space<hbm>> -> memref<32xf32, #tpu.memory_space<hbm>>
      %dma_start3A_1092 = arith.constant 0 : i32
      %dma_start3A_1093 = tpu.memref_slice %arg9[%add3A_1083, %dma_start3A_1092] : memref<512x64xf32, #tpu.memory_space<vmem>> -> memref<1x32xf32, #tpu.memory_space<vmem>>
      %dma_start3A_1094 = tpu.memref_squeeze %dma_start3A_1093 : memref<1x32xf32, #tpu.memory_space<vmem>> -> memref<32xf32, #tpu.memory_space<vmem>>
      %dma_start3A_1095 = arith.constant 0 : i32
      %dma_start3A_1096 = tpu.memref_slice %arg4[%squeeze3A_1085, %dma_start3A_1095] : memref<100001x32xf32, #tpu.memory_space<hbm>> -> memref<1x32xf32, #tpu.memory_space<hbm>>
      %dma_start3A_1097 = tpu.memref_squeeze %dma_start3A_1096 : memref<1x32xf32, #tpu.memory_space<hbm>> -> memref<32xf32, #tpu.memory_space<hbm>>
      tpu.enqueue_dma source(%dma_start3A_1097 : memref<32xf32, #tpu.memory_space<hbm>>) target(%dma_start3A_1094 : memref<32xf32, #tpu.memory_space<vmem>>) target_semaphore(%arg12 : memref<!tpu.dma_semaphore, #tpu.memory_space<semaphore_mem>>)
      %slice3A_1098 = vector.extract_strided_slice %get3A_839 {offsets = [7], sizes = [1], strides = [1]} : vector<16xi32> to vector<1xi32>
      %squeeze3A_1099 = vector.extract %slice3A_1098[0] : i32 from vector<1xi32>
      %dma_start3A_1100 = arith.constant 32 : i32
      %dma_start3A_1101 = tpu.memref_slice %arg9[%add3A_1083, %dma_start3A_1100] : memref<512x64xf32, #tpu.memory_space<vmem>> -> memref<1x32xf32, #tpu.memory_space<vmem>>
      %dma_start3A_1102 = tpu.memref_squeeze %dma_start3A_1101 : memref<1x32xf32, #tpu.memory_space<vmem>> -> memref<32xf32, #tpu.memory_space<vmem>>
      %dma_start3A_1103 = arith.constant 0 : i32
      %dma_start3A_1104 = tpu.memref_slice %arg5[%squeeze3A_1099, %dma_start3A_1103] : memref<1001x32xf32, #tpu.memory_space<hbm>> -> memref<1x32xf32, #tpu.memory_space<hbm>>
      %dma_start3A_1105 = tpu.memref_squeeze %dma_start3A_1104 : memref<1x32xf32, #tpu.memory_space<hbm>> -> memref<32xf32, #tpu.memory_space<hbm>>
      %dma_start3A_1106 = arith.constant 32 : i32
      %dma_start3A_1107 = tpu.memref_slice %arg9[%add3A_1083, %dma_start3A_1106] : memref<512x64xf32, #tpu.memory_space<vmem>> -> memref<1x32xf32, #tpu.memory_space<vmem>>
      %dma_start3A_1108 = tpu.memref_squeeze %dma_start3A_1107 : memref<1x32xf32, #tpu.memory_space<vmem>> -> memref<32xf32, #tpu.memory_space<vmem>>
      %dma_start3A_1109 = arith.constant 0 : i32
      %dma_start3A_1110 = tpu.memref_slice %arg5[%squeeze3A_1099, %dma_start3A_1109] : memref<1001x32xf32, #tpu.memory_space<hbm>> -> memref<1x32xf32, #tpu.memory_space<hbm>>
      %dma_start3A_1111 = tpu.memref_squeeze %dma_start3A_1110 : memref<1x32xf32, #tpu.memory_space<hbm>> -> memref<32xf32, #tpu.memory_space<hbm>>
      tpu.enqueue_dma source(%dma_start3A_1111 : memref<32xf32, #tpu.memory_space<hbm>>) target(%dma_start3A_1108 : memref<32xf32, #tpu.memory_space<vmem>>) target_semaphore(%arg12 : memref<!tpu.dma_semaphore, #tpu.memory_space<semaphore_mem>>)
      %mul3A_1112 = arith.constant 32 : i32
      %mul3A_1113 = arith.muli %scan3A_270, %mul3A_1112 : i32
      %add3A_1114 = arith.constant 16 : i32
      %add3A_1115 = arith.addi %mul3A_1113, %add3A_1114 : i32
      %add3A_1116 = arith.constant 8 : i32
      %add3A_1117 = arith.addi %add3A_1115, %add3A_1116 : i32
      %slice3A_1118 = vector.extract_strided_slice %get3A_832 {offsets = [8], sizes = [1], strides = [1]} : vector<16xi32> to vector<1xi32>
      %squeeze3A_1119 = vector.extract %slice3A_1118[0] : i32 from vector<1xi32>
      %dma_start3A_1120 = arith.constant 0 : i32
      %dma_start3A_1121 = tpu.memref_slice %arg9[%add3A_1117, %dma_start3A_1120] : memref<512x64xf32, #tpu.memory_space<vmem>> -> memref<1x32xf32, #tpu.memory_space<vmem>>
      %dma_start3A_1122 = tpu.memref_squeeze %dma_start3A_1121 : memref<1x32xf32, #tpu.memory_space<vmem>> -> memref<32xf32, #tpu.memory_space<vmem>>
      %dma_start3A_1123 = arith.constant 0 : i32
      %dma_start3A_1124 = tpu.memref_slice %arg4[%squeeze3A_1119, %dma_start3A_1123] : memref<100001x32xf32, #tpu.memory_space<hbm>> -> memref<1x32xf32, #tpu.memory_space<hbm>>
      %dma_start3A_1125 = tpu.memref_squeeze %dma_start3A_1124 : memref<1x32xf32, #tpu.memory_space<hbm>> -> memref<32xf32, #tpu.memory_space<hbm>>
      %dma_start3A_1126 = arith.constant 0 : i32
      %dma_start3A_1127 = tpu.memref_slice %arg9[%add3A_1117, %dma_start3A_1126] : memref<512x64xf32, #tpu.memory_space<vmem>> -> memref<1x32xf32, #tpu.memory_space<vmem>>
      %dma_start3A_1128 = tpu.memref_squeeze %dma_start3A_1127 : memref<1x32xf32, #tpu.memory_space<vmem>> -> memref<32xf32, #tpu.memory_space<vmem>>
      %dma_start3A_1129 = arith.constant 0 : i32
      %dma_start3A_1130 = tpu.memref_slice %arg4[%squeeze3A_1119, %dma_start3A_1129] : memref<100001x32xf32, #tpu.memory_space<hbm>> -> memref<1x32xf32, #tpu.memory_space<hbm>>
      %dma_start3A_1131 = tpu.memref_squeeze %dma_start3A_1130 : memref<1x32xf32, #tpu.memory_space<hbm>> -> memref<32xf32, #tpu.memory_space<hbm>>
      tpu.enqueue_dma source(%dma_start3A_1131 : memref<32xf32, #tpu.memory_space<hbm>>) target(%dma_start3A_1128 : memref<32xf32, #tpu.memory_space<vmem>>) target_semaphore(%arg12 : memref<!tpu.dma_semaphore, #tpu.memory_space<semaphore_mem>>)
      %slice3A_1132 = vector.extract_strided_slice %get3A_839 {offsets = [8], sizes = [1], strides = [1]} : vector<16xi32> to vector<1xi32>
      %squeeze3A_1133 = vector.extract %slice3A_1132[0] : i32 from vector<1xi32>
      %dma_start3A_1134 = arith.constant 32 : i32
      %dma_start3A_1135 = tpu.memref_slice %arg9[%add3A_1117, %dma_start3A_1134] : memref<512x64xf32, #tpu.memory_space<vmem>> -> memref<1x32xf32, #tpu.memory_space<vmem>>
      %dma_start3A_1136 = tpu.memref_squeeze %dma_start3A_1135 : memref<1x32xf32, #tpu.memory_space<vmem>> -> memref<32xf32, #tpu.memory_space<vmem>>
      %dma_start3A_1137 = arith.constant 0 : i32
      %dma_start3A_1138 = tpu.memref_slice %arg5[%squeeze3A_1133, %dma_start3A_1137] : memref<1001x32xf32, #tpu.memory_space<hbm>> -> memref<1x32xf32, #tpu.memory_space<hbm>>
      %dma_start3A_1139 = tpu.memref_squeeze %dma_start3A_1138 : memref<1x32xf32, #tpu.memory_space<hbm>> -> memref<32xf32, #tpu.memory_space<hbm>>
      %dma_start3A_1140 = arith.constant 32 : i32
      %dma_start3A_1141 = tpu.memref_slice %arg9[%add3A_1117, %dma_start3A_1140] : memref<512x64xf32, #tpu.memory_space<vmem>> -> memref<1x32xf32, #tpu.memory_space<vmem>>
      %dma_start3A_1142 = tpu.memref_squeeze %dma_start3A_1141 : memref<1x32xf32, #tpu.memory_space<vmem>> -> memref<32xf32, #tpu.memory_space<vmem>>
      %dma_start3A_1143 = arith.constant 0 : i32
      %dma_start3A_1144 = tpu.memref_slice %arg5[%squeeze3A_1133, %dma_start3A_1143] : memref<1001x32xf32, #tpu.memory_space<hbm>> -> memref<1x32xf32, #tpu.memory_space<hbm>>
      %dma_start3A_1145 = tpu.memref_squeeze %dma_start3A_1144 : memref<1x32xf32, #tpu.memory_space<hbm>> -> memref<32xf32, #tpu.memory_space<hbm>>
      tpu.enqueue_dma source(%dma_start3A_1145 : memref<32xf32, #tpu.memory_space<hbm>>) target(%dma_start3A_1142 : memref<32xf32, #tpu.memory_space<vmem>>) target_semaphore(%arg12 : memref<!tpu.dma_semaphore, #tpu.memory_space<semaphore_mem>>)
      %mul3A_1146 = arith.constant 32 : i32
      %mul3A_1147 = arith.muli %scan3A_270, %mul3A_1146 : i32
      %add3A_1148 = arith.constant 16 : i32
      %add3A_1149 = arith.addi %mul3A_1147, %add3A_1148 : i32
      %add3A_1150 = arith.constant 9 : i32
      %add3A_1151 = arith.addi %add3A_1149, %add3A_1150 : i32
      %slice3A_1152 = vector.extract_strided_slice %get3A_832 {offsets = [9], sizes = [1], strides = [1]} : vector<16xi32> to vector<1xi32>
      %squeeze3A_1153 = vector.extract %slice3A_1152[0] : i32 from vector<1xi32>
      %dma_start3A_1154 = arith.constant 0 : i32
      %dma_start3A_1155 = tpu.memref_slice %arg9[%add3A_1151, %dma_start3A_1154] : memref<512x64xf32, #tpu.memory_space<vmem>> -> memref<1x32xf32, #tpu.memory_space<vmem>>
      %dma_start3A_1156 = tpu.memref_squeeze %dma_start3A_1155 : memref<1x32xf32, #tpu.memory_space<vmem>> -> memref<32xf32, #tpu.memory_space<vmem>>
      %dma_start3A_1157 = arith.constant 0 : i32
      %dma_start3A_1158 = tpu.memref_slice %arg4[%squeeze3A_1153, %dma_start3A_1157] : memref<100001x32xf32, #tpu.memory_space<hbm>> -> memref<1x32xf32, #tpu.memory_space<hbm>>
      %dma_start3A_1159 = tpu.memref_squeeze %dma_start3A_1158 : memref<1x32xf32, #tpu.memory_space<hbm>> -> memref<32xf32, #tpu.memory_space<hbm>>
      %dma_start3A_1160 = arith.constant 0 : i32
      %dma_start3A_1161 = tpu.memref_slice %arg9[%add3A_1151, %dma_start3A_1160] : memref<512x64xf32, #tpu.memory_space<vmem>> -> memref<1x32xf32, #tpu.memory_space<vmem>>
      %dma_start3A_1162 = tpu.memref_squeeze %dma_start3A_1161 : memref<1x32xf32, #tpu.memory_space<vmem>> -> memref<32xf32, #tpu.memory_space<vmem>>
      %dma_start3A_1163 = arith.constant 0 : i32
      %dma_start3A_1164 = tpu.memref_slice %arg4[%squeeze3A_1153, %dma_start3A_1163] : memref<100001x32xf32, #tpu.memory_space<hbm>> -> memref<1x32xf32, #tpu.memory_space<hbm>>
      %dma_start3A_1165 = tpu.memref_squeeze %dma_start3A_1164 : memref<1x32xf32, #tpu.memory_space<hbm>> -> memref<32xf32, #tpu.memory_space<hbm>>
      tpu.enqueue_dma source(%dma_start3A_1165 : memref<32xf32, #tpu.memory_space<hbm>>) target(%dma_start3A_1162 : memref<32xf32, #tpu.memory_space<vmem>>) target_semaphore(%arg12 : memref<!tpu.dma_semaphore, #tpu.memory_space<semaphore_mem>>)
      %slice3A_1166 = vector.extract_strided_slice %get3A_839 {offsets = [9], sizes = [1], strides = [1]} : vector<16xi32> to vector<1xi32>
      %squeeze3A_1167 = vector.extract %slice3A_1166[0] : i32 from vector<1xi32>
      %dma_start3A_1168 = arith.constant 32 : i32
      %dma_start3A_1169 = tpu.memref_slice %arg9[%add3A_1151, %dma_start3A_1168] : memref<512x64xf32, #tpu.memory_space<vmem>> -> memref<1x32xf32, #tpu.memory_space<vmem>>
      %dma_start3A_1170 = tpu.memref_squeeze %dma_start3A_1169 : memref<1x32xf32, #tpu.memory_space<vmem>> -> memref<32xf32, #tpu.memory_space<vmem>>
      %dma_start3A_1171 = arith.constant 0 : i32
      %dma_start3A_1172 = tpu.memref_slice %arg5[%squeeze3A_1167, %dma_start3A_1171] : memref<1001x32xf32, #tpu.memory_space<hbm>> -> memref<1x32xf32, #tpu.memory_space<hbm>>
      %dma_start3A_1173 = tpu.memref_squeeze %dma_start3A_1172 : memref<1x32xf32, #tpu.memory_space<hbm>> -> memref<32xf32, #tpu.memory_space<hbm>>
      %dma_start3A_1174 = arith.constant 32 : i32
      %dma_start3A_1175 = tpu.memref_slice %arg9[%add3A_1151, %dma_start3A_1174] : memref<512x64xf32, #tpu.memory_space<vmem>> -> memref<1x32xf32, #tpu.memory_space<vmem>>
      %dma_start3A_1176 = tpu.memref_squeeze %dma_start3A_1175 : memref<1x32xf32, #tpu.memory_space<vmem>> -> memref<32xf32, #tpu.memory_space<vmem>>
      %dma_start3A_1177 = arith.constant 0 : i32
      %dma_start3A_1178 = tpu.memref_slice %arg5[%squeeze3A_1167, %dma_start3A_1177] : memref<1001x32xf32, #tpu.memory_space<hbm>> -> memref<1x32xf32, #tpu.memory_space<hbm>>
      %dma_start3A_1179 = tpu.memref_squeeze %dma_start3A_1178 : memref<1x32xf32, #tpu.memory_space<hbm>> -> memref<32xf32, #tpu.memory_space<hbm>>
      tpu.enqueue_dma source(%dma_start3A_1179 : memref<32xf32, #tpu.memory_space<hbm>>) target(%dma_start3A_1176 : memref<32xf32, #tpu.memory_space<vmem>>) target_semaphore(%arg12 : memref<!tpu.dma_semaphore, #tpu.memory_space<semaphore_mem>>)
      %mul3A_1180 = arith.constant 32 : i32
      %mul3A_1181 = arith.muli %scan3A_270, %mul3A_1180 : i32
      %add3A_1182 = arith.constant 16 : i32
      %add3A_1183 = arith.addi %mul3A_1181, %add3A_1182 : i32
      %add3A_1184 = arith.constant 10 : i32
      %add3A_1185 = arith.addi %add3A_1183, %add3A_1184 : i32
      %slice3A_1186 = vector.extract_strided_slice %get3A_832 {offsets = [10], sizes = [1], strides = [1]} : vector<16xi32> to vector<1xi32>
      %squeeze3A_1187 = vector.extract %slice3A_1186[0] : i32 from vector<1xi32>
      %dma_start3A_1188 = arith.constant 0 : i32
      %dma_start3A_1189 = tpu.memref_slice %arg9[%add3A_1185, %dma_start3A_1188] : memref<512x64xf32, #tpu.memory_space<vmem>> -> memref<1x32xf32, #tpu.memory_space<vmem>>
      %dma_start3A_1190 = tpu.memref_squeeze %dma_start3A_1189 : memref<1x32xf32, #tpu.memory_space<vmem>> -> memref<32xf32, #tpu.memory_space<vmem>>
      %dma_start3A_1191 = arith.constant 0 : i32
      %dma_start3A_1192 = tpu.memref_slice %arg4[%squeeze3A_1187, %dma_start3A_1191] : memref<100001x32xf32, #tpu.memory_space<hbm>> -> memref<1x32xf32, #tpu.memory_space<hbm>>
      %dma_start3A_1193 = tpu.memref_squeeze %dma_start3A_1192 : memref<1x32xf32, #tpu.memory_space<hbm>> -> memref<32xf32, #tpu.memory_space<hbm>>
      %dma_start3A_1194 = arith.constant 0 : i32
      %dma_start3A_1195 = tpu.memref_slice %arg9[%add3A_1185, %dma_start3A_1194] : memref<512x64xf32, #tpu.memory_space<vmem>> -> memref<1x32xf32, #tpu.memory_space<vmem>>
      %dma_start3A_1196 = tpu.memref_squeeze %dma_start3A_1195 : memref<1x32xf32, #tpu.memory_space<vmem>> -> memref<32xf32, #tpu.memory_space<vmem>>
      %dma_start3A_1197 = arith.constant 0 : i32
      %dma_start3A_1198 = tpu.memref_slice %arg4[%squeeze3A_1187, %dma_start3A_1197] : memref<100001x32xf32, #tpu.memory_space<hbm>> -> memref<1x32xf32, #tpu.memory_space<hbm>>
      %dma_start3A_1199 = tpu.memref_squeeze %dma_start3A_1198 : memref<1x32xf32, #tpu.memory_space<hbm>> -> memref<32xf32, #tpu.memory_space<hbm>>
      tpu.enqueue_dma source(%dma_start3A_1199 : memref<32xf32, #tpu.memory_space<hbm>>) target(%dma_start3A_1196 : memref<32xf32, #tpu.memory_space<vmem>>) target_semaphore(%arg12 : memref<!tpu.dma_semaphore, #tpu.memory_space<semaphore_mem>>)
      %slice3A_1200 = vector.extract_strided_slice %get3A_839 {offsets = [10], sizes = [1], strides = [1]} : vector<16xi32> to vector<1xi32>
      %squeeze3A_1201 = vector.extract %slice3A_1200[0] : i32 from vector<1xi32>
      %dma_start3A_1202 = arith.constant 32 : i32
      %dma_start3A_1203 = tpu.memref_slice %arg9[%add3A_1185, %dma_start3A_1202] : memref<512x64xf32, #tpu.memory_space<vmem>> -> memref<1x32xf32, #tpu.memory_space<vmem>>
      %dma_start3A_1204 = tpu.memref_squeeze %dma_start3A_1203 : memref<1x32xf32, #tpu.memory_space<vmem>> -> memref<32xf32, #tpu.memory_space<vmem>>
      %dma_start3A_1205 = arith.constant 0 : i32
      %dma_start3A_1206 = tpu.memref_slice %arg5[%squeeze3A_1201, %dma_start3A_1205] : memref<1001x32xf32, #tpu.memory_space<hbm>> -> memref<1x32xf32, #tpu.memory_space<hbm>>
      %dma_start3A_1207 = tpu.memref_squeeze %dma_start3A_1206 : memref<1x32xf32, #tpu.memory_space<hbm>> -> memref<32xf32, #tpu.memory_space<hbm>>
      %dma_start3A_1208 = arith.constant 32 : i32
      %dma_start3A_1209 = tpu.memref_slice %arg9[%add3A_1185, %dma_start3A_1208] : memref<512x64xf32, #tpu.memory_space<vmem>> -> memref<1x32xf32, #tpu.memory_space<vmem>>
      %dma_start3A_1210 = tpu.memref_squeeze %dma_start3A_1209 : memref<1x32xf32, #tpu.memory_space<vmem>> -> memref<32xf32, #tpu.memory_space<vmem>>
      %dma_start3A_1211 = arith.constant 0 : i32
      %dma_start3A_1212 = tpu.memref_slice %arg5[%squeeze3A_1201, %dma_start3A_1211] : memref<1001x32xf32, #tpu.memory_space<hbm>> -> memref<1x32xf32, #tpu.memory_space<hbm>>
      %dma_start3A_1213 = tpu.memref_squeeze %dma_start3A_1212 : memref<1x32xf32, #tpu.memory_space<hbm>> -> memref<32xf32, #tpu.memory_space<hbm>>
      tpu.enqueue_dma source(%dma_start3A_1213 : memref<32xf32, #tpu.memory_space<hbm>>) target(%dma_start3A_1210 : memref<32xf32, #tpu.memory_space<vmem>>) target_semaphore(%arg12 : memref<!tpu.dma_semaphore, #tpu.memory_space<semaphore_mem>>)
      %mul3A_1214 = arith.constant 32 : i32
      %mul3A_1215 = arith.muli %scan3A_270, %mul3A_1214 : i32
      %add3A_1216 = arith.constant 16 : i32
      %add3A_1217 = arith.addi %mul3A_1215, %add3A_1216 : i32
      %add3A_1218 = arith.constant 11 : i32
      %add3A_1219 = arith.addi %add3A_1217, %add3A_1218 : i32
      %slice3A_1220 = vector.extract_strided_slice %get3A_832 {offsets = [11], sizes = [1], strides = [1]} : vector<16xi32> to vector<1xi32>
      %squeeze3A_1221 = vector.extract %slice3A_1220[0] : i32 from vector<1xi32>
      %dma_start3A_1222 = arith.constant 0 : i32
      %dma_start3A_1223 = tpu.memref_slice %arg9[%add3A_1219, %dma_start3A_1222] : memref<512x64xf32, #tpu.memory_space<vmem>> -> memref<1x32xf32, #tpu.memory_space<vmem>>
      %dma_start3A_1224 = tpu.memref_squeeze %dma_start3A_1223 : memref<1x32xf32, #tpu.memory_space<vmem>> -> memref<32xf32, #tpu.memory_space<vmem>>
      %dma_start3A_1225 = arith.constant 0 : i32
      %dma_start3A_1226 = tpu.memref_slice %arg4[%squeeze3A_1221, %dma_start3A_1225] : memref<100001x32xf32, #tpu.memory_space<hbm>> -> memref<1x32xf32, #tpu.memory_space<hbm>>
      %dma_start3A_1227 = tpu.memref_squeeze %dma_start3A_1226 : memref<1x32xf32, #tpu.memory_space<hbm>> -> memref<32xf32, #tpu.memory_space<hbm>>
      %dma_start3A_1228 = arith.constant 0 : i32
      %dma_start3A_1229 = tpu.memref_slice %arg9[%add3A_1219, %dma_start3A_1228] : memref<512x64xf32, #tpu.memory_space<vmem>> -> memref<1x32xf32, #tpu.memory_space<vmem>>
      %dma_start3A_1230 = tpu.memref_squeeze %dma_start3A_1229 : memref<1x32xf32, #tpu.memory_space<vmem>> -> memref<32xf32, #tpu.memory_space<vmem>>
      %dma_start3A_1231 = arith.constant 0 : i32
      %dma_start3A_1232 = tpu.memref_slice %arg4[%squeeze3A_1221, %dma_start3A_1231] : memref<100001x32xf32, #tpu.memory_space<hbm>> -> memref<1x32xf32, #tpu.memory_space<hbm>>
      %dma_start3A_1233 = tpu.memref_squeeze %dma_start3A_1232 : memref<1x32xf32, #tpu.memory_space<hbm>> -> memref<32xf32, #tpu.memory_space<hbm>>
      tpu.enqueue_dma source(%dma_start3A_1233 : memref<32xf32, #tpu.memory_space<hbm>>) target(%dma_start3A_1230 : memref<32xf32, #tpu.memory_space<vmem>>) target_semaphore(%arg12 : memref<!tpu.dma_semaphore, #tpu.memory_space<semaphore_mem>>)
      %slice3A_1234 = vector.extract_strided_slice %get3A_839 {offsets = [11], sizes = [1], strides = [1]} : vector<16xi32> to vector<1xi32>
      %squeeze3A_1235 = vector.extract %slice3A_1234[0] : i32 from vector<1xi32>
      %dma_start3A_1236 = arith.constant 32 : i32
      %dma_start3A_1237 = tpu.memref_slice %arg9[%add3A_1219, %dma_start3A_1236] : memref<512x64xf32, #tpu.memory_space<vmem>> -> memref<1x32xf32, #tpu.memory_space<vmem>>
      %dma_start3A_1238 = tpu.memref_squeeze %dma_start3A_1237 : memref<1x32xf32, #tpu.memory_space<vmem>> -> memref<32xf32, #tpu.memory_space<vmem>>
      %dma_start3A_1239 = arith.constant 0 : i32
      %dma_start3A_1240 = tpu.memref_slice %arg5[%squeeze3A_1235, %dma_start3A_1239] : memref<1001x32xf32, #tpu.memory_space<hbm>> -> memref<1x32xf32, #tpu.memory_space<hbm>>
      %dma_start3A_1241 = tpu.memref_squeeze %dma_start3A_1240 : memref<1x32xf32, #tpu.memory_space<hbm>> -> memref<32xf32, #tpu.memory_space<hbm>>
      %dma_start3A_1242 = arith.constant 32 : i32
      %dma_start3A_1243 = tpu.memref_slice %arg9[%add3A_1219, %dma_start3A_1242] : memref<512x64xf32, #tpu.memory_space<vmem>> -> memref<1x32xf32, #tpu.memory_space<vmem>>
      %dma_start3A_1244 = tpu.memref_squeeze %dma_start3A_1243 : memref<1x32xf32, #tpu.memory_space<vmem>> -> memref<32xf32, #tpu.memory_space<vmem>>
      %dma_start3A_1245 = arith.constant 0 : i32
      %dma_start3A_1246 = tpu.memref_slice %arg5[%squeeze3A_1235, %dma_start3A_1245] : memref<1001x32xf32, #tpu.memory_space<hbm>> -> memref<1x32xf32, #tpu.memory_space<hbm>>
      %dma_start3A_1247 = tpu.memref_squeeze %dma_start3A_1246 : memref<1x32xf32, #tpu.memory_space<hbm>> -> memref<32xf32, #tpu.memory_space<hbm>>
      tpu.enqueue_dma source(%dma_start3A_1247 : memref<32xf32, #tpu.memory_space<hbm>>) target(%dma_start3A_1244 : memref<32xf32, #tpu.memory_space<vmem>>) target_semaphore(%arg12 : memref<!tpu.dma_semaphore, #tpu.memory_space<semaphore_mem>>)
      %mul3A_1248 = arith.constant 32 : i32
      %mul3A_1249 = arith.muli %scan3A_270, %mul3A_1248 : i32
      %add3A_1250 = arith.constant 16 : i32
      %add3A_1251 = arith.addi %mul3A_1249, %add3A_1250 : i32
      %add3A_1252 = arith.constant 12 : i32
      %add3A_1253 = arith.addi %add3A_1251, %add3A_1252 : i32
      %slice3A_1254 = vector.extract_strided_slice %get3A_832 {offsets = [12], sizes = [1], strides = [1]} : vector<16xi32> to vector<1xi32>
      %squeeze3A_1255 = vector.extract %slice3A_1254[0] : i32 from vector<1xi32>
      %dma_start3A_1256 = arith.constant 0 : i32
      %dma_start3A_1257 = tpu.memref_slice %arg9[%add3A_1253, %dma_start3A_1256] : memref<512x64xf32, #tpu.memory_space<vmem>> -> memref<1x32xf32, #tpu.memory_space<vmem>>
      %dma_start3A_1258 = tpu.memref_squeeze %dma_start3A_1257 : memref<1x32xf32, #tpu.memory_space<vmem>> -> memref<32xf32, #tpu.memory_space<vmem>>
      %dma_start3A_1259 = arith.constant 0 : i32
      %dma_start3A_1260 = tpu.memref_slice %arg4[%squeeze3A_1255, %dma_start3A_1259] : memref<100001x32xf32, #tpu.memory_space<hbm>> -> memref<1x32xf32, #tpu.memory_space<hbm>>
      %dma_start3A_1261 = tpu.memref_squeeze %dma_start3A_1260 : memref<1x32xf32, #tpu.memory_space<hbm>> -> memref<32xf32, #tpu.memory_space<hbm>>
      %dma_start3A_1262 = arith.constant 0 : i32
      %dma_start3A_1263 = tpu.memref_slice %arg9[%add3A_1253, %dma_start3A_1262] : memref<512x64xf32, #tpu.memory_space<vmem>> -> memref<1x32xf32, #tpu.memory_space<vmem>>
      %dma_start3A_1264 = tpu.memref_squeeze %dma_start3A_1263 : memref<1x32xf32, #tpu.memory_space<vmem>> -> memref<32xf32, #tpu.memory_space<vmem>>
      %dma_start3A_1265 = arith.constant 0 : i32
      %dma_start3A_1266 = tpu.memref_slice %arg4[%squeeze3A_1255, %dma_start3A_1265] : memref<100001x32xf32, #tpu.memory_space<hbm>> -> memref<1x32xf32, #tpu.memory_space<hbm>>
      %dma_start3A_1267 = tpu.memref_squeeze %dma_start3A_1266 : memref<1x32xf32, #tpu.memory_space<hbm>> -> memref<32xf32, #tpu.memory_space<hbm>>
      tpu.enqueue_dma source(%dma_start3A_1267 : memref<32xf32, #tpu.memory_space<hbm>>) target(%dma_start3A_1264 : memref<32xf32, #tpu.memory_space<vmem>>) target_semaphore(%arg12 : memref<!tpu.dma_semaphore, #tpu.memory_space<semaphore_mem>>)
      %slice3A_1268 = vector.extract_strided_slice %get3A_839 {offsets = [12], sizes = [1], strides = [1]} : vector<16xi32> to vector<1xi32>
      %squeeze3A_1269 = vector.extract %slice3A_1268[0] : i32 from vector<1xi32>
      %dma_start3A_1270 = arith.constant 32 : i32
      %dma_start3A_1271 = tpu.memref_slice %arg9[%add3A_1253, %dma_start3A_1270] : memref<512x64xf32, #tpu.memory_space<vmem>> -> memref<1x32xf32, #tpu.memory_space<vmem>>
      %dma_start3A_1272 = tpu.memref_squeeze %dma_start3A_1271 : memref<1x32xf32, #tpu.memory_space<vmem>> -> memref<32xf32, #tpu.memory_space<vmem>>
      %dma_start3A_1273 = arith.constant 0 : i32
      %dma_start3A_1274 = tpu.memref_slice %arg5[%squeeze3A_1269, %dma_start3A_1273] : memref<1001x32xf32, #tpu.memory_space<hbm>> -> memref<1x32xf32, #tpu.memory_space<hbm>>
      %dma_start3A_1275 = tpu.memref_squeeze %dma_start3A_1274 : memref<1x32xf32, #tpu.memory_space<hbm>> -> memref<32xf32, #tpu.memory_space<hbm>>
      %dma_start3A_1276 = arith.constant 32 : i32
      %dma_start3A_1277 = tpu.memref_slice %arg9[%add3A_1253, %dma_start3A_1276] : memref<512x64xf32, #tpu.memory_space<vmem>> -> memref<1x32xf32, #tpu.memory_space<vmem>>
      %dma_start3A_1278 = tpu.memref_squeeze %dma_start3A_1277 : memref<1x32xf32, #tpu.memory_space<vmem>> -> memref<32xf32, #tpu.memory_space<vmem>>
      %dma_start3A_1279 = arith.constant 0 : i32
      %dma_start3A_1280 = tpu.memref_slice %arg5[%squeeze3A_1269, %dma_start3A_1279] : memref<1001x32xf32, #tpu.memory_space<hbm>> -> memref<1x32xf32, #tpu.memory_space<hbm>>
      %dma_start3A_1281 = tpu.memref_squeeze %dma_start3A_1280 : memref<1x32xf32, #tpu.memory_space<hbm>> -> memref<32xf32, #tpu.memory_space<hbm>>
      tpu.enqueue_dma source(%dma_start3A_1281 : memref<32xf32, #tpu.memory_space<hbm>>) target(%dma_start3A_1278 : memref<32xf32, #tpu.memory_space<vmem>>) target_semaphore(%arg12 : memref<!tpu.dma_semaphore, #tpu.memory_space<semaphore_mem>>)
      %mul3A_1282 = arith.constant 32 : i32
      %mul3A_1283 = arith.muli %scan3A_270, %mul3A_1282 : i32
      %add3A_1284 = arith.constant 16 : i32
      %add3A_1285 = arith.addi %mul3A_1283, %add3A_1284 : i32
      %add3A_1286 = arith.constant 13 : i32
      %add3A_1287 = arith.addi %add3A_1285, %add3A_1286 : i32
      %slice3A_1288 = vector.extract_strided_slice %get3A_832 {offsets = [13], sizes = [1], strides = [1]} : vector<16xi32> to vector<1xi32>
      %squeeze3A_1289 = vector.extract %slice3A_1288[0] : i32 from vector<1xi32>
      %dma_start3A_1290 = arith.constant 0 : i32
      %dma_start3A_1291 = tpu.memref_slice %arg9[%add3A_1287, %dma_start3A_1290] : memref<512x64xf32, #tpu.memory_space<vmem>> -> memref<1x32xf32, #tpu.memory_space<vmem>>
      %dma_start3A_1292 = tpu.memref_squeeze %dma_start3A_1291 : memref<1x32xf32, #tpu.memory_space<vmem>> -> memref<32xf32, #tpu.memory_space<vmem>>
      %dma_start3A_1293 = arith.constant 0 : i32
      %dma_start3A_1294 = tpu.memref_slice %arg4[%squeeze3A_1289, %dma_start3A_1293] : memref<100001x32xf32, #tpu.memory_space<hbm>> -> memref<1x32xf32, #tpu.memory_space<hbm>>
      %dma_start3A_1295 = tpu.memref_squeeze %dma_start3A_1294 : memref<1x32xf32, #tpu.memory_space<hbm>> -> memref<32xf32, #tpu.memory_space<hbm>>
      %dma_start3A_1296 = arith.constant 0 : i32
      %dma_start3A_1297 = tpu.memref_slice %arg9[%add3A_1287, %dma_start3A_1296] : memref<512x64xf32, #tpu.memory_space<vmem>> -> memref<1x32xf32, #tpu.memory_space<vmem>>
      %dma_start3A_1298 = tpu.memref_squeeze %dma_start3A_1297 : memref<1x32xf32, #tpu.memory_space<vmem>> -> memref<32xf32, #tpu.memory_space<vmem>>
      %dma_start3A_1299 = arith.constant 0 : i32
      %dma_start3A_1300 = tpu.memref_slice %arg4[%squeeze3A_1289, %dma_start3A_1299] : memref<100001x32xf32, #tpu.memory_space<hbm>> -> memref<1x32xf32, #tpu.memory_space<hbm>>
      %dma_start3A_1301 = tpu.memref_squeeze %dma_start3A_1300 : memref<1x32xf32, #tpu.memory_space<hbm>> -> memref<32xf32, #tpu.memory_space<hbm>>
      tpu.enqueue_dma source(%dma_start3A_1301 : memref<32xf32, #tpu.memory_space<hbm>>) target(%dma_start3A_1298 : memref<32xf32, #tpu.memory_space<vmem>>) target_semaphore(%arg12 : memref<!tpu.dma_semaphore, #tpu.memory_space<semaphore_mem>>)
      %slice3A_1302 = vector.extract_strided_slice %get3A_839 {offsets = [13], sizes = [1], strides = [1]} : vector<16xi32> to vector<1xi32>
      %squeeze3A_1303 = vector.extract %slice3A_1302[0] : i32 from vector<1xi32>
      %dma_start3A_1304 = arith.constant 32 : i32
      %dma_start3A_1305 = tpu.memref_slice %arg9[%add3A_1287, %dma_start3A_1304] : memref<512x64xf32, #tpu.memory_space<vmem>> -> memref<1x32xf32, #tpu.memory_space<vmem>>
      %dma_start3A_1306 = tpu.memref_squeeze %dma_start3A_1305 : memref<1x32xf32, #tpu.memory_space<vmem>> -> memref<32xf32, #tpu.memory_space<vmem>>
      %dma_start3A_1307 = arith.constant 0 : i32
      %dma_start3A_1308 = tpu.memref_slice %arg5[%squeeze3A_1303, %dma_start3A_1307] : memref<1001x32xf32, #tpu.memory_space<hbm>> -> memref<1x32xf32, #tpu.memory_space<hbm>>
      %dma_start3A_1309 = tpu.memref_squeeze %dma_start3A_1308 : memref<1x32xf32, #tpu.memory_space<hbm>> -> memref<32xf32, #tpu.memory_space<hbm>>
      %dma_start3A_1310 = arith.constant 32 : i32
      %dma_start3A_1311 = tpu.memref_slice %arg9[%add3A_1287, %dma_start3A_1310] : memref<512x64xf32, #tpu.memory_space<vmem>> -> memref<1x32xf32, #tpu.memory_space<vmem>>
      %dma_start3A_1312 = tpu.memref_squeeze %dma_start3A_1311 : memref<1x32xf32, #tpu.memory_space<vmem>> -> memref<32xf32, #tpu.memory_space<vmem>>
      %dma_start3A_1313 = arith.constant 0 : i32
      %dma_start3A_1314 = tpu.memref_slice %arg5[%squeeze3A_1303, %dma_start3A_1313] : memref<1001x32xf32, #tpu.memory_space<hbm>> -> memref<1x32xf32, #tpu.memory_space<hbm>>
      %dma_start3A_1315 = tpu.memref_squeeze %dma_start3A_1314 : memref<1x32xf32, #tpu.memory_space<hbm>> -> memref<32xf32, #tpu.memory_space<hbm>>
      tpu.enqueue_dma source(%dma_start3A_1315 : memref<32xf32, #tpu.memory_space<hbm>>) target(%dma_start3A_1312 : memref<32xf32, #tpu.memory_space<vmem>>) target_semaphore(%arg12 : memref<!tpu.dma_semaphore, #tpu.memory_space<semaphore_mem>>)
      %mul3A_1316 = arith.constant 32 : i32
      %mul3A_1317 = arith.muli %scan3A_270, %mul3A_1316 : i32
      %add3A_1318 = arith.constant 16 : i32
      %add3A_1319 = arith.addi %mul3A_1317, %add3A_1318 : i32
      %add3A_1320 = arith.constant 14 : i32
      %add3A_1321 = arith.addi %add3A_1319, %add3A_1320 : i32
      %slice3A_1322 = vector.extract_strided_slice %get3A_832 {offsets = [14], sizes = [1], strides = [1]} : vector<16xi32> to vector<1xi32>
      %squeeze3A_1323 = vector.extract %slice3A_1322[0] : i32 from vector<1xi32>
      %dma_start3A_1324 = arith.constant 0 : i32
      %dma_start3A_1325 = tpu.memref_slice %arg9[%add3A_1321, %dma_start3A_1324] : memref<512x64xf32, #tpu.memory_space<vmem>> -> memref<1x32xf32, #tpu.memory_space<vmem>>
      %dma_start3A_1326 = tpu.memref_squeeze %dma_start3A_1325 : memref<1x32xf32, #tpu.memory_space<vmem>> -> memref<32xf32, #tpu.memory_space<vmem>>
      %dma_start3A_1327 = arith.constant 0 : i32
      %dma_start3A_1328 = tpu.memref_slice %arg4[%squeeze3A_1323, %dma_start3A_1327] : memref<100001x32xf32, #tpu.memory_space<hbm>> -> memref<1x32xf32, #tpu.memory_space<hbm>>
      %dma_start3A_1329 = tpu.memref_squeeze %dma_start3A_1328 : memref<1x32xf32, #tpu.memory_space<hbm>> -> memref<32xf32, #tpu.memory_space<hbm>>
      %dma_start3A_1330 = arith.constant 0 : i32
      %dma_start3A_1331 = tpu.memref_slice %arg9[%add3A_1321, %dma_start3A_1330] : memref<512x64xf32, #tpu.memory_space<vmem>> -> memref<1x32xf32, #tpu.memory_space<vmem>>
      %dma_start3A_1332 = tpu.memref_squeeze %dma_start3A_1331 : memref<1x32xf32, #tpu.memory_space<vmem>> -> memref<32xf32, #tpu.memory_space<vmem>>
      %dma_start3A_1333 = arith.constant 0 : i32
      %dma_start3A_1334 = tpu.memref_slice %arg4[%squeeze3A_1323, %dma_start3A_1333] : memref<100001x32xf32, #tpu.memory_space<hbm>> -> memref<1x32xf32, #tpu.memory_space<hbm>>
      %dma_start3A_1335 = tpu.memref_squeeze %dma_start3A_1334 : memref<1x32xf32, #tpu.memory_space<hbm>> -> memref<32xf32, #tpu.memory_space<hbm>>
      tpu.enqueue_dma source(%dma_start3A_1335 : memref<32xf32, #tpu.memory_space<hbm>>) target(%dma_start3A_1332 : memref<32xf32, #tpu.memory_space<vmem>>) target_semaphore(%arg12 : memref<!tpu.dma_semaphore, #tpu.memory_space<semaphore_mem>>)
      %slice3A_1336 = vector.extract_strided_slice %get3A_839 {offsets = [14], sizes = [1], strides = [1]} : vector<16xi32> to vector<1xi32>
      %squeeze3A_1337 = vector.extract %slice3A_1336[0] : i32 from vector<1xi32>
      %dma_start3A_1338 = arith.constant 32 : i32
      %dma_start3A_1339 = tpu.memref_slice %arg9[%add3A_1321, %dma_start3A_1338] : memref<512x64xf32, #tpu.memory_space<vmem>> -> memref<1x32xf32, #tpu.memory_space<vmem>>
      %dma_start3A_1340 = tpu.memref_squeeze %dma_start3A_1339 : memref<1x32xf32, #tpu.memory_space<vmem>> -> memref<32xf32, #tpu.memory_space<vmem>>
      %dma_start3A_1341 = arith.constant 0 : i32
      %dma_start3A_1342 = tpu.memref_slice %arg5[%squeeze3A_1337, %dma_start3A_1341] : memref<1001x32xf32, #tpu.memory_space<hbm>> -> memref<1x32xf32, #tpu.memory_space<hbm>>
      %dma_start3A_1343 = tpu.memref_squeeze %dma_start3A_1342 : memref<1x32xf32, #tpu.memory_space<hbm>> -> memref<32xf32, #tpu.memory_space<hbm>>
      %dma_start3A_1344 = arith.constant 32 : i32
      %dma_start3A_1345 = tpu.memref_slice %arg9[%add3A_1321, %dma_start3A_1344] : memref<512x64xf32, #tpu.memory_space<vmem>> -> memref<1x32xf32, #tpu.memory_space<vmem>>
      %dma_start3A_1346 = tpu.memref_squeeze %dma_start3A_1345 : memref<1x32xf32, #tpu.memory_space<vmem>> -> memref<32xf32, #tpu.memory_space<vmem>>
      %dma_start3A_1347 = arith.constant 0 : i32
      %dma_start3A_1348 = tpu.memref_slice %arg5[%squeeze3A_1337, %dma_start3A_1347] : memref<1001x32xf32, #tpu.memory_space<hbm>> -> memref<1x32xf32, #tpu.memory_space<hbm>>
      %dma_start3A_1349 = tpu.memref_squeeze %dma_start3A_1348 : memref<1x32xf32, #tpu.memory_space<hbm>> -> memref<32xf32, #tpu.memory_space<hbm>>
      tpu.enqueue_dma source(%dma_start3A_1349 : memref<32xf32, #tpu.memory_space<hbm>>) target(%dma_start3A_1346 : memref<32xf32, #tpu.memory_space<vmem>>) target_semaphore(%arg12 : memref<!tpu.dma_semaphore, #tpu.memory_space<semaphore_mem>>)
      %mul3A_1350 = arith.constant 32 : i32
      %mul3A_1351 = arith.muli %scan3A_270, %mul3A_1350 : i32
      %add3A_1352 = arith.constant 16 : i32
      %add3A_1353 = arith.addi %mul3A_1351, %add3A_1352 : i32
      %add3A_1354 = arith.constant 15 : i32
      %add3A_1355 = arith.addi %add3A_1353, %add3A_1354 : i32
      %slice3A_1356 = vector.extract_strided_slice %get3A_832 {offsets = [15], sizes = [1], strides = [1]} : vector<16xi32> to vector<1xi32>
      %squeeze3A_1357 = vector.extract %slice3A_1356[0] : i32 from vector<1xi32>
      %dma_start3A_1358 = arith.constant 0 : i32
      %dma_start3A_1359 = tpu.memref_slice %arg9[%add3A_1355, %dma_start3A_1358] : memref<512x64xf32, #tpu.memory_space<vmem>> -> memref<1x32xf32, #tpu.memory_space<vmem>>
      %dma_start3A_1360 = tpu.memref_squeeze %dma_start3A_1359 : memref<1x32xf32, #tpu.memory_space<vmem>> -> memref<32xf32, #tpu.memory_space<vmem>>
      %dma_start3A_1361 = arith.constant 0 : i32
      %dma_start3A_1362 = tpu.memref_slice %arg4[%squeeze3A_1357, %dma_start3A_1361] : memref<100001x32xf32, #tpu.memory_space<hbm>> -> memref<1x32xf32, #tpu.memory_space<hbm>>
      %dma_start3A_1363 = tpu.memref_squeeze %dma_start3A_1362 : memref<1x32xf32, #tpu.memory_space<hbm>> -> memref<32xf32, #tpu.memory_space<hbm>>
      %dma_start3A_1364 = arith.constant 0 : i32
      %dma_start3A_1365 = tpu.memref_slice %arg9[%add3A_1355, %dma_start3A_1364] : memref<512x64xf32, #tpu.memory_space<vmem>> -> memref<1x32xf32, #tpu.memory_space<vmem>>
      %dma_start3A_1366 = tpu.memref_squeeze %dma_start3A_1365 : memref<1x32xf32, #tpu.memory_space<vmem>> -> memref<32xf32, #tpu.memory_space<vmem>>
      %dma_start3A_1367 = arith.constant 0 : i32
      %dma_start3A_1368 = tpu.memref_slice %arg4[%squeeze3A_1357, %dma_start3A_1367] : memref<100001x32xf32, #tpu.memory_space<hbm>> -> memref<1x32xf32, #tpu.memory_space<hbm>>
      %dma_start3A_1369 = tpu.memref_squeeze %dma_start3A_1368 : memref<1x32xf32, #tpu.memory_space<hbm>> -> memref<32xf32, #tpu.memory_space<hbm>>
      tpu.enqueue_dma source(%dma_start3A_1369 : memref<32xf32, #tpu.memory_space<hbm>>) target(%dma_start3A_1366 : memref<32xf32, #tpu.memory_space<vmem>>) target_semaphore(%arg12 : memref<!tpu.dma_semaphore, #tpu.memory_space<semaphore_mem>>)
      %slice3A_1370 = vector.extract_strided_slice %get3A_839 {offsets = [15], sizes = [1], strides = [1]} : vector<16xi32> to vector<1xi32>
      %squeeze3A_1371 = vector.extract %slice3A_1370[0] : i32 from vector<1xi32>
      %dma_start3A_1372 = arith.constant 32 : i32
      %dma_start3A_1373 = tpu.memref_slice %arg9[%add3A_1355, %dma_start3A_1372] : memref<512x64xf32, #tpu.memory_space<vmem>> -> memref<1x32xf32, #tpu.memory_space<vmem>>
      %dma_start3A_1374 = tpu.memref_squeeze %dma_start3A_1373 : memref<1x32xf32, #tpu.memory_space<vmem>> -> memref<32xf32, #tpu.memory_space<vmem>>
      %dma_start3A_1375 = arith.constant 0 : i32
      %dma_start3A_1376 = tpu.memref_slice %arg5[%squeeze3A_1371, %dma_start3A_1375] : memref<1001x32xf32, #tpu.memory_space<hbm>> -> memref<1x32xf32, #tpu.memory_space<hbm>>
      %dma_start3A_1377 = tpu.memref_squeeze %dma_start3A_1376 : memref<1x32xf32, #tpu.memory_space<hbm>> -> memref<32xf32, #tpu.memory_space<hbm>>
      %dma_start3A_1378 = arith.constant 32 : i32
      %dma_start3A_1379 = tpu.memref_slice %arg9[%add3A_1355, %dma_start3A_1378] : memref<512x64xf32, #tpu.memory_space<vmem>> -> memref<1x32xf32, #tpu.memory_space<vmem>>
      %dma_start3A_1380 = tpu.memref_squeeze %dma_start3A_1379 : memref<1x32xf32, #tpu.memory_space<vmem>> -> memref<32xf32, #tpu.memory_space<vmem>>
      %dma_start3A_1381 = arith.constant 0 : i32
      %dma_start3A_1382 = tpu.memref_slice %arg5[%squeeze3A_1371, %dma_start3A_1381] : memref<1001x32xf32, #tpu.memory_space<hbm>> -> memref<1x32xf32, #tpu.memory_space<hbm>>
      %dma_start3A_1383 = tpu.memref_squeeze %dma_start3A_1382 : memref<1x32xf32, #tpu.memory_space<hbm>> -> memref<32xf32, #tpu.memory_space<hbm>>
      tpu.enqueue_dma source(%dma_start3A_1383 : memref<32xf32, #tpu.memory_space<hbm>>) target(%dma_start3A_1380 : memref<32xf32, #tpu.memory_space<vmem>>) target_semaphore(%arg12 : memref<!tpu.dma_semaphore, #tpu.memory_space<semaphore_mem>>)
      %ge3A = arith.constant 4 : i32
      %ge3A_1384 = arith.cmpi sge, %scan3A_270, %ge3A : i32
      %convert_element_type3A = arith.extui %ge3A_1384 : i1 to i32
      %cond3A = arith.constant 0 : i32
      %cond3A_1385 = arith.cmpi ne, %convert_element_type3A, %cond3A : i32
      scf.if %cond3A_1385 {
        %sub3A = arith.constant 4 : i32
        %sub3A_1386 = arith.subi %scan3A_270, %sub3A : i32
        %dma_wait3A_1387 = arith.constant 0 : i32
        %dma_wait3A_1388 = tpu.memref_slice %arg2[%dma_wait3A_1387] : memref<16384xi32, #tpu.memory_space<hbm>> -> memref<2048xi32, #tpu.memory_space<hbm>>
        %dma_wait3A_1389 = arith.constant 0 : i32
        %dma_wait3A_1390 = tpu.memref_slice %arg2[%dma_wait3A_1389] : memref<16384xi32, #tpu.memory_space<hbm>> -> memref<2048xi32, #tpu.memory_space<hbm>>
        tpu.wait_dma2 semaphore(%arg12 : memref<!tpu.dma_semaphore, #tpu.memory_space<semaphore_mem>>) src(%dma_wait3A_1390 : memref<2048xi32, #tpu.memory_space<hbm>>) dst(%arg10 : memref<2048xi32, #tpu.memory_space<vmem>>)
        %mul3A_1391 = arith.constant 32 : i32
        %mul3A_1392 = arith.muli %sub3A_1386, %mul3A_1391 : i32
        %mul3A_1393 = arith.constant 32 : i32
        %mul3A_1394 = arith.muli %sub3A_1386, %mul3A_1393 : i32
        %add3A_1395 = arith.addi %mul3A_2, %mul3A_1394 : i32
        %dma_start3A_1396 = arith.constant 0 : i32
        %dma_start3A_1397 = tpu.memref_slice %arg9[%mul3A_1392, %dma_start3A_1396] : memref<512x64xf32, #tpu.memory_space<vmem>> -> memref<32x64xf32, #tpu.memory_space<vmem>>
        %dma_start3A_1398 = arith.constant 0 : i32
        %dma_start3A_1399 = tpu.memref_slice %arg6[%add3A_1395, %dma_start3A_1398] : memref<16384x64xf32, #tpu.memory_space<hbm>> -> memref<32x64xf32, #tpu.memory_space<hbm>>
        %dma_start3A_1400 = arith.constant 0 : i32
        %dma_start3A_1401 = tpu.memref_slice %arg6[%add3A_1395, %dma_start3A_1400] : memref<16384x64xf32, #tpu.memory_space<hbm>> -> memref<32x64xf32, #tpu.memory_space<hbm>>
        %dma_start3A_1402 = arith.constant 0 : i32
        %dma_start3A_1403 = tpu.memref_slice %arg9[%mul3A_1392, %dma_start3A_1402] : memref<512x64xf32, #tpu.memory_space<vmem>> -> memref<32x64xf32, #tpu.memory_space<vmem>>
        tpu.enqueue_dma source(%dma_start3A_1403 : memref<32x64xf32, #tpu.memory_space<vmem>>) target(%dma_start3A_1401 : memref<32x64xf32, #tpu.memory_space<hbm>>) target_semaphore(%arg13 : memref<!tpu.dma_semaphore, #tpu.memory_space<semaphore_mem>>)
      } else {
      }
    }
    %scan3A_13 = arith.constant 16 : i32
    %dma_wait3A_14 = arith.constant 0 : i32
    %dma_wait3A_15 = tpu.memref_slice %arg2[%dma_wait3A_14] : memref<16384xi32, #tpu.memory_space<hbm>> -> memref<2048xi32, #tpu.memory_space<hbm>>
    %dma_wait3A_16 = arith.constant 0 : i32
    %dma_wait3A_17 = tpu.memref_slice %arg2[%dma_wait3A_16] : memref<16384xi32, #tpu.memory_space<hbm>> -> memref<2048xi32, #tpu.memory_space<hbm>>
    tpu.wait_dma2 semaphore(%arg12 : memref<!tpu.dma_semaphore, #tpu.memory_space<semaphore_mem>>) src(%dma_wait3A_17 : memref<2048xi32, #tpu.memory_space<hbm>>) dst(%arg10 : memref<2048xi32, #tpu.memory_space<vmem>>)
    %add3A_18 = arith.constant 384 : i32
    %add3A_19 = arith.addi %mul3A_2, %add3A_18 : i32
    %dma_start3A_20 = arith.constant 384 : i32
    %dma_start3A_21 = arith.constant 0 : i32
    %dma_start3A_22 = tpu.memref_slice %arg9[%dma_start3A_20, %dma_start3A_21] : memref<512x64xf32, #tpu.memory_space<vmem>> -> memref<32x64xf32, #tpu.memory_space<vmem>>
    %dma_start3A_23 = arith.constant 0 : i32
    %dma_start3A_24 = tpu.memref_slice %arg6[%add3A_19, %dma_start3A_23] : memref<16384x64xf32, #tpu.memory_space<hbm>> -> memref<32x64xf32, #tpu.memory_space<hbm>>
    %dma_start3A_25 = arith.constant 0 : i32
    %dma_start3A_26 = tpu.memref_slice %arg6[%add3A_19, %dma_start3A_25] : memref<16384x64xf32, #tpu.memory_space<hbm>> -> memref<32x64xf32, #tpu.memory_space<hbm>>
    %dma_start3A_27 = arith.constant 384 : i32
    %dma_start3A_28 = arith.constant 0 : i32
    %dma_start3A_29 = tpu.memref_slice %arg9[%dma_start3A_27, %dma_start3A_28] : memref<512x64xf32, #tpu.memory_space<vmem>> -> memref<32x64xf32, #tpu.memory_space<vmem>>
    tpu.enqueue_dma source(%dma_start3A_29 : memref<32x64xf32, #tpu.memory_space<vmem>>) target(%dma_start3A_26 : memref<32x64xf32, #tpu.memory_space<hbm>>) target_semaphore(%arg13 : memref<!tpu.dma_semaphore, #tpu.memory_space<semaphore_mem>>)
    %dma_wait3A_30 = arith.constant 0 : i32
    %dma_wait3A_31 = tpu.memref_slice %arg2[%dma_wait3A_30] : memref<16384xi32, #tpu.memory_space<hbm>> -> memref<2048xi32, #tpu.memory_space<hbm>>
    %dma_wait3A_32 = arith.constant 0 : i32
    %dma_wait3A_33 = tpu.memref_slice %arg2[%dma_wait3A_32] : memref<16384xi32, #tpu.memory_space<hbm>> -> memref<2048xi32, #tpu.memory_space<hbm>>
    tpu.wait_dma2 semaphore(%arg12 : memref<!tpu.dma_semaphore, #tpu.memory_space<semaphore_mem>>) src(%dma_wait3A_33 : memref<2048xi32, #tpu.memory_space<hbm>>) dst(%arg10 : memref<2048xi32, #tpu.memory_space<vmem>>)
    %add3A_34 = arith.constant 416 : i32
    %add3A_35 = arith.addi %mul3A_2, %add3A_34 : i32
    %dma_start3A_36 = arith.constant 416 : i32
    %dma_start3A_37 = arith.constant 0 : i32
    %dma_start3A_38 = tpu.memref_slice %arg9[%dma_start3A_36, %dma_start3A_37] : memref<512x64xf32, #tpu.memory_space<vmem>> -> memref<32x64xf32, #tpu.memory_space<vmem>>
    %dma_start3A_39 = arith.constant 0 : i32
    %dma_start3A_40 = tpu.memref_slice %arg6[%add3A_35, %dma_start3A_39] : memref<16384x64xf32, #tpu.memory_space<hbm>> -> memref<32x64xf32, #tpu.memory_space<hbm>>
    %dma_start3A_41 = arith.constant 0 : i32
    %dma_start3A_42 = tpu.memref_slice %arg6[%add3A_35, %dma_start3A_41] : memref<16384x64xf32, #tpu.memory_space<hbm>> -> memref<32x64xf32, #tpu.memory_space<hbm>>
    %dma_start3A_43 = arith.constant 416 : i32
    %dma_start3A_44 = arith.constant 0 : i32
    %dma_start3A_45 = tpu.memref_slice %arg9[%dma_start3A_43, %dma_start3A_44] : memref<512x64xf32, #tpu.memory_space<vmem>> -> memref<32x64xf32, #tpu.memory_space<vmem>>
    tpu.enqueue_dma source(%dma_start3A_45 : memref<32x64xf32, #tpu.memory_space<vmem>>) target(%dma_start3A_42 : memref<32x64xf32, #tpu.memory_space<hbm>>) target_semaphore(%arg13 : memref<!tpu.dma_semaphore, #tpu.memory_space<semaphore_mem>>)
    %dma_wait3A_46 = arith.constant 0 : i32
    %dma_wait3A_47 = tpu.memref_slice %arg2[%dma_wait3A_46] : memref<16384xi32, #tpu.memory_space<hbm>> -> memref<2048xi32, #tpu.memory_space<hbm>>
    %dma_wait3A_48 = arith.constant 0 : i32
    %dma_wait3A_49 = tpu.memref_slice %arg2[%dma_wait3A_48] : memref<16384xi32, #tpu.memory_space<hbm>> -> memref<2048xi32, #tpu.memory_space<hbm>>
    tpu.wait_dma2 semaphore(%arg12 : memref<!tpu.dma_semaphore, #tpu.memory_space<semaphore_mem>>) src(%dma_wait3A_49 : memref<2048xi32, #tpu.memory_space<hbm>>) dst(%arg10 : memref<2048xi32, #tpu.memory_space<vmem>>)
    %add3A_50 = arith.constant 448 : i32
    %add3A_51 = arith.addi %mul3A_2, %add3A_50 : i32
    %dma_start3A_52 = arith.constant 448 : i32
    %dma_start3A_53 = arith.constant 0 : i32
    %dma_start3A_54 = tpu.memref_slice %arg9[%dma_start3A_52, %dma_start3A_53] : memref<512x64xf32, #tpu.memory_space<vmem>> -> memref<32x64xf32, #tpu.memory_space<vmem>>
    %dma_start3A_55 = arith.constant 0 : i32
    %dma_start3A_56 = tpu.memref_slice %arg6[%add3A_51, %dma_start3A_55] : memref<16384x64xf32, #tpu.memory_space<hbm>> -> memref<32x64xf32, #tpu.memory_space<hbm>>
    %dma_start3A_57 = arith.constant 0 : i32
    %dma_start3A_58 = tpu.memref_slice %arg6[%add3A_51, %dma_start3A_57] : memref<16384x64xf32, #tpu.memory_space<hbm>> -> memref<32x64xf32, #tpu.memory_space<hbm>>
    %dma_start3A_59 = arith.constant 448 : i32
    %dma_start3A_60 = arith.constant 0 : i32
    %dma_start3A_61 = tpu.memref_slice %arg9[%dma_start3A_59, %dma_start3A_60] : memref<512x64xf32, #tpu.memory_space<vmem>> -> memref<32x64xf32, #tpu.memory_space<vmem>>
    tpu.enqueue_dma source(%dma_start3A_61 : memref<32x64xf32, #tpu.memory_space<vmem>>) target(%dma_start3A_58 : memref<32x64xf32, #tpu.memory_space<hbm>>) target_semaphore(%arg13 : memref<!tpu.dma_semaphore, #tpu.memory_space<semaphore_mem>>)
    %dma_wait3A_62 = arith.constant 0 : i32
    %dma_wait3A_63 = tpu.memref_slice %arg2[%dma_wait3A_62] : memref<16384xi32, #tpu.memory_space<hbm>> -> memref<2048xi32, #tpu.memory_space<hbm>>
    %dma_wait3A_64 = arith.constant 0 : i32
    %dma_wait3A_65 = tpu.memref_slice %arg2[%dma_wait3A_64] : memref<16384xi32, #tpu.memory_space<hbm>> -> memref<2048xi32, #tpu.memory_space<hbm>>
    tpu.wait_dma2 semaphore(%arg12 : memref<!tpu.dma_semaphore, #tpu.memory_space<semaphore_mem>>) src(%dma_wait3A_65 : memref<2048xi32, #tpu.memory_space<hbm>>) dst(%arg10 : memref<2048xi32, #tpu.memory_space<vmem>>)
    %add3A_66 = arith.constant 480 : i32
    %add3A_67 = arith.addi %mul3A_2, %add3A_66 : i32
    %dma_start3A_68 = arith.constant 480 : i32
    %dma_start3A_69 = arith.constant 0 : i32
    %dma_start3A_70 = tpu.memref_slice %arg9[%dma_start3A_68, %dma_start3A_69] : memref<512x64xf32, #tpu.memory_space<vmem>> -> memref<32x64xf32, #tpu.memory_space<vmem>>
    %dma_start3A_71 = arith.constant 0 : i32
    %dma_start3A_72 = tpu.memref_slice %arg6[%add3A_67, %dma_start3A_71] : memref<16384x64xf32, #tpu.memory_space<hbm>> -> memref<32x64xf32, #tpu.memory_space<hbm>>
    %dma_start3A_73 = arith.constant 0 : i32
    %dma_start3A_74 = tpu.memref_slice %arg6[%add3A_67, %dma_start3A_73] : memref<16384x64xf32, #tpu.memory_space<hbm>> -> memref<32x64xf32, #tpu.memory_space<hbm>>
    %dma_start3A_75 = arith.constant 480 : i32
    %dma_start3A_76 = arith.constant 0 : i32
    %dma_start3A_77 = tpu.memref_slice %arg9[%dma_start3A_75, %dma_start3A_76] : memref<512x64xf32, #tpu.memory_space<vmem>> -> memref<32x64xf32, #tpu.memory_space<vmem>>
    tpu.enqueue_dma source(%dma_start3A_77 : memref<32x64xf32, #tpu.memory_space<vmem>>) target(%dma_start3A_74 : memref<32x64xf32, #tpu.memory_space<hbm>>) target_semaphore(%arg13 : memref<!tpu.dma_semaphore, #tpu.memory_space<semaphore_mem>>)
    %add3A_78 = arith.constant 0 : i32
    %add3A_79 = arith.addi %mul3A_2, %add3A_78 : i32
    %dma_wait3A_80 = arith.constant 0 : i32
    %dma_wait3A_81 = arith.constant 0 : i32
    %dma_wait3A_82 = tpu.memref_slice %arg9[%dma_wait3A_80, %dma_wait3A_81] : memref<512x64xf32, #tpu.memory_space<vmem>> -> memref<32x64xf32, #tpu.memory_space<vmem>>
    %dma_wait3A_83 = arith.constant 0 : i32
    %dma_wait3A_84 = tpu.memref_slice %arg6[%add3A_79, %dma_wait3A_83] : memref<16384x64xf32, #tpu.memory_space<hbm>> -> memref<32x64xf32, #tpu.memory_space<hbm>>
    %dma_wait3A_85 = arith.constant 0 : i32
    %dma_wait3A_86 = tpu.memref_slice %arg6[%add3A_79, %dma_wait3A_85] : memref<16384x64xf32, #tpu.memory_space<hbm>> -> memref<32x64xf32, #tpu.memory_space<hbm>>
    %dma_wait3A_87 = arith.constant 0 : i32
    %dma_wait3A_88 = arith.constant 0 : i32
    %dma_wait3A_89 = tpu.memref_slice %arg9[%dma_wait3A_87, %dma_wait3A_88] : memref<512x64xf32, #tpu.memory_space<vmem>> -> memref<32x64xf32, #tpu.memory_space<vmem>>
    tpu.wait_dma2 semaphore(%arg13 : memref<!tpu.dma_semaphore, #tpu.memory_space<semaphore_mem>>) src(%dma_wait3A_89 : memref<32x64xf32, #tpu.memory_space<vmem>>) dst(%dma_wait3A_86 : memref<32x64xf32, #tpu.memory_space<hbm>>)
    %add3A_90 = arith.constant 32 : i32
    %add3A_91 = arith.addi %mul3A_2, %add3A_90 : i32
    %dma_wait3A_92 = arith.constant 32 : i32
    %dma_wait3A_93 = arith.constant 0 : i32
    %dma_wait3A_94 = tpu.memref_slice %arg9[%dma_wait3A_92, %dma_wait3A_93] : memref<512x64xf32, #tpu.memory_space<vmem>> -> memref<32x64xf32, #tpu.memory_space<vmem>>
    %dma_wait3A_95 = arith.constant 0 : i32
    %dma_wait3A_96 = tpu.memref_slice %arg6[%add3A_91, %dma_wait3A_95] : memref<16384x64xf32, #tpu.memory_space<hbm>> -> memref<32x64xf32, #tpu.memory_space<hbm>>
    %dma_wait3A_97 = arith.constant 0 : i32
    %dma_wait3A_98 = tpu.memref_slice %arg6[%add3A_91, %dma_wait3A_97] : memref<16384x64xf32, #tpu.memory_space<hbm>> -> memref<32x64xf32, #tpu.memory_space<hbm>>
    %dma_wait3A_99 = arith.constant 32 : i32
    %dma_wait3A_100 = arith.constant 0 : i32
    %dma_wait3A_101 = tpu.memref_slice %arg9[%dma_wait3A_99, %dma_wait3A_100] : memref<512x64xf32, #tpu.memory_space<vmem>> -> memref<32x64xf32, #tpu.memory_space<vmem>>
    tpu.wait_dma2 semaphore(%arg13 : memref<!tpu.dma_semaphore, #tpu.memory_space<semaphore_mem>>) src(%dma_wait3A_101 : memref<32x64xf32, #tpu.memory_space<vmem>>) dst(%dma_wait3A_98 : memref<32x64xf32, #tpu.memory_space<hbm>>)
    %add3A_102 = arith.constant 64 : i32
    %add3A_103 = arith.addi %mul3A_2, %add3A_102 : i32
    %dma_wait3A_104 = arith.constant 64 : i32
    %dma_wait3A_105 = arith.constant 0 : i32
    %dma_wait3A_106 = tpu.memref_slice %arg9[%dma_wait3A_104, %dma_wait3A_105] : memref<512x64xf32, #tpu.memory_space<vmem>> -> memref<32x64xf32, #tpu.memory_space<vmem>>
    %dma_wait3A_107 = arith.constant 0 : i32
    %dma_wait3A_108 = tpu.memref_slice %arg6[%add3A_103, %dma_wait3A_107] : memref<16384x64xf32, #tpu.memory_space<hbm>> -> memref<32x64xf32, #tpu.memory_space<hbm>>
    %dma_wait3A_109 = arith.constant 0 : i32
    %dma_wait3A_110 = tpu.memref_slice %arg6[%add3A_103, %dma_wait3A_109] : memref<16384x64xf32, #tpu.memory_space<hbm>> -> memref<32x64xf32, #tpu.memory_space<hbm>>
    %dma_wait3A_111 = arith.constant 64 : i32
    %dma_wait3A_112 = arith.constant 0 : i32
    %dma_wait3A_113 = tpu.memref_slice %arg9[%dma_wait3A_111, %dma_wait3A_112] : memref<512x64xf32, #tpu.memory_space<vmem>> -> memref<32x64xf32, #tpu.memory_space<vmem>>
    tpu.wait_dma2 semaphore(%arg13 : memref<!tpu.dma_semaphore, #tpu.memory_space<semaphore_mem>>) src(%dma_wait3A_113 : memref<32x64xf32, #tpu.memory_space<vmem>>) dst(%dma_wait3A_110 : memref<32x64xf32, #tpu.memory_space<hbm>>)
    %add3A_114 = arith.constant 96 : i32
    %add3A_115 = arith.addi %mul3A_2, %add3A_114 : i32
    %dma_wait3A_116 = arith.constant 96 : i32
    %dma_wait3A_117 = arith.constant 0 : i32
    %dma_wait3A_118 = tpu.memref_slice %arg9[%dma_wait3A_116, %dma_wait3A_117] : memref<512x64xf32, #tpu.memory_space<vmem>> -> memref<32x64xf32, #tpu.memory_space<vmem>>
    %dma_wait3A_119 = arith.constant 0 : i32
    %dma_wait3A_120 = tpu.memref_slice %arg6[%add3A_115, %dma_wait3A_119] : memref<16384x64xf32, #tpu.memory_space<hbm>> -> memref<32x64xf32, #tpu.memory_space<hbm>>
    %dma_wait3A_121 = arith.constant 0 : i32
    %dma_wait3A_122 = tpu.memref_slice %arg6[%add3A_115, %dma_wait3A_121] : memref<16384x64xf32, #tpu.memory_space<hbm>> -> memref<32x64xf32, #tpu.memory_space<hbm>>
    %dma_wait3A_123 = arith.constant 96 : i32
    %dma_wait3A_124 = arith.constant 0 : i32
    %dma_wait3A_125 = tpu.memref_slice %arg9[%dma_wait3A_123, %dma_wait3A_124] : memref<512x64xf32, #tpu.memory_space<vmem>> -> memref<32x64xf32, #tpu.memory_space<vmem>>
    tpu.wait_dma2 semaphore(%arg13 : memref<!tpu.dma_semaphore, #tpu.memory_space<semaphore_mem>>) src(%dma_wait3A_125 : memref<32x64xf32, #tpu.memory_space<vmem>>) dst(%dma_wait3A_122 : memref<32x64xf32, #tpu.memory_space<hbm>>)
    %add3A_126 = arith.constant 128 : i32
    %add3A_127 = arith.addi %mul3A_2, %add3A_126 : i32
    %dma_wait3A_128 = arith.constant 128 : i32
    %dma_wait3A_129 = arith.constant 0 : i32
    %dma_wait3A_130 = tpu.memref_slice %arg9[%dma_wait3A_128, %dma_wait3A_129] : memref<512x64xf32, #tpu.memory_space<vmem>> -> memref<32x64xf32, #tpu.memory_space<vmem>>
    %dma_wait3A_131 = arith.constant 0 : i32
    %dma_wait3A_132 = tpu.memref_slice %arg6[%add3A_127, %dma_wait3A_131] : memref<16384x64xf32, #tpu.memory_space<hbm>> -> memref<32x64xf32, #tpu.memory_space<hbm>>
    %dma_wait3A_133 = arith.constant 0 : i32
    %dma_wait3A_134 = tpu.memref_slice %arg6[%add3A_127, %dma_wait3A_133] : memref<16384x64xf32, #tpu.memory_space<hbm>> -> memref<32x64xf32, #tpu.memory_space<hbm>>
    %dma_wait3A_135 = arith.constant 128 : i32
    %dma_wait3A_136 = arith.constant 0 : i32
    %dma_wait3A_137 = tpu.memref_slice %arg9[%dma_wait3A_135, %dma_wait3A_136] : memref<512x64xf32, #tpu.memory_space<vmem>> -> memref<32x64xf32, #tpu.memory_space<vmem>>
    tpu.wait_dma2 semaphore(%arg13 : memref<!tpu.dma_semaphore, #tpu.memory_space<semaphore_mem>>) src(%dma_wait3A_137 : memref<32x64xf32, #tpu.memory_space<vmem>>) dst(%dma_wait3A_134 : memref<32x64xf32, #tpu.memory_space<hbm>>)
    %add3A_138 = arith.constant 160 : i32
    %add3A_139 = arith.addi %mul3A_2, %add3A_138 : i32
    %dma_wait3A_140 = arith.constant 160 : i32
    %dma_wait3A_141 = arith.constant 0 : i32
    %dma_wait3A_142 = tpu.memref_slice %arg9[%dma_wait3A_140, %dma_wait3A_141] : memref<512x64xf32, #tpu.memory_space<vmem>> -> memref<32x64xf32, #tpu.memory_space<vmem>>
    %dma_wait3A_143 = arith.constant 0 : i32
    %dma_wait3A_144 = tpu.memref_slice %arg6[%add3A_139, %dma_wait3A_143] : memref<16384x64xf32, #tpu.memory_space<hbm>> -> memref<32x64xf32, #tpu.memory_space<hbm>>
    %dma_wait3A_145 = arith.constant 0 : i32
    %dma_wait3A_146 = tpu.memref_slice %arg6[%add3A_139, %dma_wait3A_145] : memref<16384x64xf32, #tpu.memory_space<hbm>> -> memref<32x64xf32, #tpu.memory_space<hbm>>
    %dma_wait3A_147 = arith.constant 160 : i32
    %dma_wait3A_148 = arith.constant 0 : i32
    %dma_wait3A_149 = tpu.memref_slice %arg9[%dma_wait3A_147, %dma_wait3A_148] : memref<512x64xf32, #tpu.memory_space<vmem>> -> memref<32x64xf32, #tpu.memory_space<vmem>>
    tpu.wait_dma2 semaphore(%arg13 : memref<!tpu.dma_semaphore, #tpu.memory_space<semaphore_mem>>) src(%dma_wait3A_149 : memref<32x64xf32, #tpu.memory_space<vmem>>) dst(%dma_wait3A_146 : memref<32x64xf32, #tpu.memory_space<hbm>>)
    %add3A_150 = arith.constant 192 : i32
    %add3A_151 = arith.addi %mul3A_2, %add3A_150 : i32
    %dma_wait3A_152 = arith.constant 192 : i32
    %dma_wait3A_153 = arith.constant 0 : i32
    %dma_wait3A_154 = tpu.memref_slice %arg9[%dma_wait3A_152, %dma_wait3A_153] : memref<512x64xf32, #tpu.memory_space<vmem>> -> memref<32x64xf32, #tpu.memory_space<vmem>>
    %dma_wait3A_155 = arith.constant 0 : i32
    %dma_wait3A_156 = tpu.memref_slice %arg6[%add3A_151, %dma_wait3A_155] : memref<16384x64xf32, #tpu.memory_space<hbm>> -> memref<32x64xf32, #tpu.memory_space<hbm>>
    %dma_wait3A_157 = arith.constant 0 : i32
    %dma_wait3A_158 = tpu.memref_slice %arg6[%add3A_151, %dma_wait3A_157] : memref<16384x64xf32, #tpu.memory_space<hbm>> -> memref<32x64xf32, #tpu.memory_space<hbm>>
    %dma_wait3A_159 = arith.constant 192 : i32
    %dma_wait3A_160 = arith.constant 0 : i32
    %dma_wait3A_161 = tpu.memref_slice %arg9[%dma_wait3A_159, %dma_wait3A_160] : memref<512x64xf32, #tpu.memory_space<vmem>> -> memref<32x64xf32, #tpu.memory_space<vmem>>
    tpu.wait_dma2 semaphore(%arg13 : memref<!tpu.dma_semaphore, #tpu.memory_space<semaphore_mem>>) src(%dma_wait3A_161 : memref<32x64xf32, #tpu.memory_space<vmem>>) dst(%dma_wait3A_158 : memref<32x64xf32, #tpu.memory_space<hbm>>)
    %add3A_162 = arith.constant 224 : i32
    %add3A_163 = arith.addi %mul3A_2, %add3A_162 : i32
    %dma_wait3A_164 = arith.constant 224 : i32
    %dma_wait3A_165 = arith.constant 0 : i32
    %dma_wait3A_166 = tpu.memref_slice %arg9[%dma_wait3A_164, %dma_wait3A_165] : memref<512x64xf32, #tpu.memory_space<vmem>> -> memref<32x64xf32, #tpu.memory_space<vmem>>
    %dma_wait3A_167 = arith.constant 0 : i32
    %dma_wait3A_168 = tpu.memref_slice %arg6[%add3A_163, %dma_wait3A_167] : memref<16384x64xf32, #tpu.memory_space<hbm>> -> memref<32x64xf32, #tpu.memory_space<hbm>>
    %dma_wait3A_169 = arith.constant 0 : i32
    %dma_wait3A_170 = tpu.memref_slice %arg6[%add3A_163, %dma_wait3A_169] : memref<16384x64xf32, #tpu.memory_space<hbm>> -> memref<32x64xf32, #tpu.memory_space<hbm>>
    %dma_wait3A_171 = arith.constant 224 : i32
    %dma_wait3A_172 = arith.constant 0 : i32
    %dma_wait3A_173 = tpu.memref_slice %arg9[%dma_wait3A_171, %dma_wait3A_172] : memref<512x64xf32, #tpu.memory_space<vmem>> -> memref<32x64xf32, #tpu.memory_space<vmem>>
    tpu.wait_dma2 semaphore(%arg13 : memref<!tpu.dma_semaphore, #tpu.memory_space<semaphore_mem>>) src(%dma_wait3A_173 : memref<32x64xf32, #tpu.memory_space<vmem>>) dst(%dma_wait3A_170 : memref<32x64xf32, #tpu.memory_space<hbm>>)
    %add3A_174 = arith.constant 256 : i32
    %add3A_175 = arith.addi %mul3A_2, %add3A_174 : i32
    %dma_wait3A_176 = arith.constant 256 : i32
    %dma_wait3A_177 = arith.constant 0 : i32
    %dma_wait3A_178 = tpu.memref_slice %arg9[%dma_wait3A_176, %dma_wait3A_177] : memref<512x64xf32, #tpu.memory_space<vmem>> -> memref<32x64xf32, #tpu.memory_space<vmem>>
    %dma_wait3A_179 = arith.constant 0 : i32
    %dma_wait3A_180 = tpu.memref_slice %arg6[%add3A_175, %dma_wait3A_179] : memref<16384x64xf32, #tpu.memory_space<hbm>> -> memref<32x64xf32, #tpu.memory_space<hbm>>
    %dma_wait3A_181 = arith.constant 0 : i32
    %dma_wait3A_182 = tpu.memref_slice %arg6[%add3A_175, %dma_wait3A_181] : memref<16384x64xf32, #tpu.memory_space<hbm>> -> memref<32x64xf32, #tpu.memory_space<hbm>>
    %dma_wait3A_183 = arith.constant 256 : i32
    %dma_wait3A_184 = arith.constant 0 : i32
    %dma_wait3A_185 = tpu.memref_slice %arg9[%dma_wait3A_183, %dma_wait3A_184] : memref<512x64xf32, #tpu.memory_space<vmem>> -> memref<32x64xf32, #tpu.memory_space<vmem>>
    tpu.wait_dma2 semaphore(%arg13 : memref<!tpu.dma_semaphore, #tpu.memory_space<semaphore_mem>>) src(%dma_wait3A_185 : memref<32x64xf32, #tpu.memory_space<vmem>>) dst(%dma_wait3A_182 : memref<32x64xf32, #tpu.memory_space<hbm>>)
    %add3A_186 = arith.constant 288 : i32
    %add3A_187 = arith.addi %mul3A_2, %add3A_186 : i32
    %dma_wait3A_188 = arith.constant 288 : i32
    %dma_wait3A_189 = arith.constant 0 : i32
    %dma_wait3A_190 = tpu.memref_slice %arg9[%dma_wait3A_188, %dma_wait3A_189] : memref<512x64xf32, #tpu.memory_space<vmem>> -> memref<32x64xf32, #tpu.memory_space<vmem>>
    %dma_wait3A_191 = arith.constant 0 : i32
    %dma_wait3A_192 = tpu.memref_slice %arg6[%add3A_187, %dma_wait3A_191] : memref<16384x64xf32, #tpu.memory_space<hbm>> -> memref<32x64xf32, #tpu.memory_space<hbm>>
    %dma_wait3A_193 = arith.constant 0 : i32
    %dma_wait3A_194 = tpu.memref_slice %arg6[%add3A_187, %dma_wait3A_193] : memref<16384x64xf32, #tpu.memory_space<hbm>> -> memref<32x64xf32, #tpu.memory_space<hbm>>
    %dma_wait3A_195 = arith.constant 288 : i32
    %dma_wait3A_196 = arith.constant 0 : i32
    %dma_wait3A_197 = tpu.memref_slice %arg9[%dma_wait3A_195, %dma_wait3A_196] : memref<512x64xf32, #tpu.memory_space<vmem>> -> memref<32x64xf32, #tpu.memory_space<vmem>>
    tpu.wait_dma2 semaphore(%arg13 : memref<!tpu.dma_semaphore, #tpu.memory_space<semaphore_mem>>) src(%dma_wait3A_197 : memref<32x64xf32, #tpu.memory_space<vmem>>) dst(%dma_wait3A_194 : memref<32x64xf32, #tpu.memory_space<hbm>>)
    %add3A_198 = arith.constant 320 : i32
    %add3A_199 = arith.addi %mul3A_2, %add3A_198 : i32
    %dma_wait3A_200 = arith.constant 320 : i32
    %dma_wait3A_201 = arith.constant 0 : i32
    %dma_wait3A_202 = tpu.memref_slice %arg9[%dma_wait3A_200, %dma_wait3A_201] : memref<512x64xf32, #tpu.memory_space<vmem>> -> memref<32x64xf32, #tpu.memory_space<vmem>>
    %dma_wait3A_203 = arith.constant 0 : i32
    %dma_wait3A_204 = tpu.memref_slice %arg6[%add3A_199, %dma_wait3A_203] : memref<16384x64xf32, #tpu.memory_space<hbm>> -> memref<32x64xf32, #tpu.memory_space<hbm>>
    %dma_wait3A_205 = arith.constant 0 : i32
    %dma_wait3A_206 = tpu.memref_slice %arg6[%add3A_199, %dma_wait3A_205] : memref<16384x64xf32, #tpu.memory_space<hbm>> -> memref<32x64xf32, #tpu.memory_space<hbm>>
    %dma_wait3A_207 = arith.constant 320 : i32
    %dma_wait3A_208 = arith.constant 0 : i32
    %dma_wait3A_209 = tpu.memref_slice %arg9[%dma_wait3A_207, %dma_wait3A_208] : memref<512x64xf32, #tpu.memory_space<vmem>> -> memref<32x64xf32, #tpu.memory_space<vmem>>
    tpu.wait_dma2 semaphore(%arg13 : memref<!tpu.dma_semaphore, #tpu.memory_space<semaphore_mem>>) src(%dma_wait3A_209 : memref<32x64xf32, #tpu.memory_space<vmem>>) dst(%dma_wait3A_206 : memref<32x64xf32, #tpu.memory_space<hbm>>)
    %add3A_210 = arith.constant 352 : i32
    %add3A_211 = arith.addi %mul3A_2, %add3A_210 : i32
    %dma_wait3A_212 = arith.constant 352 : i32
    %dma_wait3A_213 = arith.constant 0 : i32
    %dma_wait3A_214 = tpu.memref_slice %arg9[%dma_wait3A_212, %dma_wait3A_213] : memref<512x64xf32, #tpu.memory_space<vmem>> -> memref<32x64xf32, #tpu.memory_space<vmem>>
    %dma_wait3A_215 = arith.constant 0 : i32
    %dma_wait3A_216 = tpu.memref_slice %arg6[%add3A_211, %dma_wait3A_215] : memref<16384x64xf32, #tpu.memory_space<hbm>> -> memref<32x64xf32, #tpu.memory_space<hbm>>
    %dma_wait3A_217 = arith.constant 0 : i32
    %dma_wait3A_218 = tpu.memref_slice %arg6[%add3A_211, %dma_wait3A_217] : memref<16384x64xf32, #tpu.memory_space<hbm>> -> memref<32x64xf32, #tpu.memory_space<hbm>>
    %dma_wait3A_219 = arith.constant 352 : i32
    %dma_wait3A_220 = arith.constant 0 : i32
    %dma_wait3A_221 = tpu.memref_slice %arg9[%dma_wait3A_219, %dma_wait3A_220] : memref<512x64xf32, #tpu.memory_space<vmem>> -> memref<32x64xf32, #tpu.memory_space<vmem>>
    tpu.wait_dma2 semaphore(%arg13 : memref<!tpu.dma_semaphore, #tpu.memory_space<semaphore_mem>>) src(%dma_wait3A_221 : memref<32x64xf32, #tpu.memory_space<vmem>>) dst(%dma_wait3A_218 : memref<32x64xf32, #tpu.memory_space<hbm>>)
    %add3A_222 = arith.constant 384 : i32
    %add3A_223 = arith.addi %mul3A_2, %add3A_222 : i32
    %dma_wait3A_224 = arith.constant 384 : i32
    %dma_wait3A_225 = arith.constant 0 : i32
    %dma_wait3A_226 = tpu.memref_slice %arg9[%dma_wait3A_224, %dma_wait3A_225] : memref<512x64xf32, #tpu.memory_space<vmem>> -> memref<32x64xf32, #tpu.memory_space<vmem>>
    %dma_wait3A_227 = arith.constant 0 : i32
    %dma_wait3A_228 = tpu.memref_slice %arg6[%add3A_223, %dma_wait3A_227] : memref<16384x64xf32, #tpu.memory_space<hbm>> -> memref<32x64xf32, #tpu.memory_space<hbm>>
    %dma_wait3A_229 = arith.constant 0 : i32
    %dma_wait3A_230 = tpu.memref_slice %arg6[%add3A_223, %dma_wait3A_229] : memref<16384x64xf32, #tpu.memory_space<hbm>> -> memref<32x64xf32, #tpu.memory_space<hbm>>
    %dma_wait3A_231 = arith.constant 384 : i32
    %dma_wait3A_232 = arith.constant 0 : i32
    %dma_wait3A_233 = tpu.memref_slice %arg9[%dma_wait3A_231, %dma_wait3A_232] : memref<512x64xf32, #tpu.memory_space<vmem>> -> memref<32x64xf32, #tpu.memory_space<vmem>>
    tpu.wait_dma2 semaphore(%arg13 : memref<!tpu.dma_semaphore, #tpu.memory_space<semaphore_mem>>) src(%dma_wait3A_233 : memref<32x64xf32, #tpu.memory_space<vmem>>) dst(%dma_wait3A_230 : memref<32x64xf32, #tpu.memory_space<hbm>>)
    %add3A_234 = arith.constant 416 : i32
    %add3A_235 = arith.addi %mul3A_2, %add3A_234 : i32
    %dma_wait3A_236 = arith.constant 416 : i32
    %dma_wait3A_237 = arith.constant 0 : i32
    %dma_wait3A_238 = tpu.memref_slice %arg9[%dma_wait3A_236, %dma_wait3A_237] : memref<512x64xf32, #tpu.memory_space<vmem>> -> memref<32x64xf32, #tpu.memory_space<vmem>>
    %dma_wait3A_239 = arith.constant 0 : i32
    %dma_wait3A_240 = tpu.memref_slice %arg6[%add3A_235, %dma_wait3A_239] : memref<16384x64xf32, #tpu.memory_space<hbm>> -> memref<32x64xf32, #tpu.memory_space<hbm>>
    %dma_wait3A_241 = arith.constant 0 : i32
    %dma_wait3A_242 = tpu.memref_slice %arg6[%add3A_235, %dma_wait3A_241] : memref<16384x64xf32, #tpu.memory_space<hbm>> -> memref<32x64xf32, #tpu.memory_space<hbm>>
    %dma_wait3A_243 = arith.constant 416 : i32
    %dma_wait3A_244 = arith.constant 0 : i32
    %dma_wait3A_245 = tpu.memref_slice %arg9[%dma_wait3A_243, %dma_wait3A_244] : memref<512x64xf32, #tpu.memory_space<vmem>> -> memref<32x64xf32, #tpu.memory_space<vmem>>
    tpu.wait_dma2 semaphore(%arg13 : memref<!tpu.dma_semaphore, #tpu.memory_space<semaphore_mem>>) src(%dma_wait3A_245 : memref<32x64xf32, #tpu.memory_space<vmem>>) dst(%dma_wait3A_242 : memref<32x64xf32, #tpu.memory_space<hbm>>)
    %add3A_246 = arith.constant 448 : i32
    %add3A_247 = arith.addi %mul3A_2, %add3A_246 : i32
    %dma_wait3A_248 = arith.constant 448 : i32
    %dma_wait3A_249 = arith.constant 0 : i32
    %dma_wait3A_250 = tpu.memref_slice %arg9[%dma_wait3A_248, %dma_wait3A_249] : memref<512x64xf32, #tpu.memory_space<vmem>> -> memref<32x64xf32, #tpu.memory_space<vmem>>
    %dma_wait3A_251 = arith.constant 0 : i32
    %dma_wait3A_252 = tpu.memref_slice %arg6[%add3A_247, %dma_wait3A_251] : memref<16384x64xf32, #tpu.memory_space<hbm>> -> memref<32x64xf32, #tpu.memory_space<hbm>>
    %dma_wait3A_253 = arith.constant 0 : i32
    %dma_wait3A_254 = tpu.memref_slice %arg6[%add3A_247, %dma_wait3A_253] : memref<16384x64xf32, #tpu.memory_space<hbm>> -> memref<32x64xf32, #tpu.memory_space<hbm>>
    %dma_wait3A_255 = arith.constant 448 : i32
    %dma_wait3A_256 = arith.constant 0 : i32
    %dma_wait3A_257 = tpu.memref_slice %arg9[%dma_wait3A_255, %dma_wait3A_256] : memref<512x64xf32, #tpu.memory_space<vmem>> -> memref<32x64xf32, #tpu.memory_space<vmem>>
    tpu.wait_dma2 semaphore(%arg13 : memref<!tpu.dma_semaphore, #tpu.memory_space<semaphore_mem>>) src(%dma_wait3A_257 : memref<32x64xf32, #tpu.memory_space<vmem>>) dst(%dma_wait3A_254 : memref<32x64xf32, #tpu.memory_space<hbm>>)
    %add3A_258 = arith.constant 480 : i32
    %add3A_259 = arith.addi %mul3A_2, %add3A_258 : i32
    %dma_wait3A_260 = arith.constant 480 : i32
    %dma_wait3A_261 = arith.constant 0 : i32
    %dma_wait3A_262 = tpu.memref_slice %arg9[%dma_wait3A_260, %dma_wait3A_261] : memref<512x64xf32, #tpu.memory_space<vmem>> -> memref<32x64xf32, #tpu.memory_space<vmem>>
    %dma_wait3A_263 = arith.constant 0 : i32
    %dma_wait3A_264 = tpu.memref_slice %arg6[%add3A_259, %dma_wait3A_263] : memref<16384x64xf32, #tpu.memory_space<hbm>> -> memref<32x64xf32, #tpu.memory_space<hbm>>
    %dma_wait3A_265 = arith.constant 0 : i32
    %dma_wait3A_266 = tpu.memref_slice %arg6[%add3A_259, %dma_wait3A_265] : memref<16384x64xf32, #tpu.memory_space<hbm>> -> memref<32x64xf32, #tpu.memory_space<hbm>>
    %dma_wait3A_267 = arith.constant 480 : i32
    %dma_wait3A_268 = arith.constant 0 : i32
    %dma_wait3A_269 = tpu.memref_slice %arg9[%dma_wait3A_267, %dma_wait3A_268] : memref<512x64xf32, #tpu.memory_space<vmem>> -> memref<32x64xf32, #tpu.memory_space<vmem>>
    tpu.wait_dma2 semaphore(%arg13 : memref<!tpu.dma_semaphore, #tpu.memory_space<semaphore_mem>>) src(%dma_wait3A_269 : memref<32x64xf32, #tpu.memory_space<vmem>>) dst(%dma_wait3A_266 : memref<32x64xf32, #tpu.memory_space<hbm>>)
    return
  }
}

</mosaic_0001>

<sc_bundles>
// kernel: kernel.3.cloned.1.call-start
scs
__scs_entry_jumppad:
0x0: {  	(pc) =	sbr.rel $0x88, $3  }
0x1: {  	(tag) =	ssettag $0x0;
	lr =	simm.s32 $0x1  }
0x2: {  	[smem:$0x3F9D] =	sst lr;
	_ =	strace $0xD0000000  }
0x3: {  	_ = 	snop  }
0x4: {  	_ = 	snop  }
0x5: {  	_ = 	snop  }
0x6: {  	_ = 	snop  }
0x7: {  	_ = 	snop  }
__scs_overlays_trampoline_lowered:
0x8: {  	[smem:$0x3FAC] =	sst s0  }
0x9: {  	[smem:$0x3FAD] =	sst s1  }
0xa: {  	[smem:$0x3FAE] =	sst s2  }
0xb: {  	[smem:$0x3FAF] =	sst s3  }
0xc: {  	[smem:$0x3FB0] =	sst s4  }
0xd: {  	[smem:$0x3FB1] =	sst s5  }
0xe: {  	[smem:$0x3FB2] =	sst s6  }
0xf: {  	[smem:$0x3FB3] =	sst s7  }
0x10: {  	[smem:$0x3FB4] =	sst s8  }
0x11: {  	[smem:$0x3FB5] =	sst s9;
	s0 =	simm.s32 @!p0 $0x0  }
0x12: {  	s1 =	sld [smem:$0x3F9B];
	s0 =	simm.s32 @p0 $0x1  }
0x13: {  	[smem:$0x3FB6] =	sst s0;
	s0 =	simm.s32 @!p1 $0x0  }
0x14: {  	s2 =	sld [smem:$0x3F9A];
	s0 =	simm.s32 @p1 $0x1  }
0x15: {  	[smem:$0x3FB7] =	sst s0;
	s0 =	simm.s32 @!p2 $0x0  }
0x16: {  	s3 =	sld [smem:$0x3FDB];
	s0 =	simm.s32 @p2 $0x1  }
0x17: {  	s4 =	simm.s32 $0x1BF5;
	[smem:$0x3FB9] =	sst s0  }
0x18: {  	s0 =	sld [smem:$0x3F9C];
	_ =	swait.ge [sflag:s4], $0x0  }
0x19: {  	s7 =	sld [smem:$0x3F9D]  }
0x1a: {  	s8 =	sadd.s32 $0xFFFFE003, lr  }
0x1b: {  	s9 =	sadd.s32 $0xFFFFFEF7, lr;
	s5 =	simm.s32 $0xFFFFFFFF;
	p2 =	slt.u32 s8, $0xFFFFF086  }
0x1c: {  	p1 =	slt.u32 s9, $0xF7A;
	s5 =	simm.s32 @!p2 $0x0  }
0x1d: {  	s5 =	simm.s32 @p1 $0x1;
	p0 =	seq.s32 s7, s2  }
0x1e: {  	s7 =	smul.u32 @!p0 $0xF7A, s2;
	p2 =	seq.s32 @!p0 s5, $0x0  }
0x1f: {  	s9 =	smul.u32 $0xF7A, s1;
	s8 =	simm.s32 @!p0 $0x1BF5;
	p2 =	por !p2, p0  }
0x20: {  	[sflag:s8] =	ssyncset.s32 @!p0 $0xFFFFF086;
	s6 =	sadd.s32 @!p0 s3, s7;
	s7 =	simm.s32 @!p0 $0x108  }
0x21: {  	s3 =	sadd.s32 s3, s9;
	s6 =	sadd.s32 @!p0 $0x88, s6;
	s7 =	simm.s32 @p2 $0x1082  }
0x22: {  	[simem:s7], [sflag:s8] =	dma.local @!p0 [hbm:s6], $0xF7A  }
0x23: {  	s9 =	sor.u32 $0xD0000000, s2;
	s6 =	simm.s32 $0x108;
	_ =	swait.ge @!p0 [sflag:s8], $0x0  }
0x24: {  	s3 =	sadd.s32 $0x88, s3;
	s6 =	simm.s32 @!p1 $0x1082;
	[sflag:s4] =	ssyncset.s32 $0xFFFFF086  }
0x25: {  	[simem:s6], [sflag:s4] =	dma.local [hbm:s3], $0xF7A  }
0x26: {  	[smem:$0x3F9D] =	sst s1;
	(tag) =	ssettag s2;
	_ =	strace s9  }
0x27: {  	s1 =	sld [smem:$0x3FAD]  }
0x28: {  	s2 =	sld [smem:$0x3FAE]  }
0x29: {  	s4 =	sld [smem:$0x3FB0]  }
0x2a: {  	p0 =	seq.s32 s5, $0x0;
	s5 =	sld [smem:$0x3FB1]  }
0x2b: {  	s6 =	sld [smem:$0x3FB2]  }
0x2c: {  	s7 =	sld [smem:$0x3FB3]  }
0x2d: {  	s3 =	simm.s32 $0x108;
	s8 =	sld [smem:$0x3FB4]  }
0x2e: {  	s3 =	simm.s32 @!p0 $0x1082;
	s9 =	sld [smem:$0x3FB5]  }
0x2f: {  	lr =	sadd.s32 s0, s3;
	s0 =	sld [smem:$0x3FAC]  }
0x30: {  	s3 =	sld [smem:$0x3FAF]  }
0x31: {  	[smem:$0x3FB8] =	sst s10  }
0x32: {  	s10 =	sld [smem:$0x3FB6];
	_ =	sdelay $0x3  }
0x33: {  	p0 =	seq.s32 s10, $0x1;
	s10 =	sld [smem:$0x3FB8];
	_ =	sdelay $0x3  }
0x34: {  	[smem:$0x3FB8] =	sst s10  }
0x35: {  	s10 =	sld [smem:$0x3FB7];
	_ =	sdelay $0x3  }
0x36: {  	p1 =	seq.s32 s10, $0x1;
	s10 =	sld [smem:$0x3FB8];
	_ =	sdelay $0x3  }
0x37: {  	[smem:$0x3FB8] =	sst s10  }
0x38: {  	s10 =	sld [smem:$0x3FB9]  }
0x39: {  	_ = 	snop;
	(pc) =	sbr.ind lr, $3  }
0x3a: {  	_ = 	snop  }
0x3b: {  	_ = 	snop  }
0x3c: {  	p2 =	seq.s32 s10, $0x1;
	s10 =	sld [smem:$0x3FB8]  }
0x3d: {  	_ =	shalt  }
0x3e: {  	_ =	shalt  }
0x3f: {  	_ =	shalt  }
0x40: {  	_ =	shalt  }
0x41: {  	_ =	shalt  }
0x42: {  	_ =	shalt  }
0x43: {  	_ =	shalt  }
0x44: {  	_ =	shalt  }
0x45: {  	_ =	shalt  }
0x46: {  	_ =	shalt  }
0x47: {  	_ =	shalt  }
0x48: {  	_ =	shalt  }
0x49: {  	_ =	shalt  }
0x4a: {  	_ =	shalt  }
0x4b: {  	_ =	shalt  }
0x4c: {  	_ =	shalt  }
0x4d: {  	_ =	shalt  }
0x4e: {  	_ =	shalt  }
0x4f: {  	_ =	shalt  }
0x50: {  	_ =	shalt  }
0x51: {  	_ =	shalt  }
0x52: {  	_ =	shalt  }
0x53: {  	_ =	shalt  }
0x54: {  	_ =	shalt  }
0x55: {  	_ =	shalt  }
0x56: {  	_ =	shalt  }
0x57: {  	_ =	shalt  }
0x58: {  	_ =	shalt  }
0x59: {  	_ =	shalt  }
0x5a: {  	_ =	shalt  }
0x5b: {  	_ =	shalt  }
0x5c: {  	_ =	shalt  }
0x5d: {  	_ =	shalt  }
0x5e: {  	_ =	shalt  }
0x5f: {  	_ =	shalt  }
0x60: {  	_ =	shalt  }
0x61: {  	_ =	shalt  }
0x62: {  	_ =	shalt  }
0x63: {  	_ =	shalt  }
0x64: {  	_ =	shalt  }
0x65: {  	_ =	shalt  }
0x66: {  	_ =	shalt  }
0x67: {  	_ =	shalt  }
0x68: {  	_ =	shalt  }
0x69: {  	_ =	shalt  }
0x6a: {  	_ =	shalt  }
0x6b: {  	_ =	shalt  }
0x6c: {  	_ =	shalt  }
0x6d: {  	_ =	shalt  }
0x6e: {  	_ =	shalt  }
0x6f: {  	_ =	shalt  }
0x70: {  	_ =	shalt  }
0x71: {  	_ =	shalt  }
0x72: {  	_ =	shalt  }
0x73: {  	_ =	shalt  }
0x74: {  	_ =	shalt  }
0x75: {  	_ =	shalt  }
0x76: {  	_ =	shalt  }
0x77: {  	_ =	shalt  }
0x78: {  	_ =	shalt  }
0x79: {  	_ =	shalt  }
0x7a: {  	_ =	shalt  }
0x7b: {  	_ =	shalt  }
0x7c: {  	_ =	shalt  }
0x7d: {  	_ =	shalt  }
0x7e: {  	_ =	shalt  }
0x7f: {  	_ =	shalt  }
0x80: {  	_ =	shalt  }
0x81: {  	_ =	shalt  }
0x82: {  	_ =	shalt  }
0x83: {  	_ =	shalt  }
0x84: {  	_ =	shalt  }
0x85: {  	_ =	shalt  }
0x86: {  	_ =	shalt  }
0x87: {  	_ =	shalt  }
.Lfunc_end0:
.L_simem_size_0:
called_computation_lowered:
.L_overlay_start_0:
0x88: {  	s2 =	sld [smem:$0x3FD9]  }
0x89: {  	s3 =	sld [smem:$0x3FFE];
	_ =	sdelay $0x1  }
0x8a: {  	s1 =	srdreg.scid  }
0x8b: {  	s0 =	sand.u32 $0x1, s1  }
0x8c: {  	s17 =	sshll.u32 s0, $0xA;
	s2 =	sadd.s32 s3, s2  }
0x8d: {  	s2 =	sadd.s32 s2, s17  }
0x8e: {  	[smem:$0x3FC4] =	sst s2  }
0x8f: {  	_ = 	snop  }
0x90: {  	s2 =	sld [smem:$0x3FC9]  }
0x91: {  	s18 =	sld [smem:$0x3FC8]  }
0x92: {  	s4 =	sld [smem:$0x3FD0];
	(tm) =	ssettm $0x1  }
0x93: {  	s5 =	sld [smem:$0x3FFB];
	_ =	sdelay $0x3  }
0x94: {  	_ =	strace s5  }
0x95: {  	s5 =	sld [smem:$0x3FFC];
	_ =	sdelay $0x3  }
0x96: {  	_ =	strace s5  }
0x97: {  	s5 =	sld [smem:$0x3FFD];
	_ =	sdelay $0x3  }
0x98: {  	_ =	strace s5  }
0x99: {  	_ =	strace $0x8FFFFFFF  }
0x9a: {  	s19 =	sld [smem:$0x3FDB];
	_ =	sdelay $0x1  }
0x9b: {  	s6 =	simm.s32 $_scs_section_size  }
0x9c: {  	s7 =	simm.s32 $_size__tile_overlayer_lowered;
	s8 =	simm.s32 $_tile_overlayer_lowered  }
0x9d: {  	s22 =	simm.s32 $0x1BFF;
	s21 =	sshll.u32 s8, $0x1;
	s5 =	sadd.s32 s6, s19  }
0x9e: {  	s9 =	simm.s32 $0x0;
	s20 =	sshll.u32 s7, $0x1;
	s7 =	sadd.s32 s21, s5  }
0x9f: {  	[timem:s9], [sflag:s22] =	dma.local [hbm:s7], s20  }
0xa0: {  	_ =	swait.ge [sflag:s22], s20  }
0xa1: {  	s6 =	ssub.s32 $0x0, s20;
	[sflag:s22] =	ssyncset.done $0x0  }
0xa2: {  	[sflag:s22] =	ssyncadd.s32 s6;
	_ =	sdelay $0x1  }
0xa3: {  	s23 =	simm.s32 $0x1B8B  }
0xa4: {  	_ =	swait.ge [sflag:s23], $0x1  }
0xa5: {  	[sflag:s23] =	ssyncset.done $0x0  }
0xa6: {  	s25 =	simm.s32 $0x1B8E;
	s24 =	sld [smem:$0x3FFE];
	[sflag:s23] =	ssyncadd.s32 $0xFFFFFFFF  }
0xa7: {  	s26 =	simm.s32 $execute0_lowered;
	[smem:$0x3FD2] =	sst s25  }
0xa8: {  	s7 =	sshll.u32 s26, $0x1;
	_ =	strace $0x80000046;
	[dreg:$0x1] =	wrdreg $0xFFFFFFFF  }
0xa9: {  	s28 =	simm.s32 $_size_execute0_lowered;
	s5 =	sadd.s32 s5, s7;
	[dreg:$0x0] =	wrdreg $0x0  }
0xaa: {  	s7 =	sshll.u32 s28, $0x1;
	[dreg:$0x2] =	wrdreg s5  }
0xab: {  	[dreg:$0x3] =	wrdreg s7  }
0xac: {  	[dreg:$0x4] =	wrdreg $0xC0  }
0xad: {  	_ =	task [dreg:s9], $0x5FFFF  }
0xae: {  	[dreg:$0x1] =	wrdreg $0xFFFFFFFF  }
0xaf: {  	[dreg:$0x0] =	wrdreg $0x60  }
0xb0: {  	[dreg:$0x2] =	wrdreg s2  }
0xb1: {  	[dreg:$0x3] =	wrdreg s18  }
0xb2: {  	[dreg:$0x4] =	wrdreg s24  }
0xb3: {  	[dreg:$0x5] =	wrdreg s4  }
0xb4: {  	[dreg:$0x6] =	wrdreg $0x9  }
0xb5: {  	_ =	task.clear_ibuf [dreg:s9], $0x7FFFF;
	_ =	strace $0x90000046  }
0xb6: {  	s29 =	simm.s32 $0x9;
	_ =	strace $0x80000048  }
0xb7: {  	_ =	swait.ge [sflag:s29], $0x1  }
0xb8: {  	[sflag:s29] =	ssyncadd.s32 $0xFFFFFFFF  }
0xb9: {  	_ =	strace $0x90000048  }
0xba: {  	_ =	sfence  }
0xbb: {  	s30 =	sld [smem:$0x0];
	_ =	sdelay $0x2  }
0xbc: {  	s31 =	sshll.u32 s1, $0xD;
	s1 =	sshrl.u32 s1, $0x2  }
0xbd: {  	s3 =	sand.u32 $0x4000, s31;
	s1 =	sadd.s32 s1, s30  }
0xbe: {  	s0 =	sor.u32 s3, s0;
	s1 =	sshll.u32 s1, $0x11  }
0xbf: {  	s0 =	sor.u32 s1, s0  }
0xc0: {  	s0 =	sadd.s32 $0x8F2B, s0  }
0xc1: {  	[sflag:s0] =	ssyncadd.remote.s32 $0x1  }
0xc2: {  	_ =	sfence.sel $0xFFFF  }
0xc3: {  	[dreg:$0x0] =	wrdreg $0xFFFFFFFF;
	(pc) =	sbr.abs _section_cstart, $3  }
0xc4: {  	[dreg:$0x1] =	wrdreg $0xFFFFFFFF  }
0xc5: {  	_ =	task.clear_ibuf [dreg:s9], $0x2FFFF;
	_ =	strace $0x9FFFFFFF  }
0xc6: {  	(tm) =	ssettm $0x7FFFFFFF  }
0xc7: {  	_ =	shalt  }
tec
execute0_lowered:
.L_overlay_start_1:
0x0: {  	(tag) =	ssettag $0x1  }
0x1: {  	s0 =	rddreg [dreg:$0x0]  }
0x2: {  	s3 =	rddreg [dreg:$0x1]  }
0x3: {  	s5 =	rddreg [dreg:$0x2]  }
0x4: {  	s1 =	rddreg [dreg:$0x3];
	s6 =	srdreg.scid  }
0x5: {  	s2 =	simm.s32 $0x0;
	s11 =	stileid.u32;
	s6 =	sand.u32 $0x1, s6  }
0x6: {  	[smem:$0x7FF] =	sst s2;
	s8 =	sshll.u32 s11, $0xA;
	s9 =	sshll.u32 s6, $0x9  }
0x7: {  	s4 =	sadd.s32 $0x400, s5;
	s7 =	ssub.s32 $0x2, s6;
	s8 =	sor.u32 s9, s8  }
0x8: {  	s5 =	sadd.s32 $0x187000, s5;
	s10 =	sshrl.u32 s7, $0x1;
	s9 =	sshrl.u32 s8, $0x3  }
0x9: {  	_ =	strace $0x80000047;
	s7 =	ssub.s32 s7, s10;
	s0 =	sadd.s32 s0, s9  }
0xa: {  	s8 =	sshll.u32 s8, $0x4;
	s23 =	sadd.s32 s3, s9;
	[dreg:$0x8] =	wrdreg s0  }
0xb: {  	s24 =	sadd.s32 s8, s5;
	s30 =	smax.u32 s7, $0x1;
	[dreg:$0x9] =	wrdreg s23  }
0xc: {  	s28 =	sshll.u32 s11, $0xE;
	s25 =	sadd.s32 $0x1800, s24;
	[dreg:$0xe] =	wrdreg s30  }
0xd: {  	s29 =	sshll.u32 s6, $0xD;
	s26 =	sadd.s32 $0x1A00, s24;
	[dreg:$0xa] =	wrdreg s25  }
0xe: {  	s3 =	sadd.s32 s28, s5;
	s8 =	sadd.s32 $0x1C00, s24;
	[dreg:$0xb] =	wrdreg s26  }
0xf: {  	s0 =	sadd.s32 $0x1E00, s24;
	s31 =	sadd.s32 s29, s3;
	[dreg:$0xc] =	wrdreg s8  }
0x10: {  	s15 =	simm.s32 $0x80;
	[dreg:$0xd] =	wrdreg s0;
	s0 =	sadd.s32 $0xFFFFF800, s31  }
0x11: {  	s16 =	simm.s32 $0x400;
	s5 =	simm.s32 $0x0;
	[dreg:$0xf] =	wrdreg s0  }
.LBB2_1:
0x12: {  	[dreg:$0x10] =	wrdreg s5  }
0x13: {  	s0 =	rddreg [dreg:$0x8]  }
0x14: {  	[tilespmem:s2], [sflag:$0x1] =	stream.linear.gather [hbm4b:s0+s2], $0x200, $0x38;
	[tilespmem:$0x10400] =	vst v63  }
0x15: {  	s21 =	rddreg [dreg:$0x9];
	s3 =	simm.s32 $0x200;
	s22 =	simm.s32 $0x1  }
0x16: {  	[tilespmem:s3], [sflag:$0x1] =	stream.linear.gather [hbm4b:s21+s2], $0x200, $0x38;
	[tilespmem:$0x10400] =	vst v63  }
0x17: {  	_ =	swait.ge [sflag:s22], $0x200  }
0x18: {  	[sflag:s22] =	ssyncset.done $0x0  }
0x19: {  	[sflag:s22] =	ssyncadd.s32 $0xFFFFFE00  }
0x1a: {  	_ =	swait.ge [sflag:s22], $0x200  }
0x1b: {  	[sflag:s22] =	ssyncset.done $0x0  }
0x1c: {  	s0 =	simm.s32 $0x10;
	[sflag:s22] =	ssyncadd.s32 $0xFFFFFE00  }
0x1d: {  	v0 =	vld [tilespmem:s0+$0xFFFFFFF0]  }
0x1e: {  	s24 =	simm.s32 $0x210  }
0x1f: {  	v2 =	vld [tilespmem:s24+$0xFFFFFFF0];
	_ =	sdelay $0x2  }
0x20: {  	v1 =	vshll.u32 v0, $0x4  }
0x21: {  	(v2sf) =	vpush v1, $0x0  }
0x22: {  	v59 =	vshll.u32 v2, $0x4  }
0x23: {  	(v2sf) =	vpush v59, $0x0;
	_ =	sdelay $0x3  }
0x24: {  	(v2sf) =	vpush v1, $0x1;
	_ =	sdelay $0x3  }
0x25: {  	(v2sf) =	vpush v59, $0x1;
	_ =	sdelay $0x3  }
0x26: {  	(v2sf) =	vpush v1, $0x2  }
0x27: {  	s23 =	spop (v2sf)  }
0x28: {  	s3 =	sand.u32 $0x1FFFFFF0, s23  }
0x29: {  	s6 =	simm.s32 $0x400;
	s25 =	spop (v2sf);
	s3 =	sadd.s32 s4, s3  }
0x2a: {  	(v2sf) =	vpush v59, $0x2;
	[tilespmem:s6], [sflag:$0x2] =	stream.strided.gather [hbm4b:s3+s15], $0x0, s16, s15, $0x38;
	[tilespmem:$0x10400] =	vst v63  }
0x2b: {  	s5 =	sand.u32 $0x1FFFFFF0, s25  }
0x2c: {  	[tilespmem:s6], [sflag:$0x2] =	stream.linear.gather [hbm4b:s3+s2], $0x20, $0x38;
	[tilespmem:$0x10400] =	vst v63  }
0x2d: {  	s28 =	simm.s32 $0x420;
	s26 =	spop (v2sf);
	s5 =	sadd.s32 s1, s5  }
0x2e: {  	(v2sf) =	vpush v1, $0x3;
	[tilespmem:s28], [sflag:$0x2] =	stream.strided.gather [hbm4b:s5+s15], $0x0, s16, s15, $0x38;
	[tilespmem:$0x10400] =	vst v63  }
0x2f: {  	s3 =	sand.u32 $0x1FFFFFF0, s26  }
0x30: {  	[tilespmem:s28], [sflag:$0x2] =	stream.linear.gather [hbm4b:s5+s2], $0x20, $0x38;
	[tilespmem:$0x10400] =	vst v63  }
0x31: {  	s31 =	simm.s32 $0x480;
	s7 =	spop (v2sf);
	s3 =	sadd.s32 s4, s3  }
0x32: {  	(v2sf) =	vpush v59, $0x3;
	[tilespmem:s31], [sflag:$0x2] =	stream.strided.gather [hbm4b:s3+s15], $0x0, s16, s15, $0x38;
	[tilespmem:$0x10400] =	vst v63  }
0x33: {  	s6 =	sand.u32 $0x1FFFFFF0, s7  }
0x34: {  	[tilespmem:s31], [sflag:$0x2] =	stream.linear.gather [hbm4b:s3+s2], $0x20, $0x38;
	[tilespmem:$0x10400] =	vst v63  }
0x35: {  	s9 =	simm.s32 $0x4A0;
	s8 =	spop (v2sf);
	s6 =	sadd.s32 s1, s6  }
0x36: {  	(v2sf) =	vpush v1, $0x4;
	[tilespmem:s9], [sflag:$0x2] =	stream.strided.gather [hbm4b:s6+s15], $0x0, s16, s15, $0x38;
	[tilespmem:$0x10400] =	vst v63  }
0x37: {  	s3 =	sand.u32 $0x1FFFFFF0, s8  }
0x38: {  	[tilespmem:s9], [sflag:$0x2] =	stream.linear.gather [hbm4b:s6+s2], $0x20, $0x38;
	[tilespmem:$0x10400] =	vst v63  }
0x39: {  	s11 =	simm.s32 $0x500;
	s3 =	sadd.s32 s4, s3;
	s10 =	spop (v2sf)  }
0x3a: {  	(v2sf) =	vpush v59, $0x4;
	[tilespmem:s11], [sflag:$0x2] =	stream.strided.gather [hbm4b:s3+s15], $0x0, s16, s15, $0x38;
	[tilespmem:$0x10400] =	vst v63  }
0x3b: {  	s5 =	sand.u32 $0x1FFFFFF0, s10  }
0x3c: {  	[tilespmem:s11], [sflag:$0x2] =	stream.linear.gather [hbm4b:s3+s2], $0x20, $0x38;
	[tilespmem:$0x10400] =	vst v63  }
0x3d: {  	s13 =	simm.s32 $0x520;
	s12 =	spop (v2sf);
	s5 =	sadd.s32 s1, s5  }
0x3e: {  	(v2sf) =	vpush v1, $0x5;
	[tilespmem:s13], [sflag:$0x2] =	stream.strided.gather [hbm4b:s5+s15], $0x0, s16, s15, $0x38;
	[tilespmem:$0x10400] =	vst v63  }
0x3f: {  	s3 =	sand.u32 $0x1FFFFFF0, s12  }
0x40: {  	[tilespmem:s13], [sflag:$0x2] =	stream.linear.gather [hbm4b:s5+s2], $0x20, $0x38;
	[tilespmem:$0x10400] =	vst v63  }
0x41: {  	s17 =	simm.s32 $0x580;
	s14 =	spop (v2sf);
	s3 =	sadd.s32 s4, s3  }
0x42: {  	(v2sf) =	vpush v59, $0x5;
	[tilespmem:s17], [sflag:$0x2] =	stream.strided.gather [hbm4b:s3+s15], $0x0, s16, s15, $0x38;
	[tilespmem:$0x10400] =	vst v63  }
0x43: {  	s5 =	sand.u32 $0x1FFFFFF0, s14  }
0x44: {  	[tilespmem:s17], [sflag:$0x2] =	stream.linear.gather [hbm4b:s3+s2], $0x20, $0x38;
	[tilespmem:$0x10400] =	vst v63  }
0x45: {  	s19 =	simm.s32 $0x5A0;
	s18 =	spop (v2sf);
	s5 =	sadd.s32 s1, s5  }
0x46: {  	(v2sf) =	vpush v1, $0x6;
	[tilespmem:s19], [sflag:$0x2] =	stream.strided.gather [hbm4b:s5+s15], $0x0, s16, s15, $0x38;
	[tilespmem:$0x10400] =	vst v63  }
0x47: {  	s3 =	sand.u32 $0x1FFFFFF0, s18  }
0x48: {  	[tilespmem:s19], [sflag:$0x2] =	stream.linear.gather [hbm4b:s5+s2], $0x20, $0x38;
	[tilespmem:$0x10400] =	vst v63  }
0x49: {  	s21 =	simm.s32 $0x600;
	s20 =	spop (v2sf);
	s3 =	sadd.s32 s4, s3  }
0x4a: {  	(v2sf) =	vpush v59, $0x6;
	[tilespmem:s21], [sflag:$0x2] =	stream.strided.gather [hbm4b:s3+s15], $0x0, s16, s15, $0x38;
	[tilespmem:$0x10400] =	vst v63  }
0x4b: {  	s5 =	sand.u32 $0x1FFFFFF0, s20  }
0x4c: {  	[tilespmem:s21], [sflag:$0x2] =	stream.linear.gather [hbm4b:s3+s2], $0x20, $0x38;
	[tilespmem:$0x10400] =	vst v63  }
0x4d: {  	s23 =	simm.s32 $0x620;
	s22 =	spop (v2sf);
	s5 =	sadd.s32 s1, s5  }
0x4e: {  	(v2sf) =	vpush v1, $0x7;
	[tilespmem:s23], [sflag:$0x2] =	stream.strided.gather [hbm4b:s5+s15], $0x0, s16, s15, $0x38;
	[tilespmem:$0x10400] =	vst v63  }
0x4f: {  	s3 =	sand.u32 $0x1FFFFFF0, s22  }
0x50: {  	[tilespmem:s23], [sflag:$0x2] =	stream.linear.gather [hbm4b:s5+s2], $0x20, $0x38;
	[tilespmem:$0x10400] =	vst v63  }
0x51: {  	s26 =	simm.s32 $0x680;
	s25 =	spop (v2sf);
	s3 =	sadd.s32 s4, s3  }
0x52: {  	(v2sf) =	vpush v59, $0x7;
	[tilespmem:s26], [sflag:$0x2] =	stream.strided.gather [hbm4b:s3+s15], $0x0, s16, s15, $0x38;
	[tilespmem:$0x10400] =	vst v63  }
0x53: {  	s5 =	sand.u32 $0x1FFFFFF0, s25  }
0x54: {  	[tilespmem:s26], [sflag:$0x2] =	stream.linear.gather [hbm4b:s3+s2], $0x20, $0x38;
	[tilespmem:$0x10400] =	vst v63  }
0x55: {  	s31 =	simm.s32 $0x6A0;
	s28 =	spop (v2sf);
	s5 =	sadd.s32 s1, s5  }
0x56: {  	(v2sf) =	vpush v1, $0x8;
	[tilespmem:s31], [sflag:$0x2] =	stream.strided.gather [hbm4b:s5+s15], $0x0, s16, s15, $0x38;
	[tilespmem:$0x10400] =	vst v63  }
0x57: {  	s3 =	sand.u32 $0x1FFFFFF0, s28  }
0x58: {  	[tilespmem:s31], [sflag:$0x2] =	stream.linear.gather [hbm4b:s5+s2], $0x20, $0x38;
	[tilespmem:$0x10400] =	vst v63  }
0x59: {  	s7 =	simm.s32 $0x700;
	s6 =	spop (v2sf);
	s3 =	sadd.s32 s4, s3  }
0x5a: {  	(v2sf) =	vpush v59, $0x8;
	[tilespmem:s7], [sflag:$0x2] =	stream.strided.gather [hbm4b:s3+s15], $0x0, s16, s15, $0x38;
	[tilespmem:$0x10400] =	vst v63  }
0x5b: {  	s5 =	sand.u32 $0x1FFFFFF0, s6  }
0x5c: {  	[tilespmem:s7], [sflag:$0x2] =	stream.linear.gather [hbm4b:s3+s2], $0x20, $0x38;
	[tilespmem:$0x10400] =	vst v63  }
0x5d: {  	s9 =	simm.s32 $0x720;
	s8 =	spop (v2sf);
	s5 =	sadd.s32 s1, s5  }
0x5e: {  	(v2sf) =	vpush v1, $0x9;
	[tilespmem:s9], [sflag:$0x2] =	stream.strided.gather [hbm4b:s5+s15], $0x0, s16, s15, $0x38;
	[tilespmem:$0x10400] =	vst v63  }
0x5f: {  	s3 =	sand.u32 $0x1FFFFFF0, s8  }
0x60: {  	[tilespmem:s9], [sflag:$0x2] =	stream.linear.gather [hbm4b:s5+s2], $0x20, $0x38;
	[tilespmem:$0x10400] =	vst v63  }
0x61: {  	s11 =	simm.s32 $0x780;
	s10 =	spop (v2sf);
	s3 =	sadd.s32 s4, s3  }
0x62: {  	(v2sf) =	vpush v59, $0x9;
	[tilespmem:s11], [sflag:$0x2] =	stream.strided.gather [hbm4b:s3+s15], $0x0, s16, s15, $0x38;
	[tilespmem:$0x10400] =	vst v63  }
0x63: {  	s5 =	sand.u32 $0x1FFFFFF0, s10  }
0x64: {  	[tilespmem:s11], [sflag:$0x2] =	stream.linear.gather [hbm4b:s3+s2], $0x20, $0x38;
	[tilespmem:$0x10400] =	vst v63  }
0x65: {  	s13 =	simm.s32 $0x7A0;
	s12 =	spop (v2sf);
	s5 =	sadd.s32 s1, s5  }
0x66: {  	(v2sf) =	vpush v1, $0xA;
	[tilespmem:s13], [sflag:$0x2] =	stream.strided.gather [hbm4b:s5+s15], $0x0, s16, s15, $0x38;
	[tilespmem:$0x10400] =	vst v63  }
0x67: {  	s3 =	sand.u32 $0x1FFFFFF0, s12  }
0x68: {  	[tilespmem:s13], [sflag:$0x2] =	stream.linear.gather [hbm4b:s5+s2], $0x20, $0x38;
	[tilespmem:$0x10400] =	vst v63  }
0x69: {  	s17 =	simm.s32 $0x800;
	s14 =	spop (v2sf);
	s3 =	sadd.s32 s4, s3  }
0x6a: {  	(v2sf) =	vpush v59, $0xA;
	[tilespmem:s17], [sflag:$0x2] =	stream.strided.gather [hbm4b:s3+s15], $0x0, s16, s15, $0x38;
	[tilespmem:$0x10400] =	vst v63  }
0x6b: {  	s5 =	sand.u32 $0x1FFFFFF0, s14  }
0x6c: {  	[tilespmem:s17], [sflag:$0x2] =	stream.linear.gather [hbm4b:s3+s2], $0x20, $0x38;
	[tilespmem:$0x10400] =	vst v63  }
0x6d: {  	s19 =	simm.s32 $0x820;
	s18 =	spop (v2sf);
	s5 =	sadd.s32 s1, s5  }
0x6e: {  	(v2sf) =	vpush v1, $0xB;
	[tilespmem:s19], [sflag:$0x2] =	stream.strided.gather [hbm4b:s5+s15], $0x0, s16, s15, $0x38;
	[tilespmem:$0x10400] =	vst v63  }
0x6f: {  	s3 =	sand.u32 $0x1FFFFFF0, s18  }
0x70: {  	[tilespmem:s19], [sflag:$0x2] =	stream.linear.gather [hbm4b:s5+s2], $0x20, $0x38;
	[tilespmem:$0x10400] =	vst v63  }
0x71: {  	s21 =	simm.s32 $0x880;
	s20 =	spop (v2sf);
	s3 =	sadd.s32 s4, s3  }
0x72: {  	(v2sf) =	vpush v59, $0xB;
	[tilespmem:s21], [sflag:$0x2] =	stream.strided.gather [hbm4b:s3+s15], $0x0, s16, s15, $0x38;
	[tilespmem:$0x10400] =	vst v63  }
0x73: {  	s5 =	sand.u32 $0x1FFFFFF0, s20  }
0x74: {  	[tilespmem:s21], [sflag:$0x2] =	stream.linear.gather [hbm4b:s3+s2], $0x20, $0x38;
	[tilespmem:$0x10400] =	vst v63  }
0x75: {  	s23 =	simm.s32 $0x8A0;
	s22 =	spop (v2sf);
	s5 =	sadd.s32 s1, s5  }
0x76: {  	(v2sf) =	vpush v1, $0xC;
	[tilespmem:s23], [sflag:$0x2] =	stream.strided.gather [hbm4b:s5+s15], $0x0, s16, s15, $0x38;
	[tilespmem:$0x10400] =	vst v63  }
0x77: {  	s3 =	sand.u32 $0x1FFFFFF0, s22  }
0x78: {  	[tilespmem:s23], [sflag:$0x2] =	stream.linear.gather [hbm4b:s5+s2], $0x20, $0x38;
	[tilespmem:$0x10400] =	vst v63  }
0x79: {  	s26 =	simm.s32 $0x900;
	s25 =	spop (v2sf);
	s3 =	sadd.s32 s4, s3  }
0x7a: {  	(v2sf) =	vpush v59, $0xC;
	[tilespmem:s26], [sflag:$0x2] =	stream.strided.gather [hbm4b:s3+s15], $0x0, s16, s15, $0x38;
	[tilespmem:$0x10400] =	vst v63  }
0x7b: {  	s5 =	sand.u32 $0x1FFFFFF0, s25  }
0x7c: {  	[tilespmem:s26], [sflag:$0x2] =	stream.linear.gather [hbm4b:s3+s2], $0x20, $0x38;
	[tilespmem:$0x10400] =	vst v63  }
0x7d: {  	s31 =	simm.s32 $0x920;
	s28 =	spop (v2sf);
	s5 =	sadd.s32 s1, s5  }
0x7e: {  	(v2sf) =	vpush v1, $0xD;
	[tilespmem:s31], [sflag:$0x2] =	stream.strided.gather [hbm4b:s5+s15], $0x0, s16, s15, $0x38;
	[tilespmem:$0x10400] =	vst v63  }
0x7f: {  	s3 =	sand.u32 $0x1FFFFFF0, s28  }
0x80: {  	[tilespmem:s31], [sflag:$0x2] =	stream.linear.gather [hbm4b:s5+s2], $0x20, $0x38;
	[tilespmem:$0x10400] =	vst v63  }
0x81: {  	s8 =	simm.s32 $0x980;
	s7 =	spop (v2sf);
	s3 =	sadd.s32 s4, s3  }
0x82: {  	(v2sf) =	vpush v59, $0xD;
	[tilespmem:s8], [sflag:$0x2] =	stream.strided.gather [hbm4b:s3+s15], $0x0, s16, s15, $0x38;
	[tilespmem:$0x10400] =	vst v63  }
0x83: {  	s5 =	sand.u32 $0x1FFFFFF0, s7  }
0x84: {  	[tilespmem:s8], [sflag:$0x2] =	stream.linear.gather [hbm4b:s3+s2], $0x20, $0x38;
	[tilespmem:$0x10400] =	vst v63  }
0x85: {  	s10 =	simm.s32 $0x9A0;
	s9 =	spop (v2sf);
	s5 =	sadd.s32 s1, s5  }
0x86: {  	(v2sf) =	vpush v1, $0xE;
	[tilespmem:s10], [sflag:$0x2] =	stream.strided.gather [hbm4b:s5+s15], $0x0, s16, s15, $0x38;
	[tilespmem:$0x10400] =	vst v63  }
0x87: {  	s3 =	sand.u32 $0x1FFFFFF0, s9  }
0x88: {  	[tilespmem:s10], [sflag:$0x2] =	stream.linear.gather [hbm4b:s5+s2], $0x20, $0x38;
	[tilespmem:$0x10400] =	vst v63  }
0x89: {  	s12 =	simm.s32 $0xA00;
	s11 =	spop (v2sf);
	s3 =	sadd.s32 s4, s3  }
0x8a: {  	(v2sf) =	vpush v59, $0xE;
	[tilespmem:s12], [sflag:$0x2] =	stream.strided.gather [hbm4b:s3+s15], $0x0, s16, s15, $0x38;
	[tilespmem:$0x10400] =	vst v63  }
0x8b: {  	s5 =	sand.u32 $0x1FFFFFF0, s11  }
0x8c: {  	[tilespmem:s12], [sflag:$0x2] =	stream.linear.gather [hbm4b:s3+s2], $0x20, $0x38;
	[tilespmem:$0x10400] =	vst v63  }
0x8d: {  	s14 =	simm.s32 $0xA20;
	s13 =	spop (v2sf);
	s5 =	sadd.s32 s1, s5  }
0x8e: {  	(v2sf) =	vpush v1, $0xF;
	[tilespmem:s14], [sflag:$0x2] =	stream.strided.gather [hbm4b:s5+s15], $0x0, s16, s15, $0x38;
	[tilespmem:$0x10400] =	vst v63  }
0x8f: {  	s3 =	sand.u32 $0x1FFFFFF0, s13  }
0x90: {  	[tilespmem:s14], [sflag:$0x2] =	stream.linear.gather [hbm4b:s5+s2], $0x20, $0x38;
	[tilespmem:$0x10400] =	vst v63  }
0x91: {  	s18 =	simm.s32 $0xA80;
	s17 =	spop (v2sf);
	s3 =	sadd.s32 s4, s3  }
0x92: {  	(v2sf) =	vpush v59, $0xF;
	[tilespmem:s18], [sflag:$0x2] =	stream.strided.gather [hbm4b:s3+s15], $0x0, s16, s15, $0x38;
	[tilespmem:$0x10400] =	vst v63  }
0x93: {  	s5 =	sand.u32 $0x1FFFFFF0, s17  }
0x94: {  	[tilespmem:s18], [sflag:$0x2] =	stream.linear.gather [hbm4b:s3+s2], $0x20, $0x38;
	[tilespmem:$0x10400] =	vst v63  }
0x95: {  	s20 =	simm.s32 $0xAA0;
	s19 =	spop (v2sf);
	s5 =	sadd.s32 s1, s5  }
0x96: {  	[tilespmem:s20], [sflag:$0x2] =	stream.strided.gather [hbm4b:s5+s15], $0x0, s16, s15, $0x38;
	[tilespmem:$0x10400] =	vst v63  }
0x97: {  	s3 =	sand.u32 $0x1FFFFFF0, s19  }
0x98: {  	[tilespmem:s20], [sflag:$0x2] =	stream.linear.gather [hbm4b:s5+s2], $0x20, $0x38;
	[tilespmem:$0x10400] =	vst v63  }
0x99: {  	s22 =	simm.s32 $0xB00;
	s21 =	spop (v2sf);
	s3 =	sadd.s32 s4, s3  }
0x9a: {  	[tilespmem:s22], [sflag:$0x2] =	stream.strided.gather [hbm4b:s3+s15], $0x0, s16, s15, $0x38;
	[tilespmem:$0x10400] =	vst v63  }
0x9b: {  	s5 =	sand.u32 $0x1FFFFFF0, s21  }
0x9c: {  	[tilespmem:s22], [sflag:$0x2] =	stream.linear.gather [hbm4b:s3+s2], $0x20, $0x38;
	[tilespmem:$0x10400] =	vst v63  }
0x9d: {  	s25 =	simm.s32 $0xB20;
	s23 =	spop (v2sf);
	s5 =	sadd.s32 s1, s5  }
0x9e: {  	[tilespmem:s25], [sflag:$0x2] =	stream.strided.gather [hbm4b:s5+s15], $0x0, s16, s15, $0x38;
	[tilespmem:$0x10400] =	vst v63  }
0x9f: {  	s3 =	sand.u32 $0x1FFFFFF0, s23  }
0xa0: {  	[tilespmem:s25], [sflag:$0x2] =	stream.linear.gather [hbm4b:s5+s2], $0x20, $0x38;
	[tilespmem:$0x10400] =	vst v63  }
0xa1: {  	s28 =	simm.s32 $0xB80;
	s26 =	spop (v2sf);
	s3 =	sadd.s32 s4, s3  }
0xa2: {  	[tilespmem:s28], [sflag:$0x2] =	stream.strided.gather [hbm4b:s3+s15], $0x0, s16, s15, $0x38;
	[tilespmem:$0x10400] =	vst v63  }
0xa3: {  	s5 =	sand.u32 $0x1FFFFFF0, s26  }
0xa4: {  	[tilespmem:s28], [sflag:$0x2] =	stream.linear.gather [hbm4b:s3+s2], $0x20, $0x38;
	[tilespmem:$0x10400] =	vst v63  }
0xa5: {  	s31 =	simm.s32 $0xBA0;
	s5 =	sadd.s32 s1, s5  }
0xa6: {  	[tilespmem:s31], [sflag:$0x2] =	stream.strided.gather [hbm4b:s5+s15], $0x0, s16, s15, $0x38;
	[tilespmem:$0x10400] =	vst v63  }
0xa7: {  	_ = 	snop  }
0xa8: {  	[tilespmem:s31], [sflag:$0x2] =	stream.linear.gather [hbm4b:s5+s2], $0x20, $0x38;
	[tilespmem:$0x10400] =	vst v63  }
0xa9: {  	v60 =	vld [tilespmem:s0+$0x0];
	_ =	sdelay $0x3  }
0xaa: {  	v61 =	vld [tilespmem:s24+$0x0]  }
0xab: {  	v62 =	vshll.u32 v60, $0x4  }
0xac: {  	(v2sf) =	vpush v62, $0x0  }
0xad: {  	(v2sf) =	vpush v62, $0x1  }
0xae: {  	(v2sf) =	vpush v62, $0x2  }
0xaf: {  	v63 =	vshll.u32 v61, $0x4  }
0xb0: {  	(v2sf) =	vpush v63, $0x0;
	_ =	sdelay $0x6  }
0xb1: {  	(v2sf) =	vpush v63, $0x1;
	_ =	sdelay $0x3  }
0xb2: {  	s5 =	spop (v2sf)  }
0xb3: {  	s0 =	sand.u32 $0x1FFFFFF0, s5;
	s6 =	spop (v2sf)  }
0xb4: {  	s8 =	simm.s32 $0xC00;
	s0 =	sadd.s32 s4, s0;
	s9 =	spop (v2sf)  }
0xb5: {  	[tilespmem:s8], [sflag:$0x2] =	stream.strided.gather [hbm4b:s0+s15], $0x0, s16, s15, $0x38;
	[tilespmem:$0x10400] =	vst v63  }
0xb6: {  	(v2sf) =	vpush v63, $0x2;
	s7 =	spop (v2sf)  }
0xb7: {  	s10 =	sand.u32 $0x1FFFFFF0, s7  }
0xb8: {  	[tilespmem:s8], [sflag:$0x2] =	stream.linear.gather [hbm4b:s0+s2], $0x20, $0x38;
	[tilespmem:$0x10400] =	vst v63  }
0xb9: {  	s11 =	simm.s32 $0xC20;
	s0 =	sadd.s32 s1, s10  }
0xba: {  	(v2sf) =	vpush v62, $0x3;
	[tilespmem:s11], [sflag:$0x2] =	stream.strided.gather [hbm4b:s0+s15], $0x0, s16, s15, $0x38;
	[tilespmem:$0x10400] =	vst v63  }
0xbb: {  	s3 =	sand.u32 $0x1FFFFFF0, s6  }
0xbc: {  	[tilespmem:s11], [sflag:$0x2] =	stream.linear.gather [hbm4b:s0+s2], $0x20, $0x38;
	[tilespmem:$0x10400] =	vst v63  }
0xbd: {  	s12 =	simm.s32 $0xC80;
	s3 =	sadd.s32 s4, s3;
	s13 =	spop (v2sf)  }
0xbe: {  	(v2sf) =	vpush v63, $0x3;
	[tilespmem:s12], [sflag:$0x2] =	stream.strided.gather [hbm4b:s3+s15], $0x0, s16, s15, $0x38;
	[tilespmem:$0x10400] =	vst v63  }
0xbf: {  	s5 =	sand.u32 $0x1FFFFFF0, s13  }
0xc0: {  	[tilespmem:s12], [sflag:$0x2] =	stream.linear.gather [hbm4b:s3+s2], $0x20, $0x38;
	[tilespmem:$0x10400] =	vst v63  }
0xc1: {  	s14 =	simm.s32 $0xCA0;
	s17 =	sadd.s32 s1, s5  }
0xc2: {  	(v2sf) =	vpush v62, $0x4;
	[tilespmem:s14], [sflag:$0x2] =	stream.strided.gather [hbm4b:s17+s15], $0x0, s16, s15, $0x38;
	[tilespmem:$0x10400] =	vst v63  }
0xc3: {  	s18 =	sand.u32 $0x1FFFFFF0, s9  }
0xc4: {  	[tilespmem:s14], [sflag:$0x2] =	stream.linear.gather [hbm4b:s17+s2], $0x20, $0x38;
	[tilespmem:$0x10400] =	vst v63  }
0xc5: {  	s20 =	simm.s32 $0xD00;
	s5 =	sadd.s32 s4, s18;
	s19 =	spop (v2sf)  }
0xc6: {  	(v2sf) =	vpush v63, $0x4;
	[tilespmem:s20], [sflag:$0x2] =	stream.strided.gather [hbm4b:s5+s15], $0x0, s16, s15, $0x38;
	[tilespmem:$0x10400] =	vst v63  }
0xc7: {  	s0 =	sand.u32 $0x1FFFFFF0, s19  }
0xc8: {  	[tilespmem:s20], [sflag:$0x2] =	stream.linear.gather [hbm4b:s5+s2], $0x20, $0x38;
	[tilespmem:$0x10400] =	vst v63  }
0xc9: {  	s22 =	simm.s32 $0xD20;
	s21 =	spop (v2sf);
	s0 =	sadd.s32 s1, s0  }
0xca: {  	(v2sf) =	vpush v62, $0x5;
	[tilespmem:s22], [sflag:$0x2] =	stream.strided.gather [hbm4b:s0+s15], $0x0, s16, s15, $0x38;
	[tilespmem:$0x10400] =	vst v63  }
0xcb: {  	s3 =	sand.u32 $0x1FFFFFF0, s21  }
0xcc: {  	[tilespmem:s22], [sflag:$0x2] =	stream.linear.gather [hbm4b:s0+s2], $0x20, $0x38;
	[tilespmem:$0x10400] =	vst v63  }
0xcd: {  	s23 =	simm.s32 $0xD80;
	s24 =	spop (v2sf);
	s3 =	sadd.s32 s4, s3  }
0xce: {  	(v2sf) =	vpush v63, $0x5;
	[tilespmem:s23], [sflag:$0x2] =	stream.strided.gather [hbm4b:s3+s15], $0x0, s16, s15, $0x38;
	[tilespmem:$0x10400] =	vst v63  }
0xcf: {  	s5 =	sand.u32 $0x1FFFFFF0, s24  }
0xd0: {  	[tilespmem:s23], [sflag:$0x2] =	stream.linear.gather [hbm4b:s3+s2], $0x20, $0x38;
	[tilespmem:$0x10400] =	vst v63  }
0xd1: {  	s26 =	simm.s32 $0xDA0;
	s25 =	spop (v2sf);
	s5 =	sadd.s32 s1, s5  }
0xd2: {  	(v2sf) =	vpush v62, $0x6;
	[tilespmem:s26], [sflag:$0x2] =	stream.strided.gather [hbm4b:s5+s15], $0x0, s16, s15, $0x38;
	[tilespmem:$0x10400] =	vst v63  }
0xd3: {  	s0 =	sand.u32 $0x1FFFFFF0, s25  }
0xd4: {  	[tilespmem:s26], [sflag:$0x2] =	stream.linear.gather [hbm4b:s5+s2], $0x20, $0x38;
	[tilespmem:$0x10400] =	vst v63  }
0xd5: {  	s31 =	simm.s32 $0xE00;
	s0 =	sadd.s32 s4, s0;
	s28 =	spop (v2sf)  }
0xd6: {  	(v2sf) =	vpush v63, $0x6;
	[tilespmem:s31], [sflag:$0x2] =	stream.strided.gather [hbm4b:s0+s15], $0x0, s16, s15, $0x38;
	[tilespmem:$0x10400] =	vst v63  }
0xd7: {  	s3 =	sand.u32 $0x1FFFFFF0, s28  }
0xd8: {  	[tilespmem:s31], [sflag:$0x2] =	stream.linear.gather [hbm4b:s0+s2], $0x20, $0x38;
	[tilespmem:$0x10400] =	vst v63  }
0xd9: {  	s6 =	simm.s32 $0xE20;
	s3 =	sadd.s32 s1, s3;
	s5 =	spop (v2sf)  }
0xda: {  	(v2sf) =	vpush v62, $0x7;
	[tilespmem:s6], [sflag:$0x2] =	stream.strided.gather [hbm4b:s3+s15], $0x0, s16, s15, $0x38;
	[tilespmem:$0x10400] =	vst v63  }
0xdb: {  	s0 =	sand.u32 $0x1FFFFFF0, s5  }
0xdc: {  	[tilespmem:s6], [sflag:$0x2] =	stream.linear.gather [hbm4b:s3+s2], $0x20, $0x38;
	[tilespmem:$0x10400] =	vst v63  }
0xdd: {  	s8 =	simm.s32 $0xE80;
	s7 =	spop (v2sf);
	s0 =	sadd.s32 s4, s0  }
0xde: {  	(v2sf) =	vpush v63, $0x7;
	[tilespmem:s8], [sflag:$0x2] =	stream.strided.gather [hbm4b:s0+s15], $0x0, s16, s15, $0x38;
	[tilespmem:$0x10400] =	vst v63  }
0xdf: {  	s3 =	sand.u32 $0x1FFFFFF0, s7  }
0xe0: {  	[tilespmem:s8], [sflag:$0x2] =	stream.linear.gather [hbm4b:s0+s2], $0x20, $0x38;
	[tilespmem:$0x10400] =	vst v63  }
0xe1: {  	s10 =	simm.s32 $0xEA0;
	s9 =	spop (v2sf);
	s3 =	sadd.s32 s1, s3  }
0xe2: {  	(v2sf) =	vpush v62, $0x8;
	[tilespmem:s10], [sflag:$0x2] =	stream.strided.gather [hbm4b:s3+s15], $0x0, s16, s15, $0x38;
	[tilespmem:$0x10400] =	vst v63  }
0xe3: {  	s0 =	sand.u32 $0x1FFFFFF0, s9  }
0xe4: {  	[tilespmem:s10], [sflag:$0x2] =	stream.linear.gather [hbm4b:s3+s2], $0x20, $0x38;
	[tilespmem:$0x10400] =	vst v63  }
0xe5: {  	s12 =	simm.s32 $0xF00;
	s11 =	spop (v2sf);
	s0 =	sadd.s32 s4, s0  }
0xe6: {  	(v2sf) =	vpush v63, $0x8;
	[tilespmem:s12], [sflag:$0x2] =	stream.strided.gather [hbm4b:s0+s15], $0x0, s16, s15, $0x38;
	[tilespmem:$0x10400] =	vst v63  }
0xe7: {  	s3 =	sand.u32 $0x1FFFFFF0, s11  }
0xe8: {  	[tilespmem:s12], [sflag:$0x2] =	stream.linear.gather [hbm4b:s0+s2], $0x20, $0x38;
	[tilespmem:$0x10400] =	vst v63  }
0xe9: {  	s14 =	simm.s32 $0xF20;
	s13 =	spop (v2sf);
	s3 =	sadd.s32 s1, s3  }
0xea: {  	(v2sf) =	vpush v62, $0x9;
	[tilespmem:s14], [sflag:$0x2] =	stream.strided.gather [hbm4b:s3+s15], $0x0, s16, s15, $0x38;
	[tilespmem:$0x10400] =	vst v63  }
0xeb: {  	s0 =	sand.u32 $0x1FFFFFF0, s13  }
0xec: {  	[tilespmem:s14], [sflag:$0x2] =	stream.linear.gather [hbm4b:s3+s2], $0x20, $0x38;
	[tilespmem:$0x10400] =	vst v63  }
0xed: {  	s18 =	simm.s32 $0xF80;
	s17 =	spop (v2sf);
	s0 =	sadd.s32 s4, s0  }
0xee: {  	(v2sf) =	vpush v63, $0x9;
	[tilespmem:s18], [sflag:$0x2] =	stream.strided.gather [hbm4b:s0+s15], $0x0, s16, s15, $0x38;
	[tilespmem:$0x10400] =	vst v63  }
0xef: {  	s3 =	sand.u32 $0x1FFFFFF0, s17  }
0xf0: {  	[tilespmem:s18], [sflag:$0x2] =	stream.linear.gather [hbm4b:s0+s2], $0x20, $0x38;
	[tilespmem:$0x10400] =	vst v63  }
0xf1: {  	s20 =	simm.s32 $0xFA0;
	s19 =	spop (v2sf);
	s3 =	sadd.s32 s1, s3  }
0xf2: {  	(v2sf) =	vpush v62, $0xA;
	[tilespmem:s20], [sflag:$0x2] =	stream.strided.gather [hbm4b:s3+s15], $0x0, s16, s15, $0x38;
	[tilespmem:$0x10400] =	vst v63  }
0xf3: {  	s0 =	sand.u32 $0x1FFFFFF0, s19  }
0xf4: {  	[tilespmem:s20], [sflag:$0x2] =	stream.linear.gather [hbm4b:s3+s2], $0x20, $0x38;
	[tilespmem:$0x10400] =	vst v63  }
0xf5: {  	s22 =	simm.s32 $0x1000;
	s21 =	spop (v2sf);
	s0 =	sadd.s32 s4, s0  }
0xf6: {  	(v2sf) =	vpush v63, $0xA;
	[tilespmem:s22], [sflag:$0x2] =	stream.strided.gather [hbm4b:s0+s15], $0x0, s16, s15, $0x38;
	[tilespmem:$0x10400] =	vst v63  }
0xf7: {  	s3 =	sand.u32 $0x1FFFFFF0, s21  }
0xf8: {  	[tilespmem:s22], [sflag:$0x2] =	stream.linear.gather [hbm4b:s0+s2], $0x20, $0x38;
	[tilespmem:$0x10400] =	vst v63  }
0xf9: {  	s24 =	simm.s32 $0x1020;
	s23 =	spop (v2sf);
	s3 =	sadd.s32 s1, s3  }
0xfa: {  	(v2sf) =	vpush v62, $0xB;
	[tilespmem:s24], [sflag:$0x2] =	stream.strided.gather [hbm4b:s3+s15], $0x0, s16, s15, $0x38;
	[tilespmem:$0x10400] =	vst v63  }
0xfb: {  	s0 =	sand.u32 $0x1FFFFFF0, s23  }
0xfc: {  	[tilespmem:s24], [sflag:$0x2] =	stream.linear.gather [hbm4b:s3+s2], $0x20, $0x38;
	[tilespmem:$0x10400] =	vst v63  }
0xfd: {  	s26 =	simm.s32 $0x1080;
	s25 =	spop (v2sf);
	s0 =	sadd.s32 s4, s0  }
0xfe: {  	(v2sf) =	vpush v63, $0xB;
	[tilespmem:s26], [sflag:$0x2] =	stream.strided.gather [hbm4b:s0+s15], $0x0, s16, s15, $0x38;
	[tilespmem:$0x10400] =	vst v63  }
0xff: {  	s3 =	sand.u32 $0x1FFFFFF0, s25  }
0x100: {  	[tilespmem:s26], [sflag:$0x2] =	stream.linear.gather [hbm4b:s0+s2], $0x20, $0x38;
	[tilespmem:$0x10400] =	vst v63  }
0x101: {  	s31 =	simm.s32 $0x10A0;
	s28 =	spop (v2sf);
	s3 =	sadd.s32 s1, s3  }
0x102: {  	(v2sf) =	vpush v62, $0xC;
	[tilespmem:s31], [sflag:$0x2] =	stream.strided.gather [hbm4b:s3+s15], $0x0, s16, s15, $0x38;
	[tilespmem:$0x10400] =	vst v63  }
0x103: {  	s0 =	sand.u32 $0x1FFFFFF0, s28  }
0x104: {  	[tilespmem:s31], [sflag:$0x2] =	stream.linear.gather [hbm4b:s3+s2], $0x20, $0x38;
	[tilespmem:$0x10400] =	vst v63  }
0x105: {  	s6 =	simm.s32 $0x1100;
	s5 =	spop (v2sf);
	s0 =	sadd.s32 s4, s0  }
0x106: {  	(v2sf) =	vpush v63, $0xC;
	[tilespmem:s6], [sflag:$0x2] =	stream.strided.gather [hbm4b:s0+s15], $0x0, s16, s15, $0x38;
	[tilespmem:$0x10400] =	vst v63  }
0x107: {  	s3 =	sand.u32 $0x1FFFFFF0, s5  }
0x108: {  	[tilespmem:s6], [sflag:$0x2] =	stream.linear.gather [hbm4b:s0+s2], $0x20, $0x38;
	[tilespmem:$0x10400] =	vst v63  }
0x109: {  	s8 =	simm.s32 $0x1120;
	s7 =	spop (v2sf);
	s3 =	sadd.s32 s1, s3  }
0x10a: {  	(v2sf) =	vpush v62, $0xD;
	[tilespmem:s8], [sflag:$0x2] =	stream.strided.gather [hbm4b:s3+s15], $0x0, s16, s15, $0x38;
	[tilespmem:$0x10400] =	vst v63  }
0x10b: {  	s0 =	sand.u32 $0x1FFFFFF0, s7  }
0x10c: {  	[tilespmem:s8], [sflag:$0x2] =	stream.linear.gather [hbm4b:s3+s2], $0x20, $0x38;
	[tilespmem:$0x10400] =	vst v63  }
0x10d: {  	s10 =	simm.s32 $0x1180;
	s9 =	spop (v2sf);
	s0 =	sadd.s32 s4, s0  }
0x10e: {  	(v2sf) =	vpush v63, $0xD;
	[tilespmem:s10], [sflag:$0x2] =	stream.strided.gather [hbm4b:s0+s15], $0x0, s16, s15, $0x38;
	[tilespmem:$0x10400] =	vst v63  }
0x10f: {  	s3 =	sand.u32 $0x1FFFFFF0, s9  }
0x110: {  	[tilespmem:s10], [sflag:$0x2] =	stream.linear.gather [hbm4b:s0+s2], $0x20, $0x38;
	[tilespmem:$0x10400] =	vst v63  }
0x111: {  	s12 =	simm.s32 $0x11A0;
	s11 =	spop (v2sf);
	s3 =	sadd.s32 s1, s3  }
0x112: {  	(v2sf) =	vpush v62, $0xE;
	[tilespmem:s12], [sflag:$0x2] =	stream.strided.gather [hbm4b:s3+s15], $0x0, s16, s15, $0x38;
	[tilespmem:$0x10400] =	vst v63  }
0x113: {  	s0 =	sand.u32 $0x1FFFFFF0, s11  }
0x114: {  	[tilespmem:s12], [sflag:$0x2] =	stream.linear.gather [hbm4b:s3+s2], $0x20, $0x38;
	[tilespmem:$0x10400] =	vst v63  }
0x115: {  	s14 =	simm.s32 $0x1200;
	s13 =	spop (v2sf);
	s0 =	sadd.s32 s4, s0  }
0x116: {  	(v2sf) =	vpush v63, $0xE;
	[tilespmem:s14], [sflag:$0x2] =	stream.strided.gather [hbm4b:s0+s15], $0x0, s16, s15, $0x38;
	[tilespmem:$0x10400] =	vst v63  }
0x117: {  	s3 =	sand.u32 $0x1FFFFFF0, s13  }
0x118: {  	[tilespmem:s14], [sflag:$0x2] =	stream.linear.gather [hbm4b:s0+s2], $0x20, $0x38;
	[tilespmem:$0x10400] =	vst v63  }
0x119: {  	s18 =	simm.s32 $0x1220;
	s17 =	spop (v2sf);
	s3 =	sadd.s32 s1, s3  }
0x11a: {  	(v2sf) =	vpush v62, $0xF;
	[tilespmem:s18], [sflag:$0x2] =	stream.strided.gather [hbm4b:s3+s15], $0x0, s16, s15, $0x38;
	[tilespmem:$0x10400] =	vst v63  }
0x11b: {  	s0 =	sand.u32 $0x1FFFFFF0, s17  }
0x11c: {  	[tilespmem:s18], [sflag:$0x2] =	stream.linear.gather [hbm4b:s3+s2], $0x20, $0x38;
	[tilespmem:$0x10400] =	vst v63  }
0x11d: {  	s20 =	simm.s32 $0x1280;
	s19 =	spop (v2sf);
	s0 =	sadd.s32 s4, s0  }
0x11e: {  	(v2sf) =	vpush v63, $0xF;
	[tilespmem:s20], [sflag:$0x2] =	stream.strided.gather [hbm4b:s0+s15], $0x0, s16, s15, $0x38;
	[tilespmem:$0x10400] =	vst v63  }
0x11f: {  	s3 =	sand.u32 $0x1FFFFFF0, s19  }
0x120: {  	[tilespmem:s20], [sflag:$0x2] =	stream.linear.gather [hbm4b:s0+s2], $0x20, $0x38;
	[tilespmem:$0x10400] =	vst v63  }
0x121: {  	s22 =	simm.s32 $0x12A0;
	s21 =	spop (v2sf);
	s3 =	sadd.s32 s1, s3  }
0x122: {  	[tilespmem:s22], [sflag:$0x2] =	stream.strided.gather [hbm4b:s3+s15], $0x0, s16, s15, $0x38;
	[tilespmem:$0x10400] =	vst v63  }
0x123: {  	p1 =	por $0x1, $0x1;
	s29 =	simm.s32 $0x30;
	s0 =	sand.u32 $0x1FFFFFF0, s21  }
0x124: {  	[tilespmem:s22], [sflag:$0x2] =	stream.linear.gather [hbm4b:s3+s2], $0x20, $0x38;
	[tilespmem:$0x10400] =	vst v63  }
0x125: {  	s24 =	simm.s32 $0x1300;
	s23 =	spop (v2sf);
	s0 =	sadd.s32 s4, s0  }
0x126: {  	[tilespmem:s24], [sflag:$0x2] =	stream.strided.gather [hbm4b:s0+s15], $0x0, s16, s15, $0x38;
	[tilespmem:$0x10400] =	vst v63  }
0x127: {  	s30 =	simm.s32 $0x1;
	s26 =	simm.s32 $0x1320;
	s3 =	sand.u32 $0x1FFFFFF0, s23  }
0x128: {  	[tilespmem:s24], [sflag:$0x2] =	stream.linear.gather [hbm4b:s0+s2], $0x20, $0x38;
	[tilespmem:$0x10400] =	vst v63  }
0x129: {  	s31 =	simm.s32 $0x1380;
	s25 =	spop (v2sf);
	s3 =	sadd.s32 s1, s3  }
0x12a: {  	[tilespmem:s26], [sflag:$0x2] =	stream.strided.gather [hbm4b:s3+s15], $0x0, s16, s15, $0x38;
	[tilespmem:$0x10400] =	vst v63  }
0x12b: {  	s5 =	simm.s32 @!p1 $0x2;
	s7 =	rddreg [dreg:$0xf];
	s0 =	sand.u32 $0x1FFFFFF0, s25  }
0x12c: {  	[tilespmem:s26], [sflag:$0x2] =	stream.linear.gather [hbm4b:s3+s2], $0x20, $0x38;
	[tilespmem:$0x10400] =	vst v63  }
0x12d: {  	s6 =	simm.s32 @!p1 $0x0;
	s28 =	spop (v2sf);
	s0 =	sadd.s32 s4, s0  }
0x12e: {  	[tilespmem:s31], [sflag:$0x2] =	stream.strided.gather [hbm4b:s0+s15], $0x0, s16, s15, $0x38;
	[tilespmem:$0x10400] =	vst v63  }
0x12f: {  	s8 =	sadd.s32 $0x200, s7;
	s24 =	simm.s32 $0x4000;
	s3 =	sand.u32 $0x1FFFFFF0, s28  }
0x130: {  	[tilespmem:s31], [sflag:$0x2] =	stream.linear.gather [hbm4b:s0+s2], $0x20, $0x38;
	[tilespmem:$0x10400] =	vst v63  }
0x131: {  	s25 =	simm.s32 $0x230;
	s3 =	sadd.s32 s1, s3;
	s0 =	simm.s32 $0x13A0  }
0x132: {  	[tilespmem:s0], [sflag:$0x2] =	stream.strided.gather [hbm4b:s3+s15], $0x0, s16, s15, $0x38;
	[tilespmem:$0x10400] =	vst v63  }
.LBB2_2:
0x133: {  	[tilespmem:s0], [sflag:$0x2] =	stream.linear.gather [hbm4b:s3+s2], $0x20, $0x38;
	[tilespmem:$0x10400] =	vst v63  }
0x134: {  	[dreg:$0x5] =	wrdreg s8;
	s9 =	smov.u32 s24  }
0x135: {  	[dreg:$0x7] =	wrdreg s9  }
0x136: {  	_ =	swait.ge @!p1 [sflag:s5], $0x800  }
0x137: {  	[sflag:s5] =	ssyncset.done @!p1 $0x0  }
0x138: {  	s0 =	sadd.s32 @!p1 $0xFFFFC400, s6;
	s3 =	simm.s32 @!p1 $0x0;
	[sflag:s5] =	ssyncadd.s32 @!p1 $0xFFFFF800  }
0x139: {  	[hbm4b:s7+s3] =	stream.linear.scatter @!p1 [tilespmem:s0], [sflag:$0x3], $0x1000, $0x38;
	[tilespmem:$0x10400] =	vst v63  }
0x13a: {  	v0 =	vld [tilespmem:s29+$0xFFFFFFF0];
	_ =	sdelay $0x1  }
0x13b: {  	v2 =	vld [tilespmem:s25+$0xFFFFFFF0];
	_ =	sdelay $0x2  }
0x13c: {  	v1 =	vshll.u32 v0, $0x4  }
0x13d: {  	(v2sf) =	vpush v1, $0x0  }
0x13e: {  	v61 =	vshll.u32 v2, $0x4  }
0x13f: {  	(v2sf) =	vpush v61, $0x0;
	_ =	sdelay $0x3  }
0x140: {  	(v2sf) =	vpush v1, $0x1;
	_ =	sdelay $0x3  }
0x141: {  	(v2sf) =	vpush v61, $0x1;
	_ =	sdelay $0x3  }
0x142: {  	(v2sf) =	vpush v1, $0x2  }
0x143: {  	s0 =	sshra.s32 s9, $0x2;
	s9 =	spop (v2sf)  }
0x144: {  	s3 =	sand.u32 $0x1FFFFFF0, s9  }
0x145: {  	s12 =	sadd.s32 $0x400, s0;
	s11 =	spop (v2sf);
	s3 =	sadd.s32 s4, s3  }
0x146: {  	(v2sf) =	vpush v61, $0x2;
	[tilespmem:s12], [sflag:$0x2] =	stream.strided.gather [hbm4b:s3+s15], $0x0, s16, s15, $0x38;
	[tilespmem:$0x10400] =	vst v63  }
0x147: {  	s6 =	sand.u32 $0x1FFFFFF0, s11  }
0x148: {  	[tilespmem:s12], [sflag:$0x2] =	stream.linear.gather [hbm4b:s3+s2], $0x20, $0x38;
	[tilespmem:$0x10400] =	vst v63  }
0x149: {  	s14 =	sadd.s32 $0x420, s0;
	s13 =	spop (v2sf);
	s6 =	sadd.s32 s1, s6  }
0x14a: {  	(v2sf) =	vpush v1, $0x3;
	[tilespmem:s14], [sflag:$0x2] =	stream.strided.gather [hbm4b:s6+s15], $0x0, s16, s15, $0x38;
	[tilespmem:$0x10400] =	vst v63  }
0x14b: {  	s17 =	sand.u32 $0x1FFFFFF0, s13  }
0x14c: {  	[tilespmem:s14], [sflag:$0x2] =	stream.linear.gather [hbm4b:s6+s2], $0x20, $0x38;
	[tilespmem:$0x10400] =	vst v63  }
0x14d: {  	s10 =	sadd.s32 $0x480, s0;
	s18 =	spop (v2sf);
	s19 =	sadd.s32 s4, s17  }
0x14e: {  	(v2sf) =	vpush v61, $0x3;
	[tilespmem:s10], [sflag:$0x2] =	stream.strided.gather [hbm4b:s19+s15], $0x0, s16, s15, $0x38;
	[tilespmem:$0x10400] =	vst v63  }
0x14f: {  	s7 =	smov.u32 s8;
	s20 =	sand.u32 $0x1FFFFFF0, s18  }
0x150: {  	[tilespmem:s10], [sflag:$0x2] =	stream.linear.gather [hbm4b:s19+s2], $0x20, $0x38;
	[tilespmem:$0x10400] =	vst v63  }
0x151: {  	s23 =	sadd.s32 $0x4A0, s0;
	s21 =	spop (v2sf);
	s26 =	sadd.s32 s1, s20  }
0x152: {  	(v2sf) =	vpush v1, $0x4;
	[tilespmem:s23], [sflag:$0x2] =	stream.strided.gather [hbm4b:s26+s15], $0x0, s16, s15, $0x38;
	[tilespmem:$0x10400] =	vst v63  }
0x153: {  	[dreg:$0x6] =	wrdreg s7;
	s7 =	sand.u32 $0x1FFFFFF0, s21  }
0x154: {  	[tilespmem:s23], [sflag:$0x2] =	stream.linear.gather [hbm4b:s26+s2], $0x20, $0x38;
	[tilespmem:$0x10400] =	vst v63  }
0x155: {  	s9 =	sadd.s32 $0x500, s0;
	s22 =	spop (v2sf);
	s10 =	sadd.s32 s4, s7  }
0x156: {  	(v2sf) =	vpush v61, $0x4;
	[tilespmem:s9], [sflag:$0x2] =	stream.strided.gather [hbm4b:s10+s15], $0x0, s16, s15, $0x38;
	[tilespmem:$0x10400] =	vst v63  }
0x157: {  	s28 =	sand.u32 $0x1FFFFFF0, s22  }
0x158: {  	[tilespmem:s9], [sflag:$0x2] =	stream.linear.gather [hbm4b:s10+s2], $0x20, $0x38;
	[tilespmem:$0x10400] =	vst v63  }
0x159: {  	s13 =	sadd.s32 $0x520, s0;
	s14 =	sadd.s32 s1, s28;
	s31 =	spop (v2sf)  }
0x15a: {  	(v2sf) =	vpush v1, $0x5;
	[tilespmem:s13], [sflag:$0x2] =	stream.strided.gather [hbm4b:s14+s15], $0x0, s16, s15, $0x38;
	[tilespmem:$0x10400] =	vst v63  }
0x15b: {  	s11 =	sand.u32 $0x1FFFFFF0, s31  }
0x15c: {  	[tilespmem:s13], [sflag:$0x2] =	stream.linear.gather [hbm4b:s14+s2], $0x20, $0x38;
	[tilespmem:$0x10400] =	vst v63  }
0x15d: {  	s19 =	sadd.s32 $0x580, s0;
	s12 =	spop (v2sf);
	s20 =	sadd.s32 s4, s11  }
0x15e: {  	(v2sf) =	vpush v61, $0x5;
	[tilespmem:s19], [sflag:$0x2] =	stream.strided.gather [hbm4b:s20+s15], $0x0, s16, s15, $0x38;
	[tilespmem:$0x10400] =	vst v63  }
0x15f: {  	s17 =	sand.u32 $0x1FFFFFF0, s12  }
0x160: {  	[tilespmem:s19], [sflag:$0x2] =	stream.linear.gather [hbm4b:s20+s2], $0x20, $0x38;
	[tilespmem:$0x10400] =	vst v63  }
0x161: {  	s23 =	sadd.s32 $0x5A0, s0;
	s18 =	spop (v2sf);
	s26 =	sadd.s32 s1, s17  }
0x162: {  	(v2sf) =	vpush v1, $0x6;
	[tilespmem:s23], [sflag:$0x2] =	stream.strided.gather [hbm4b:s26+s15], $0x0, s16, s15, $0x38;
	[tilespmem:$0x10400] =	vst v63  }
0x163: {  	s21 =	sand.u32 $0x1FFFFFF0, s18  }
0x164: {  	[tilespmem:s23], [sflag:$0x2] =	stream.linear.gather [hbm4b:s26+s2], $0x20, $0x38;
	[tilespmem:$0x10400] =	vst v63  }
0x165: {  	s22 =	spop (v2sf);
	s9 =	sadd.s32 $0x600, s0;
	s10 =	sadd.s32 s4, s21  }
0x166: {  	(v2sf) =	vpush v61, $0x6;
	[tilespmem:s9], [sflag:$0x2] =	stream.strided.gather [hbm4b:s10+s15], $0x0, s16, s15, $0x38;
	[tilespmem:$0x10400] =	vst v63  }
0x167: {  	s28 =	sand.u32 $0x1FFFFFF0, s22  }
0x168: {  	[tilespmem:s9], [sflag:$0x2] =	stream.linear.gather [hbm4b:s10+s2], $0x20, $0x38;
	[tilespmem:$0x10400] =	vst v63  }
0x169: {  	s13 =	sadd.s32 $0x620, s0;
	s14 =	sadd.s32 s1, s28;
	s31 =	spop (v2sf)  }
0x16a: {  	(v2sf) =	vpush v1, $0x7;
	[tilespmem:s13], [sflag:$0x2] =	stream.strided.gather [hbm4b:s14+s15], $0x0, s16, s15, $0x38;
	[tilespmem:$0x10400] =	vst v63  }
0x16b: {  	s11 =	sand.u32 $0x1FFFFFF0, s31  }
0x16c: {  	[tilespmem:s13], [sflag:$0x2] =	stream.linear.gather [hbm4b:s14+s2], $0x20, $0x38;
	[tilespmem:$0x10400] =	vst v63  }
0x16d: {  	s19 =	sadd.s32 $0x680, s0;
	s12 =	spop (v2sf);
	s20 =	sadd.s32 s4, s11  }
0x16e: {  	(v2sf) =	vpush v61, $0x7;
	[tilespmem:s19], [sflag:$0x2] =	stream.strided.gather [hbm4b:s20+s15], $0x0, s16, s15, $0x38;
	[tilespmem:$0x10400] =	vst v63  }
0x16f: {  	s17 =	sand.u32 $0x1FFFFFF0, s12  }
0x170: {  	[tilespmem:s19], [sflag:$0x2] =	stream.linear.gather [hbm4b:s20+s2], $0x20, $0x38;
	[tilespmem:$0x10400] =	vst v63  }
0x171: {  	s18 =	spop (v2sf);
	s23 =	sadd.s32 $0x6A0, s0;
	s26 =	sadd.s32 s1, s17  }
0x172: {  	(v2sf) =	vpush v1, $0x8;
	[tilespmem:s23], [sflag:$0x2] =	stream.strided.gather [hbm4b:s26+s15], $0x0, s16, s15, $0x38;
	[tilespmem:$0x10400] =	vst v63  }
0x173: {  	s21 =	sand.u32 $0x1FFFFFF0, s18  }
0x174: {  	[tilespmem:s23], [sflag:$0x2] =	stream.linear.gather [hbm4b:s26+s2], $0x20, $0x38;
	[tilespmem:$0x10400] =	vst v63  }
0x175: {  	s22 =	spop (v2sf);
	s9 =	sadd.s32 $0x700, s0;
	s10 =	sadd.s32 s4, s21  }
0x176: {  	(v2sf) =	vpush v61, $0x8;
	[tilespmem:s9], [sflag:$0x2] =	stream.strided.gather [hbm4b:s10+s15], $0x0, s16, s15, $0x38;
	[tilespmem:$0x10400] =	vst v63  }
0x177: {  	s28 =	sand.u32 $0x1FFFFFF0, s22  }
0x178: {  	[tilespmem:s9], [sflag:$0x2] =	stream.linear.gather [hbm4b:s10+s2], $0x20, $0x38;
	[tilespmem:$0x10400] =	vst v63  }
0x179: {  	s13 =	sadd.s32 $0x720, s0;
	s14 =	sadd.s32 s1, s28;
	s31 =	spop (v2sf)  }
0x17a: {  	(v2sf) =	vpush v1, $0x9;
	[tilespmem:s13], [sflag:$0x2] =	stream.strided.gather [hbm4b:s14+s15], $0x0, s16, s15, $0x38;
	[tilespmem:$0x10400] =	vst v63  }
0x17b: {  	s11 =	sand.u32 $0x1FFFFFF0, s31  }
0x17c: {  	[tilespmem:s13], [sflag:$0x2] =	stream.linear.gather [hbm4b:s14+s2], $0x20, $0x38;
	[tilespmem:$0x10400] =	vst v63  }
0x17d: {  	s19 =	sadd.s32 $0x780, s0;
	s12 =	spop (v2sf);
	s20 =	sadd.s32 s4, s11  }
0x17e: {  	(v2sf) =	vpush v61, $0x9;
	[tilespmem:s19], [sflag:$0x2] =	stream.strided.gather [hbm4b:s20+s15], $0x0, s16, s15, $0x38;
	[tilespmem:$0x10400] =	vst v63  }
0x17f: {  	s17 =	sand.u32 $0x1FFFFFF0, s12  }
0x180: {  	[tilespmem:s19], [sflag:$0x2] =	stream.linear.gather [hbm4b:s20+s2], $0x20, $0x38;
	[tilespmem:$0x10400] =	vst v63  }
0x181: {  	s18 =	spop (v2sf);
	s23 =	sadd.s32 $0x7A0, s0;
	s26 =	sadd.s32 s1, s17  }
0x182: {  	(v2sf) =	vpush v1, $0xA;
	[tilespmem:s23], [sflag:$0x2] =	stream.strided.gather [hbm4b:s26+s15], $0x0, s16, s15, $0x38;
	[tilespmem:$0x10400] =	vst v63  }
0x183: {  	s21 =	sand.u32 $0x1FFFFFF0, s18  }
0x184: {  	[tilespmem:s23], [sflag:$0x2] =	stream.linear.gather [hbm4b:s26+s2], $0x20, $0x38;
	[tilespmem:$0x10400] =	vst v63  }
0x185: {  	s22 =	spop (v2sf);
	s9 =	sadd.s32 $0x800, s0;
	s10 =	sadd.s32 s4, s21  }
0x186: {  	(v2sf) =	vpush v61, $0xA;
	[tilespmem:s9], [sflag:$0x2] =	stream.strided.gather [hbm4b:s10+s15], $0x0, s16, s15, $0x38;
	[tilespmem:$0x10400] =	vst v63  }
0x187: {  	s28 =	sand.u32 $0x1FFFFFF0, s22  }
0x188: {  	[tilespmem:s9], [sflag:$0x2] =	stream.linear.gather [hbm4b:s10+s2], $0x20, $0x38;
	[tilespmem:$0x10400] =	vst v63  }
0x189: {  	s13 =	sadd.s32 $0x820, s0;
	s14 =	sadd.s32 s1, s28;
	s31 =	spop (v2sf)  }
0x18a: {  	(v2sf) =	vpush v1, $0xB;
	[tilespmem:s13], [sflag:$0x2] =	stream.strided.gather [hbm4b:s14+s15], $0x0, s16, s15, $0x38;
	[tilespmem:$0x10400] =	vst v63  }
0x18b: {  	s11 =	sand.u32 $0x1FFFFFF0, s31  }
0x18c: {  	[tilespmem:s13], [sflag:$0x2] =	stream.linear.gather [hbm4b:s14+s2], $0x20, $0x38;
	[tilespmem:$0x10400] =	vst v63  }
0x18d: {  	s19 =	sadd.s32 $0x880, s0;
	s12 =	spop (v2sf);
	s20 =	sadd.s32 s4, s11  }
0x18e: {  	(v2sf) =	vpush v61, $0xB;
	[tilespmem:s19], [sflag:$0x2] =	stream.strided.gather [hbm4b:s20+s15], $0x0, s16, s15, $0x38;
	[tilespmem:$0x10400] =	vst v63  }
0x18f: {  	s17 =	sand.u32 $0x1FFFFFF0, s12  }
0x190: {  	[tilespmem:s19], [sflag:$0x2] =	stream.linear.gather [hbm4b:s20+s2], $0x20, $0x38;
	[tilespmem:$0x10400] =	vst v63  }
0x191: {  	s18 =	spop (v2sf);
	s23 =	sadd.s32 $0x8A0, s0;
	s26 =	sadd.s32 s1, s17  }
0x192: {  	(v2sf) =	vpush v1, $0xC;
	[tilespmem:s23], [sflag:$0x2] =	stream.strided.gather [hbm4b:s26+s15], $0x0, s16, s15, $0x38;
	[tilespmem:$0x10400] =	vst v63  }
0x193: {  	s21 =	sand.u32 $0x1FFFFFF0, s18  }
0x194: {  	[tilespmem:s23], [sflag:$0x2] =	stream.linear.gather [hbm4b:s26+s2], $0x20, $0x38;
	[tilespmem:$0x10400] =	vst v63  }
0x195: {  	s22 =	spop (v2sf);
	s9 =	sadd.s32 $0x900, s0;
	s10 =	sadd.s32 s4, s21  }
0x196: {  	(v2sf) =	vpush v61, $0xC;
	[tilespmem:s9], [sflag:$0x2] =	stream.strided.gather [hbm4b:s10+s15], $0x0, s16, s15, $0x38;
	[tilespmem:$0x10400] =	vst v63  }
0x197: {  	s28 =	sand.u32 $0x1FFFFFF0, s22  }
0x198: {  	[tilespmem:s9], [sflag:$0x2] =	stream.linear.gather [hbm4b:s10+s2], $0x20, $0x38;
	[tilespmem:$0x10400] =	vst v63  }
0x199: {  	s13 =	sadd.s32 $0x920, s0;
	s14 =	sadd.s32 s1, s28;
	s31 =	spop (v2sf)  }
0x19a: {  	(v2sf) =	vpush v1, $0xD;
	[tilespmem:s13], [sflag:$0x2] =	stream.strided.gather [hbm4b:s14+s15], $0x0, s16, s15, $0x38;
	[tilespmem:$0x10400] =	vst v63  }
0x19b: {  	s11 =	sand.u32 $0x1FFFFFF0, s31  }
0x19c: {  	[tilespmem:s13], [sflag:$0x2] =	stream.linear.gather [hbm4b:s14+s2], $0x20, $0x38;
	[tilespmem:$0x10400] =	vst v63  }
0x19d: {  	s12 =	spop (v2sf);
	s19 =	sadd.s32 $0x980, s0;
	s20 =	sadd.s32 s4, s11  }
0x19e: {  	(v2sf) =	vpush v61, $0xD;
	[tilespmem:s19], [sflag:$0x2] =	stream.strided.gather [hbm4b:s20+s15], $0x0, s16, s15, $0x38;
	[tilespmem:$0x10400] =	vst v63  }
0x19f: {  	s17 =	sand.u32 $0x1FFFFFF0, s12  }
0x1a0: {  	[tilespmem:s19], [sflag:$0x2] =	stream.linear.gather [hbm4b:s20+s2], $0x20, $0x38;
	[tilespmem:$0x10400] =	vst v63  }
0x1a1: {  	s18 =	spop (v2sf);
	s23 =	sadd.s32 $0x9A0, s0;
	s26 =	sadd.s32 s1, s17  }
0x1a2: {  	(v2sf) =	vpush v1, $0xE;
	[tilespmem:s23], [sflag:$0x2] =	stream.strided.gather [hbm4b:s26+s15], $0x0, s16, s15, $0x38;
	[tilespmem:$0x10400] =	vst v63  }
0x1a3: {  	s21 =	sand.u32 $0x1FFFFFF0, s18  }
0x1a4: {  	[tilespmem:s23], [sflag:$0x2] =	stream.linear.gather [hbm4b:s26+s2], $0x20, $0x38;
	[tilespmem:$0x10400] =	vst v63  }
0x1a5: {  	s22 =	spop (v2sf);
	s9 =	sadd.s32 $0xA00, s0;
	s10 =	sadd.s32 s4, s21  }
0x1a6: {  	(v2sf) =	vpush v61, $0xE;
	[tilespmem:s9], [sflag:$0x2] =	stream.strided.gather [hbm4b:s10+s15], $0x0, s16, s15, $0x38;
	[tilespmem:$0x10400] =	vst v63  }
0x1a7: {  	s28 =	sand.u32 $0x1FFFFFF0, s22  }
0x1a8: {  	[tilespmem:s9], [sflag:$0x2] =	stream.linear.gather [hbm4b:s10+s2], $0x20, $0x38;
	[tilespmem:$0x10400] =	vst v63  }
0x1a9: {  	s13 =	sadd.s32 $0xA20, s0;
	s14 =	sadd.s32 s1, s28;
	s31 =	spop (v2sf)  }
0x1aa: {  	(v2sf) =	vpush v1, $0xF;
	[tilespmem:s13], [sflag:$0x2] =	stream.strided.gather [hbm4b:s14+s15], $0x0, s16, s15, $0x38;
	[tilespmem:$0x10400] =	vst v63  }
0x1ab: {  	s11 =	sand.u32 $0x1FFFFFF0, s31  }
0x1ac: {  	[tilespmem:s13], [sflag:$0x2] =	stream.linear.gather [hbm4b:s14+s2], $0x20, $0x38;
	[tilespmem:$0x10400] =	vst v63  }
0x1ad: {  	s12 =	spop (v2sf);
	s19 =	sadd.s32 $0xA80, s0;
	s20 =	sadd.s32 s4, s11  }
0x1ae: {  	(v2sf) =	vpush v61, $0xF;
	[tilespmem:s19], [sflag:$0x2] =	stream.strided.gather [hbm4b:s20+s15], $0x0, s16, s15, $0x38;
	[tilespmem:$0x10400] =	vst v63  }
0x1af: {  	s17 =	sand.u32 $0x1FFFFFF0, s12  }
0x1b0: {  	[tilespmem:s19], [sflag:$0x2] =	stream.linear.gather [hbm4b:s20+s2], $0x20, $0x38;
	[tilespmem:$0x10400] =	vst v63  }
0x1b1: {  	s18 =	spop (v2sf);
	s23 =	sadd.s32 $0xAA0, s0;
	s26 =	sadd.s32 s1, s17  }
0x1b2: {  	[tilespmem:s23], [sflag:$0x2] =	stream.strided.gather [hbm4b:s26+s15], $0x0, s16, s15, $0x38;
	[tilespmem:$0x10400] =	vst v63  }
0x1b3: {  	s21 =	sand.u32 $0x1FFFFFF0, s18  }
0x1b4: {  	[tilespmem:s23], [sflag:$0x2] =	stream.linear.gather [hbm4b:s26+s2], $0x20, $0x38;
	[tilespmem:$0x10400] =	vst v63  }
0x1b5: {  	s5 =	sadd.s32 $0xB00, s0;
	s22 =	spop (v2sf);
	s7 =	sadd.s32 s4, s21  }
0x1b6: {  	[tilespmem:s5], [sflag:$0x2] =	stream.strided.gather [hbm4b:s7+s15], $0x0, s16, s15, $0x38;
	[tilespmem:$0x10400] =	vst v63  }
0x1b7: {  	s28 =	sand.u32 $0x1FFFFFF0, s22  }
0x1b8: {  	[tilespmem:s5], [sflag:$0x2] =	stream.linear.gather [hbm4b:s7+s2], $0x20, $0x38;
	[tilespmem:$0x10400] =	vst v63  }
0x1b9: {  	s11 =	sadd.s32 $0xB20, s0;
	s12 =	sadd.s32 s1, s28;
	s31 =	spop (v2sf)  }
0x1ba: {  	[tilespmem:s11], [sflag:$0x2] =	stream.strided.gather [hbm4b:s12+s15], $0x0, s16, s15, $0x38;
	[tilespmem:$0x10400] =	vst v63  }
0x1bb: {  	s9 =	sand.u32 $0x1FFFFFF0, s31  }
0x1bc: {  	[tilespmem:s11], [sflag:$0x2] =	stream.linear.gather [hbm4b:s12+s2], $0x20, $0x38;
	[tilespmem:$0x10400] =	vst v63  }
0x1bd: {  	s14 =	sadd.s32 $0xB80, s0;
	s10 =	spop (v2sf);
	s17 =	sadd.s32 s4, s9  }
0x1be: {  	[tilespmem:s14], [sflag:$0x2] =	stream.strided.gather [hbm4b:s17+s15], $0x0, s16, s15, $0x38;
	[tilespmem:$0x10400] =	vst v63  }
0x1bf: {  	s13 =	sand.u32 $0x1FFFFFF0, s10  }
0x1c0: {  	[tilespmem:s14], [sflag:$0x2] =	stream.linear.gather [hbm4b:s17+s2], $0x20, $0x38;
	[tilespmem:$0x10400] =	vst v63  }
0x1c1: {  	s18 =	sadd.s32 $0xBA0, s0;
	s19 =	sadd.s32 s1, s13  }
0x1c2: {  	[tilespmem:s18], [sflag:$0x2] =	stream.strided.gather [hbm4b:s19+s15], $0x0, s16, s15, $0x38;
	[tilespmem:$0x10400] =	vst v63  }
0x1c3: {  	_ = 	snop  }
0x1c4: {  	[tilespmem:s18], [sflag:$0x2] =	stream.linear.gather [hbm4b:s19+s2], $0x20, $0x38;
	[tilespmem:$0x10400] =	vst v63  }
0x1c5: {  	v62 =	vld [tilespmem:s29+$0x0];
	_ =	sdelay $0x3  }
0x1c6: {  	v63 =	vld [tilespmem:s25+$0x0]  }
0x1c7: {  	v0 =	vshll.u32 v62, $0x4  }
0x1c8: {  	(v2sf) =	vpush v0, $0x0  }
0x1c9: {  	(v2sf) =	vpush v0, $0x1  }
0x1ca: {  	(v2sf) =	vpush v0, $0x2  }
0x1cb: {  	v1 =	vshll.u32 v63, $0x4  }
0x1cc: {  	(v2sf) =	vpush v1, $0x0;
	_ =	sdelay $0x2  }
0x1cd: {  	(v2sf) =	vpush v1, $0x1;
	_ =	sdelay $0x1  }
0x1ce: {  	(v2sf) =	vpush v1, $0x2;
	_ =	sdelay $0x1  }
0x1cf: {  	(v2sf) =	vpush v0, $0x3;
	_ =	sdelay $0x1  }
0x1d0: {  	(v2sf) =	vpush v1, $0x3;
	_ =	sdelay $0x1  }
0x1d1: {  	(v2sf) =	vpush v0, $0x4;
	s20 =	spop (v2sf)  }
0x1d2: {  	s3 =	sand.u32 $0x1FFFFFF0, s20;
	s22 =	spop (v2sf)  }
0x1d3: {  	s21 =	sadd.s32 $0xC00, s0;
	(v2sf) =	vpush v1, $0x4;
	s3 =	sadd.s32 s4, s3;
	s23 =	spop (v2sf)  }
0x1d4: {  	[tilespmem:s21], [sflag:$0x2] =	stream.strided.gather [hbm4b:s3+s15], $0x0, s16, s15, $0x38;
	[tilespmem:$0x10400] =	vst v63  }
0x1d5: {  	(v2sf) =	vpush v0, $0x5;
	s28 =	spop (v2sf)  }
0x1d6: {  	s13 =	sand.u32 $0x1FFFFFF0, s28  }
0x1d7: {  	(v2sf) =	vpush v1, $0x5;
	[tilespmem:s21], [sflag:$0x2] =	stream.linear.gather [hbm4b:s3+s2], $0x20, $0x38;
	[tilespmem:$0x10400] =	vst v63  }
0x1d8: {  	s31 =	sadd.s32 $0xC20, s0;
	s14 =	spop (v2sf);
	s5 =	sadd.s32 s1, s13  }
0x1d9: {  	(v2sf) =	vpush v0, $0x6;
	[tilespmem:s31], [sflag:$0x2] =	stream.strided.gather [hbm4b:s5+s15], $0x0, s16, s15, $0x38;
	[tilespmem:$0x10400] =	vst v63  }
0x1da: {  	s9 =	sadd.s32 $0xD80, s0;
	s6 =	sand.u32 $0x1FFFFFF0, s22;
	s17 =	spop (v2sf)  }
0x1db: {  	(v2sf) =	vpush v1, $0x6;
	[tilespmem:s31], [sflag:$0x2] =	stream.linear.gather [hbm4b:s5+s2], $0x20, $0x38;
	[tilespmem:$0x10400] =	vst v63  }
0x1dc: {  	s26 =	sadd.s32 $0xC80, s0;
	s6 =	sadd.s32 s4, s6;
	s12 =	spop (v2sf)  }
0x1dd: {  	(v2sf) =	vpush v0, $0x7;
	[tilespmem:s26], [sflag:$0x2] =	stream.strided.gather [hbm4b:s6+s15], $0x0, s16, s15, $0x38;
	[tilespmem:$0x10400] =	vst v63  }
0x1de: {  	s18 =	sadd.s32 $0xCA0, s0;
	s10 =	sand.u32 $0x1FFFFFF0, s14;
	s20 =	spop (v2sf)  }
0x1df: {  	(v2sf) =	vpush v1, $0x7;
	[tilespmem:s26], [sflag:$0x2] =	stream.linear.gather [hbm4b:s6+s2], $0x20, $0x38;
	[tilespmem:$0x10400] =	vst v63  }
0x1e0: {  	s7 =	sand.u32 $0x1FFFFFF0, s23;
	s10 =	sadd.s32 s1, s10;
	s21 =	spop (v2sf)  }
0x1e1: {  	(v2sf) =	vpush v0, $0x8;
	[tilespmem:s18], [sflag:$0x2] =	stream.strided.gather [hbm4b:s10+s15], $0x0, s16, s15, $0x38;
	[tilespmem:$0x10400] =	vst v63  }
0x1e2: {  	s13 =	sadd.s32 $0xD00, s0;
	s11 =	sand.u32 $0x1FFFFFF0, s17;
	s22 =	spop (v2sf)  }
0x1e3: {  	(v2sf) =	vpush v1, $0x8;
	[tilespmem:s18], [sflag:$0x2] =	stream.linear.gather [hbm4b:s10+s2], $0x20, $0x38;
	[tilespmem:$0x10400] =	vst v63  }
0x1e4: {  	s17 =	sadd.s32 s4, s7;
	s14 =	sand.u32 $0x1FFFFFF0, s20;
	s23 =	spop (v2sf)  }
0x1e5: {  	(v2sf) =	vpush v0, $0x9;
	[tilespmem:s13], [sflag:$0x2] =	stream.strided.gather [hbm4b:s17+s15], $0x0, s16, s15, $0x38;
	[tilespmem:$0x10400] =	vst v63  }
0x1e6: {  	s19 =	sand.u32 $0x1FFFFFF0, s21;
	s31 =	sadd.s32 s1, s11;
	s28 =	spop (v2sf)  }
0x1e7: {  	(v2sf) =	vpush v1, $0x9;
	[tilespmem:s13], [sflag:$0x2] =	stream.linear.gather [hbm4b:s17+s2], $0x20, $0x38;
	[tilespmem:$0x10400] =	vst v63  }
0x1e8: {  	s19 =	sadd.s32 s4, s19;
	s26 =	sadd.s32 $0xD20, s0;
	s11 =	spop (v2sf)  }
0x1e9: {  	(v2sf) =	vpush v0, $0xA;
	[tilespmem:s26], [sflag:$0x2] =	stream.strided.gather [hbm4b:s31+s15], $0x0, s16, s15, $0x38;
	[tilespmem:$0x10400] =	vst v63  }
0x1ea: {  	s8 =	sand.u32 $0x1FFFFFF0, s22;
	s18 =	sand.u32 $0x1FFFFFF0, s12;
	s20 =	spop (v2sf)  }
0x1eb: {  	(v2sf) =	vpush v1, $0xA;
	[tilespmem:s26], [sflag:$0x2] =	stream.linear.gather [hbm4b:s31+s2], $0x20, $0x38;
	[tilespmem:$0x10400] =	vst v63  }
0x1ec: {  	s5 =	sand.u32 $0x1FFFFFF0, s11;
	s11 =	sadd.s32 s4, s18;
	s21 =	spop (v2sf)  }
0x1ed: {  	(v2sf) =	vpush v0, $0xB;
	[tilespmem:s9], [sflag:$0x2] =	stream.strided.gather [hbm4b:s11+s15], $0x0, s16, s15, $0x38;
	[tilespmem:$0x10400] =	vst v63  }
0x1ee: {  	s22 =	sadd.s32 $0xDA0, s0;
	s7 =	sand.u32 $0x1FFFFFF0, s23;
	s23 =	spop (v2sf)  }
0x1ef: {  	(v2sf) =	vpush v1, $0xB;
	[tilespmem:s9], [sflag:$0x2] =	stream.linear.gather [hbm4b:s11+s2], $0x20, $0x38;
	[tilespmem:$0x10400] =	vst v63  }
0x1f0: {  	s6 =	sand.u32 $0x1FFFFFF0, s28;
	s28 =	spop (v2sf);
	s26 =	sadd.s32 s1, s14  }
0x1f1: {  	(v2sf) =	vpush v0, $0xC;
	[tilespmem:s22], [sflag:$0x2] =	stream.strided.gather [hbm4b:s26+s15], $0x0, s16, s15, $0x38;
	[tilespmem:$0x10400] =	vst v63  }
0x1f2: {  	s8 =	sadd.s32 s1, s8;
	s18 =	sand.u32 $0x1FFFFFF0, s20;
	s20 =	spop (v2sf)  }
0x1f3: {  	(v2sf) =	vpush v1, $0xC;
	[tilespmem:s22], [sflag:$0x2] =	stream.linear.gather [hbm4b:s26+s2], $0x20, $0x38;
	[tilespmem:$0x10400] =	vst v63  }
0x1f4: {  	s13 =	sand.u32 $0x1FFFFFF0, s21;
	s31 =	sadd.s32 $0xE00, s0;
	s21 =	spop (v2sf)  }
0x1f5: {  	(v2sf) =	vpush v0, $0xD;
	[tilespmem:s31], [sflag:$0x2] =	stream.strided.gather [hbm4b:s19+s15], $0x0, s16, s15, $0x38;
	[tilespmem:$0x10400] =	vst v63  }
0x1f6: {  	s3 =	sand.u32 $0x1FFFFFF0, s23;
	s17 =	sand.u32 $0x1FFFFFF0, s28;
	s22 =	spop (v2sf)  }
0x1f7: {  	[tilespmem:s31], [sflag:$0x2] =	stream.linear.gather [hbm4b:s19+s2], $0x20, $0x38;
	[tilespmem:$0x10400] =	vst v63  }
0x1f8: {  	s14 =	sand.u32 $0x1FFFFFF0, s20;
	s20 =	sadd.s32 $0xE20, s0;
	s23 =	spop (v2sf)  }
0x1f9: {  	(v2sf) =	vpush v1, $0xD;
	[tilespmem:s20], [sflag:$0x2] =	stream.strided.gather [hbm4b:s8+s15], $0x0, s16, s15, $0x38;
	[tilespmem:$0x10400] =	vst v63  }
0x1fa: {  	s12 =	sand.u32 $0x1FFFFFF0, s21;
	s26 =	sadd.s32 $0xE80, s0;
	s28 =	spop (v2sf)  }
0x1fb: {  	(v2sf) =	vpush v0, $0xE;
	[tilespmem:s20], [sflag:$0x2] =	stream.linear.gather [hbm4b:s8+s2], $0x20, $0x38;
	[tilespmem:$0x10400] =	vst v63  }
0x1fc: {  	s21 =	sadd.s32 s4, s7;
	s11 =	sand.u32 $0x1FFFFFF0, s22;
	s31 =	spop (v2sf)  }
0x1fd: {  	(v2sf) =	vpush v1, $0xE;
	[tilespmem:s26], [sflag:$0x2] =	stream.strided.gather [hbm4b:s21+s15], $0x0, s16, s15, $0x38;
	[tilespmem:$0x10400] =	vst v63  }
0x1fe: {  	s10 =	sand.u32 $0x1FFFFFF0, s23;
	s23 =	sadd.s32 s1, s6;
	s22 =	spop (v2sf)  }
0x1ff: {  	(v2sf) =	vpush v0, $0xF;
	[tilespmem:s26], [sflag:$0x2] =	stream.linear.gather [hbm4b:s21+s2], $0x20, $0x38;
	[tilespmem:$0x10400] =	vst v63  }
0x200: {  	s9 =	sand.u32 $0x1FFFFFF0, s28;
	s6 =	spop (v2sf);
	s20 =	sadd.s32 $0xEA0, s0  }
0x201: {  	[tilespmem:s20], [sflag:$0x2] =	stream.strided.gather [hbm4b:s23+s15], $0x0, s16, s15, $0x38;
	[tilespmem:$0x10400] =	vst v63  }
0x202: {  	s28 =	sadd.s32 s4, s5;
	s7 =	sand.u32 $0x1FFFFFF0, s22;
	s26 =	spop (v2sf)  }
0x203: {  	(v2sf) =	vpush v1, $0xF;
	[tilespmem:s20], [sflag:$0x2] =	stream.linear.gather [hbm4b:s23+s2], $0x20, $0x38;
	[tilespmem:$0x10400] =	vst v63  }
0x204: {  	s22 =	sadd.s32 $0xF00, s0;
	s8 =	sand.u32 $0x1FFFFFF0, s31;
	s31 =	spop (v2sf)  }
0x205: {  	[tilespmem:s22], [sflag:$0x2] =	stream.strided.gather [hbm4b:s28+s15], $0x0, s16, s15, $0x38;
	[tilespmem:$0x10400] =	vst v63  }
0x206: {  	s21 =	sand.u32 $0x1FFFFFF0, s31  }
0x207: {  	[tilespmem:s22], [sflag:$0x2] =	stream.linear.gather [hbm4b:s28+s2], $0x20, $0x38;
	[tilespmem:$0x10400] =	vst v63  }
0x208: {  	s31 =	sadd.s32 s1, s18;
	s23 =	sadd.s32 $0xF20, s0;
	s20 =	spop (v2sf)  }
0x209: {  	[tilespmem:s23], [sflag:$0x2] =	stream.strided.gather [hbm4b:s31+s15], $0x0, s16, s15, $0x38;
	[tilespmem:$0x10400] =	vst v63  }
0x20a: {  	s5 =	sand.u32 $0x1FFFFFF0, s26;
	s19 =	spop (v2sf)  }
0x20b: {  	[tilespmem:s23], [sflag:$0x2] =	stream.linear.gather [hbm4b:s31+s2], $0x20, $0x38;
	[tilespmem:$0x10400] =	vst v63  }
0x20c: {  	s26 =	spop (v2sf);
	s22 =	sadd.s32 $0xF80, s0;
	s28 =	sadd.s32 s4, s13  }
0x20d: {  	[tilespmem:s22], [sflag:$0x2] =	stream.strided.gather [hbm4b:s28+s15], $0x0, s16, s15, $0x38;
	[tilespmem:$0x10400] =	vst v63  }
0x20e: {  	s18 =	sand.u32 $0x1FFFFFF0, s26;
	s26 =	spop (v2sf)  }
0x20f: {  	[tilespmem:s22], [sflag:$0x2] =	stream.linear.gather [hbm4b:s28+s2], $0x20, $0x38;
	[tilespmem:$0x10400] =	vst v63  }
0x210: {  	s13 =	sand.u32 $0x1FFFFFF0, s26;
	s26 =	sadd.s32 s1, s3;
	s31 =	sadd.s32 $0xFA0, s0  }
0x211: {  	[tilespmem:s31], [sflag:$0x2] =	stream.strided.gather [hbm4b:s26+s15], $0x0, s16, s15, $0x38;
	[tilespmem:$0x10400] =	vst v63  }
0x212: {  	s23 =	spop (v2sf)  }
0x213: {  	[tilespmem:s31], [sflag:$0x2] =	stream.linear.gather [hbm4b:s26+s2], $0x20, $0x38;
	[tilespmem:$0x10400] =	vst v63  }
0x214: {  	s17 =	sadd.s32 s4, s17;
	s3 =	sand.u32 $0x1FFFFFF0, s23;
	s23 =	sadd.s32 $0x1000, s0  }
0x215: {  	[tilespmem:s23], [sflag:$0x2] =	stream.strided.gather [hbm4b:s17+s15], $0x0, s16, s15, $0x38;
	[tilespmem:$0x10400] =	vst v63  }
0x216: {  	_ = 	snop  }
0x217: {  	[tilespmem:s23], [sflag:$0x2] =	stream.linear.gather [hbm4b:s17+s2], $0x20, $0x38;
	[tilespmem:$0x10400] =	vst v63  }
0x218: {  	s14 =	sadd.s32 s1, s14;
	s26 =	sadd.s32 $0x1020, s0  }
0x219: {  	[tilespmem:s26], [sflag:$0x2] =	stream.strided.gather [hbm4b:s14+s15], $0x0, s16, s15, $0x38;
	[tilespmem:$0x10400] =	vst v63  }
0x21a: {  	_ = 	snop  }
0x21b: {  	[tilespmem:s26], [sflag:$0x2] =	stream.linear.gather [hbm4b:s14+s2], $0x20, $0x38;
	[tilespmem:$0x10400] =	vst v63  }
0x21c: {  	s12 =	sadd.s32 s4, s12;
	s28 =	sadd.s32 $0x1080, s0  }
0x21d: {  	[tilespmem:s28], [sflag:$0x2] =	stream.strided.gather [hbm4b:s12+s15], $0x0, s16, s15, $0x38;
	[tilespmem:$0x10400] =	vst v63  }
0x21e: {  	_ = 	snop  }
0x21f: {  	[tilespmem:s28], [sflag:$0x2] =	stream.linear.gather [hbm4b:s12+s2], $0x20, $0x38;
	[tilespmem:$0x10400] =	vst v63  }
0x220: {  	s11 =	sadd.s32 s1, s11;
	s31 =	sadd.s32 $0x10A0, s0  }
0x221: {  	[tilespmem:s31], [sflag:$0x2] =	stream.strided.gather [hbm4b:s11+s15], $0x0, s16, s15, $0x38;
	[tilespmem:$0x10400] =	vst v63  }
0x222: {  	_ = 	snop  }
0x223: {  	[tilespmem:s31], [sflag:$0x2] =	stream.linear.gather [hbm4b:s11+s2], $0x20, $0x38;
	[tilespmem:$0x10400] =	vst v63  }
0x224: {  	s10 =	sadd.s32 s4, s10;
	s22 =	sadd.s32 $0x1100, s0  }
0x225: {  	[tilespmem:s22], [sflag:$0x2] =	stream.strided.gather [hbm4b:s10+s15], $0x0, s16, s15, $0x38;
	[tilespmem:$0x10400] =	vst v63  }
0x226: {  	_ = 	snop  }
0x227: {  	[tilespmem:s22], [sflag:$0x2] =	stream.linear.gather [hbm4b:s10+s2], $0x20, $0x38;
	[tilespmem:$0x10400] =	vst v63  }
0x228: {  	s9 =	sadd.s32 s1, s9;
	s23 =	sadd.s32 $0x1120, s0  }
0x229: {  	[tilespmem:s23], [sflag:$0x2] =	stream.strided.gather [hbm4b:s9+s15], $0x0, s16, s15, $0x38;
	[tilespmem:$0x10400] =	vst v63  }
0x22a: {  	_ = 	snop  }
0x22b: {  	[tilespmem:s23], [sflag:$0x2] =	stream.linear.gather [hbm4b:s9+s2], $0x20, $0x38;
	[tilespmem:$0x10400] =	vst v63  }
0x22c: {  	s8 =	sadd.s32 s4, s8;
	s26 =	sadd.s32 $0x1180, s0  }
0x22d: {  	[tilespmem:s26], [sflag:$0x2] =	stream.strided.gather [hbm4b:s8+s15], $0x0, s16, s15, $0x38;
	[tilespmem:$0x10400] =	vst v63  }
0x22e: {  	_ = 	snop  }
0x22f: {  	[tilespmem:s26], [sflag:$0x2] =	stream.linear.gather [hbm4b:s8+s2], $0x20, $0x38;
	[tilespmem:$0x10400] =	vst v63  }
0x230: {  	s7 =	sadd.s32 s1, s7;
	s28 =	sadd.s32 $0x11A0, s0  }
0x231: {  	[tilespmem:s28], [sflag:$0x2] =	stream.strided.gather [hbm4b:s7+s15], $0x0, s16, s15, $0x38;
	[tilespmem:$0x10400] =	vst v63  }
0x232: {  	s6 =	sand.u32 $0x1FFFFFF0, s6  }
0x233: {  	[tilespmem:s28], [sflag:$0x2] =	stream.linear.gather [hbm4b:s7+s2], $0x20, $0x38;
	[tilespmem:$0x10400] =	vst v63  }
0x234: {  	s6 =	sadd.s32 s4, s6;
	s31 =	sadd.s32 $0x1200, s0  }
0x235: {  	[tilespmem:s31], [sflag:$0x2] =	stream.strided.gather [hbm4b:s6+s15], $0x0, s16, s15, $0x38;
	[tilespmem:$0x10400] =	vst v63  }
0x236: {  	_ = 	snop  }
0x237: {  	[tilespmem:s31], [sflag:$0x2] =	stream.linear.gather [hbm4b:s6+s2], $0x20, $0x38;
	[tilespmem:$0x10400] =	vst v63  }
0x238: {  	s5 =	sadd.s32 s1, s5;
	s10 =	sadd.s32 $0x1220, s0  }
0x239: {  	[tilespmem:s10], [sflag:$0x2] =	stream.strided.gather [hbm4b:s5+s15], $0x0, s16, s15, $0x38;
	[tilespmem:$0x10400] =	vst v63  }
0x23a: {  	_ = 	snop  }
0x23b: {  	[tilespmem:s10], [sflag:$0x2] =	stream.linear.gather [hbm4b:s5+s2], $0x20, $0x38;
	[tilespmem:$0x10400] =	vst v63  }
0x23c: {  	s12 =	sadd.s32 s4, s21;
	s11 =	sadd.s32 $0x1280, s0  }
0x23d: {  	[tilespmem:s11], [sflag:$0x2] =	stream.strided.gather [hbm4b:s12+s15], $0x0, s16, s15, $0x38;
	[tilespmem:$0x10400] =	vst v63  }
0x23e: {  	s20 =	sand.u32 $0x1FFFFFF0, s20  }
0x23f: {  	[tilespmem:s11], [sflag:$0x2] =	stream.linear.gather [hbm4b:s12+s2], $0x20, $0x38;
	[tilespmem:$0x10400] =	vst v63  }
0x240: {  	s17 =	sadd.s32 s1, s20;
	s14 =	sadd.s32 $0x12A0, s0  }
0x241: {  	[tilespmem:s14], [sflag:$0x2] =	stream.strided.gather [hbm4b:s17+s15], $0x0, s16, s15, $0x38;
	[tilespmem:$0x10400] =	vst v63  }
0x242: {  	s20 =	sand.u32 $0x1FFFFFF0, s19  }
0x243: {  	[tilespmem:s14], [sflag:$0x2] =	stream.linear.gather [hbm4b:s17+s2], $0x20, $0x38;
	[tilespmem:$0x10400] =	vst v63  }
0x244: {  	s21 =	sadd.s32 $0x1300, s0;
	s6 =	sadd.s32 s4, s20  }
0x245: {  	[tilespmem:s21], [sflag:$0x2] =	stream.strided.gather [hbm4b:s6+s15], $0x0, s16, s15, $0x38;
	[tilespmem:$0x10400] =	vst v63  }
0x246: {  	s24 =	sadd.s32 $0x4000, s24  }
0x247: {  	[tilespmem:s21], [sflag:$0x2] =	stream.linear.gather [hbm4b:s6+s2], $0x20, $0x38;
	[tilespmem:$0x10400] =	vst v63  }
0x248: {  	p0 =	sne.s32 s24, $0x40000;
	s22 =	sadd.s32 $0x1320, s0;
	s23 =	sadd.s32 s1, s18  }
0x249: {  	[tilespmem:s22], [sflag:$0x2] =	stream.strided.gather [hbm4b:s23+s15], $0x0, s16, s15, $0x38;
	[tilespmem:$0x10400] =	vst v63  }
0x24a: {  	p1 =	slt.u32 s30, $0x4;
	s30 =	sadd.s32 $0x1, s30;
	s25 =	sadd.s32 $0x20, s25  }
0x24b: {  	[tilespmem:s22], [sflag:$0x2] =	stream.linear.gather [hbm4b:s23+s2], $0x20, $0x38;
	[tilespmem:$0x10400] =	vst v63  }
0x24c: {  	s26 =	sadd.s32 $0x1380, s0;
	s28 =	sadd.s32 s4, s13;
	s7 =	rddreg [dreg:$0x6]  }
0x24d: {  	[tilespmem:s26], [sflag:$0x2] =	stream.strided.gather [hbm4b:s28+s15], $0x0, s16, s15, $0x38;
	[tilespmem:$0x10400] =	vst v63  }
.Ltmp0:
0x24e: {  	s29 =	sadd.s32 $0x20, s29;
	s31 =	rddreg [dreg:$0x5];
	(pc) =	sbr.rel @p0 .LBB2_2-.Ltmp0, $4  }
0x24f: {  	s3 =	sadd.s32 s1, s3;
	s0 =	sadd.s32 $0x13A0, s0;
	s6 =	rddreg [dreg:$0x7]  }
0x250: {  	[tilespmem:s26], [sflag:$0x2] =	stream.linear.gather [hbm4b:s28+s2], $0x20, $0x38;
	[tilespmem:$0x10400] =	vst v63  }
0x251: {  	s8 =	sadd.s32 $0x200, s31;
	s5 =	simm.s32 @!p1 $0x2;
	s6 =	sshra.s32 @!p1 s6, $0x2  }
0x252: {  	[tilespmem:s0], [sflag:$0x2] =	stream.strided.gather [hbm4b:s3+s15], $0x0, s16, s15, $0x38;
	[tilespmem:$0x10400] =	vst v63  }
0x253: {  	[tilespmem:s0], [sflag:$0x2] =	stream.linear.gather [hbm4b:s3+s2], $0x20, $0x38;
	[tilespmem:$0x10400] =	vst v63  }
0x254: {  	_ =	swait.ge @!p1 [sflag:s5], $0x800  }
0x255: {  	s0 =	sadd.s32 @!p1 $0xFFFFC400, s6;
	[sflag:s5] =	ssyncset.done @!p1 $0x0  }
0x256: {  	s3 =	simm.s32 @!p1 $0x0;
	s19 =	simm.s32 $0x2;
	[sflag:s5] =	ssyncadd.s32 @!p1 $0xFFFFF800  }
0x257: {  	[hbm4b:s7+s3] =	stream.linear.scatter @!p1 [tilespmem:s0], [sflag:$0x3], $0x1000, $0x38;
	[tilespmem:$0x10400] =	vst v63  }
0x258: {  	_ =	swait.ge [sflag:s19], $0x800  }
0x259: {  	[sflag:s19] =	ssyncset.done $0x0  }
0x25a: {  	s21 =	simm.s32 $0xC400;
	s20 =	rddreg [dreg:$0xa];
	[sflag:s19] =	ssyncadd.s32 $0xFFFFF800  }
0x25b: {  	[hbm4b:s20+s2] =	stream.linear.scatter [tilespmem:s21], [sflag:$0x3], $0x1000, $0x38;
	[tilespmem:$0x10400] =	vst v63  }
0x25c: {  	_ =	swait.ge [sflag:s19], $0x800  }
0x25d: {  	[sflag:s19] =	ssyncset.done $0x0  }
0x25e: {  	s23 =	simm.s32 $0xD400;
	s22 =	rddreg [dreg:$0xb];
	[sflag:s19] =	ssyncadd.s32 $0xFFFFF800  }
0x25f: {  	[hbm4b:s22+s2] =	stream.linear.scatter [tilespmem:s23], [sflag:$0x3], $0x1000, $0x38;
	[tilespmem:$0x10400] =	vst v63  }
0x260: {  	_ =	swait.ge [sflag:s19], $0x800  }
0x261: {  	[sflag:s19] =	ssyncset.done $0x0  }
0x262: {  	s25 =	simm.s32 $0xE400;
	s24 =	rddreg [dreg:$0xc];
	[sflag:s19] =	ssyncadd.s32 $0xFFFFF800  }
0x263: {  	[hbm4b:s24+s2] =	stream.linear.scatter [tilespmem:s25], [sflag:$0x3], $0x1000, $0x38;
	[tilespmem:$0x10400] =	vst v63  }
0x264: {  	_ =	swait.ge [sflag:s19], $0x800  }
0x265: {  	s28 =	simm.s32 $0xF400;
	[sflag:s19] =	ssyncset.done $0x0  }
0x266: {  	s29 =	simm.s32 $0x3;
	s26 =	rddreg [dreg:$0xd];
	[sflag:s19] =	ssyncadd.s32 $0xFFFFF800  }
0x267: {  	[hbm4b:s26+s2] =	stream.linear.scatter [tilespmem:s28], [sflag:$0x3], $0x1000, $0x38;
	[tilespmem:$0x10400] =	vst v63  }
0x268: {  	_ =	swait.ge [sflag:s29], $0x1000  }
0x269: {  	[sflag:s29] =	ssyncset.done $0x0  }
0x26a: {  	[sflag:s29] =	ssyncadd.s32 $0xFFFFF000  }
0x26b: {  	_ =	swait.ge [sflag:s29], $0x1000  }
0x26c: {  	[sflag:s29] =	ssyncset.done $0x0  }
0x26d: {  	[sflag:s29] =	ssyncadd.s32 $0xFFFFF000  }
0x26e: {  	_ =	swait.ge [sflag:s29], $0x1000  }
0x26f: {  	[sflag:s29] =	ssyncset.done $0x0  }
0x270: {  	[sflag:s29] =	ssyncadd.s32 $0xFFFFF000  }
0x271: {  	_ =	swait.ge [sflag:s29], $0x1000  }
0x272: {  	[sflag:s29] =	ssyncset.done $0x0  }
0x273: {  	[sflag:s29] =	ssyncadd.s32 $0xFFFFF000  }
0x274: {  	_ =	swait.ge [sflag:s29], $0x1000  }
0x275: {  	[sflag:s29] =	ssyncset.done $0x0  }
0x276: {  	[sflag:s29] =	ssyncadd.s32 $0xFFFFF000  }
0x277: {  	_ =	swait.ge [sflag:s29], $0x1000  }
0x278: {  	[sflag:s29] =	ssyncset.done $0x0  }
0x279: {  	[sflag:s29] =	ssyncadd.s32 $0xFFFFF000  }
0x27a: {  	_ =	swait.ge [sflag:s29], $0x1000  }
0x27b: {  	[sflag:s29] =	ssyncset.done $0x0  }
0x27c: {  	[sflag:s29] =	ssyncadd.s32 $0xFFFFF000  }
0x27d: {  	_ =	swait.ge [sflag:s29], $0x1000  }
0x27e: {  	[sflag:s29] =	ssyncset.done $0x0  }
0x27f: {  	[sflag:s29] =	ssyncadd.s32 $0xFFFFF000  }
0x280: {  	_ =	swait.ge [sflag:s29], $0x1000  }
0x281: {  	[sflag:s29] =	ssyncset.done $0x0  }
0x282: {  	[sflag:s29] =	ssyncadd.s32 $0xFFFFF000  }
0x283: {  	_ =	swait.ge [sflag:s29], $0x1000  }
0x284: {  	[sflag:s29] =	ssyncset.done $0x0  }
0x285: {  	[sflag:s29] =	ssyncadd.s32 $0xFFFFF000  }
0x286: {  	_ =	swait.ge [sflag:s29], $0x1000  }
0x287: {  	[sflag:s29] =	ssyncset.done $0x0  }
0x288: {  	[sflag:s29] =	ssyncadd.s32 $0xFFFFF000  }
0x289: {  	_ =	swait.ge [sflag:s29], $0x1000  }
0x28a: {  	[sflag:s29] =	ssyncset.done $0x0  }
0x28b: {  	[sflag:s29] =	ssyncadd.s32 $0xFFFFF000  }
0x28c: {  	_ =	swait.ge [sflag:s29], $0x1000  }
0x28d: {  	[sflag:s29] =	ssyncset.done $0x0  }
0x28e: {  	[sflag:s29] =	ssyncadd.s32 $0xFFFFF000  }
0x28f: {  	_ =	swait.ge [sflag:s29], $0x1000  }
0x290: {  	[sflag:s29] =	ssyncset.done $0x0  }
0x291: {  	[sflag:s29] =	ssyncadd.s32 $0xFFFFF000  }
0x292: {  	_ =	swait.ge [sflag:s29], $0x1000  }
0x293: {  	[sflag:s29] =	ssyncset.done $0x0  }
0x294: {  	[sflag:s29] =	ssyncadd.s32 $0xFFFFF000  }
0x295: {  	_ =	swait.ge [sflag:s29], $0x1000  }
0x296: {  	s30 =	rddreg [dreg:$0x10]  }
0x297: {  	s31 =	rddreg [dreg:$0xe];
	s5 =	sadd.s32 $0x1, s30  }
0x298: {  	p0 =	sne.s32 s5, s31  }
.Ltmp1:
0x299: {  	_ = 	snop;
	(pc) =	sbr.rel @p0 .LBB2_1-.Ltmp1, $3  }
0x29a: {  	_ =	sdelay $0x1  }
0x29b: {  	[sflag:s29] =	ssyncset.done $0x0  }
0x29c: {  	[sflag:s29] =	ssyncadd.s32 $0xFFFFF000  }
0x29d: {  	_ =	sfence.sel $0x180000  }
0x29e: {  	[bflag:$0x0] =	sbarrier.arrive $0xFFFF  }
0x29f: {  	_ =	strace $0x90000047  }
0x2a0: {  	s0 =	stileid.u32;
	[bflag:$0x2] =	sbarrier.arrive $0xFFFF  }
0x2a1: {  	p0 =	sne.s32 s0, $0x0;
	s0 =	rddreg [dreg:$0x4]  }
0x2a2: {  	s0 =	sadd.s32 @!p0 $0x100000, s0  }
0x2a3: {  	[sflag:s0] =	ssyncadd.tile.s32 @!p0 $0x1;
	_ =	shalt  }
.Lfunc_end2:
_tile_overlayer_lowered:
.L_overlay_start_2:
0x2a4: {  	(tag) =	ssettag $0x2  }
0x2a5: {  	s0 =	rddreg [dreg:$0x0];
	s2 =	stileid.u32  }
0x2a6: {  	s1 =	rddreg [dreg:$0x1];
	p0 =	sne.s32 s2, $0x0  }
0x2a7: {  	s3 =	rddreg [dreg:$0x2];
	[bflag:$0x3] =	sbarrier.arrive $0xFFFF;
	s2 =	simm.s32 @!p0 $0x1C04  }
0x2a8: {  	[timem:s3], [sflag:s2] =	dma.local @!p0 [hbm:s0], s1  }
0x2a9: {  	s0 =	simm.s32 @!p0 $0x4  }
0x2aa: {  	_ =	swait.ge @!p0 [sflag:s0], s1  }
0x2ab: {  	s1 =	ssub.s32 @!p0 $0x0, s1;
	[sflag:s0] =	ssyncset.done @!p0 $0x0  }
0x2ac: {  	[sflag:s0] =	ssyncadd.s32 @!p0 s1  }
0x2ad: {  	[bflag:$0x3] =	sbarrier.arrive $0xFFFF  }
0x2ae: {  	_ =	shalt  }

</sc_bundles>
